<compile_context>
chip_gen: v7x
topology: tpu7x:2x2x1
jax: 0.10.2.dev20260603
libtpu: 0.0.44.dev20260713+nightly
codegen_flags: <defaults>
</compile_context>

<pallas_src>
import jax
import jax.numpy as jnp
from jax import lax
from jax.experimental import pallas as pl
from jax.experimental.pallas import tpu as pltpu
from jax.experimental.pallas import tpu_sc as plsc

POS_T, NEG_T = 0.7, 0.3
N = 20000
G = 16
L = 16
NC, NS = 2, 16
NW = NC * NS
NPAD = 20480
PW = NPAD // NW
ITERS = PW // L

_mesh = plsc.VectorSubcoreMesh(
    core_axis_name="c", subcore_axis_name="s", num_cores=NC, num_subcores=NS
)


def _wid_base():
    wid = lax.axis_index("c") * NS + lax.axis_index("s")
    return wid, wid * PW


def _rot_tree(v, lanes, op):
    for k in (1, 2, 4, 8):
        idx = (lanes + k) & (L - 1)
        v = op(v, v.at[idx].get(mode="promise_in_bounds"))
    return v


def _pass1_body(anch_hbm, gtrep_hbm, gtt_hbm,
                pmax_hbm, msk_hbm, mbx_hbm,
                a_v, gtrep_v, gtt_v, area_v, iou_v, msk_v, mbx_v, pm_v,
                sem0, sem1, sem2):
    wid, base = _wid_base()
    c0 = pltpu.async_copy(anch_hbm.at[:, pl.ds(base, PW)], a_v, sem0)
    c1 = pltpu.async_copy(gtrep_hbm, gtrep_v, sem1)
    c2 = pltpu.async_copy(gtt_hbm, gtt_v, sem2)
    c1.wait()
    c2.wait()

    zero = jnp.zeros((L,), jnp.float32)
    lanes = lax.iota(jnp.int32, L)

    gmaxs = []
    for g0 in (0, 8):
        gts = []
        for g in range(g0, g0 + 8):
            gx1 = gtrep_v[0, g, :]
            gy1 = gtrep_v[1, g, :]
            gx2 = gtrep_v[2, g, :]
            gy2 = gtrep_v[3, g, :]
            gts.append((gx1, gy1, gx2, gy2, (gx2 - gx1) * (gy2 - gy1)))

        if g0 == 0:
            c0.wait()

        @plsc.parallel_loop(0, ITERS, 1, carry=tuple(zero for _ in range(8)))
        def _grp(i, gm, g0=g0, gts=gts):
            off = i * L
            ax1 = a_v[0, pl.ds(off, L)]
            ay1 = a_v[1, pl.ds(off, L)]
            ax2 = a_v[2, pl.ds(off, L)]
            ay2 = a_v[3, pl.ds(off, L)]
            if g0 == 0:
                aa = (ax2 - ax1) * (ay2 - ay1)
                area_v[pl.ds(off, L)] = aa
            else:
                aa = area_v[pl.ds(off, L)]
            out = []
            for k, (gx1, gy1, gx2, gy2, ag) in enumerate(gts):
                iw = jnp.maximum(jnp.minimum(ax2, gx2) - jnp.maximum(ax1, gx1), 0.0)
                ih = jnp.maximum(jnp.minimum(ay2, gy2) - jnp.maximum(ay1, gy1), 0.0)
                inter = iw * ih
                iou = inter / (ag + aa - inter)
                iou_v[g0 + k, pl.ds(off, L)] = iou
                out.append(jnp.maximum(gm[k], iou))
            return tuple(out)

        gmaxs.extend(_grp)

    gloc = [_rot_tree(gmaxs[g], lanes, jnp.maximum) for g in range(G)]

    gtc = [gtt_v[c, :] for c in range(4)]
    izero = jnp.zeros((L,), jnp.int32)

    @plsc.parallel_loop(0, ITERS, 1)
    def _loop2(i):
        off = i * L
        x = iou_v[0, pl.ds(off, L)]
        cmax = x
        carg = izero
        m = jnp.where(x == gloc[0], 1, 0)
        for g in range(1, G):
            x = iou_v[g, pl.ds(off, L)]
            m = m | jnp.where(x == gloc[g], 1 << g, 0)
            carg = jnp.where(x > cmax, g, carg)
            cmax = jnp.maximum(cmax, x)
        lab = jnp.where(cmax >= POS_T, 1, -1)
        lab = jnp.where(cmax < NEG_T, 0, lab)
        msk_v[pl.ds(off, L)] = m | ((lab + 1) << 16)
        idxc = jnp.where(cmax >= POS_T, carg, 0)
        for c in range(4):
            mbx_v[c, pl.ds(off, L)] = gtc[c].at[idxc].get(mode="promise_in_bounds")

    pv = zero
    for g in range(G):
        pv = jnp.where(lanes == g, gloc[g], pv)
    pm_v[:] = pv
    o0 = pltpu.async_copy(pm_v, pmax_hbm.at[wid], sem0)
    o1 = pltpu.async_copy(msk_v, msk_hbm.at[pl.ds(base, PW)], sem1)
    o3 = pltpu.async_copy(mbx_v, mbx_hbm.at[:, pl.ds(base, PW)], sem2)
    o1.wait()
    o0.wait()
    o3.wait()


def _patch_body(pmax_ref, msk_ref, lab_ref):
    pmax = pmax_ref[...]
    gmax = jnp.max(pmax, axis=0, keepdims=True)
    bits = (1 << lax.broadcasted_iota(jnp.int32, (NW, G), 1))
    wm = jnp.sum(jnp.where(pmax == gmax, bits, 0), axis=1, keepdims=True)
    packed = msk_ref[...]
    msk = packed & 0xFFFF
    l0 = (packed >> 16) - 1
    isgt = (msk & wm) != 0
    lab_ref[...] = jnp.where(isgt & (l0 == -1), 1, l0)


_pass1 = pl.kernel(
    _pass1_body,
    out_type=(
        jax.ShapeDtypeStruct((NW, G), jnp.float32),
        jax.ShapeDtypeStruct((NPAD,), jnp.int32),
        jax.ShapeDtypeStruct((4, NPAD), jnp.float32),
    ),
    mesh=_mesh,
    scratch_types=[
        pltpu.VMEM((4, PW), jnp.float32),
        pltpu.VMEM((4, G, L), jnp.float32),
        pltpu.VMEM((4, G), jnp.float32),
        pltpu.VMEM((PW,), jnp.float32),
        pltpu.VMEM((G, PW), jnp.float32),
        pltpu.VMEM((PW,), jnp.int32),
        pltpu.VMEM((4, PW), jnp.float32),
        pltpu.VMEM((L,), jnp.float32),
        pltpu.SemaphoreType.DMA,
        pltpu.SemaphoreType.DMA,
        pltpu.SemaphoreType.DMA,
    ],
)

_patch = pl.pallas_call(
    _patch_body,
    out_shape=jax.ShapeDtypeStruct((NW, PW), jnp.int32),
)


@jax.jit
def kernel(anchors, gt_boxes):
    aT = jnp.zeros((4, NPAD), jnp.float32).at[:, :N].set(anchors.T)
    gtT = gt_boxes.T.astype(jnp.float32)
    gtrep = jnp.broadcast_to(gtT[:, :, None], (4, G, L))
    pmax, msk, mbxt = _pass1(aT, gtrep, gtT)
    lab = _patch(pmax, msk.reshape(NW, PW))
    return lab.reshape(NPAD)[:N], mbxt[:, :N].T

# --- scband reference (transcript-rebuilt; emitter-appended) ---
"""Pipeline reference for scband-anchor-target-layer-49864570306631 (READ-ONLY COPY).

The authoritative reference and input builder live on the scoring server;
editing this copy changes nothing except your own understanding.
"""

import jax, jax.numpy as jnp
import numpy as np

IMG_W, IMG_H = 800.0, 800.0
POS_T, NEG_T = 0.7, 0.3


def box_iou(boxes1, boxes2):
    area1 = (boxes1[:, 2] - boxes1[:, 0]) * (boxes1[:, 3] - boxes1[:, 1])
    area2 = (boxes2[:, 2] - boxes2[:, 0]) * (boxes2[:, 3] - boxes2[:, 1])
    lt = jnp.maximum(boxes1[:, None, :2], boxes2[None, :, :2])
    rb = jnp.minimum(boxes1[:, None, 2:], boxes2[None, :, 2:])
    wh = jnp.clip(rb - lt, 0.0, None)
    inter = wh[..., 0] * wh[..., 1]
    return inter / (area1[:, None] + area2[None, :] - inter)


def setup_inputs(seed: int = 0) -> dict:
    key = jax.random.key(seed)
    k1, k2, k3, k4 = jax.random.split(key, 4)
    N, G = 20000, 16
    # anchors guaranteed inside the 800x800 image: x1,y1 in [0,400), w,h in [1,400]
    a_xy1 = jax.random.uniform(k1, (N, 2), dtype=jnp.float32) * 400.0
    a_wh = jax.random.uniform(k2, (N, 2), dtype=jnp.float32) * 399.0 + 1.0
    anchors = jnp.concatenate([a_xy1, a_xy1 + a_wh], axis=1)
    g_xy1 = jax.random.uniform(k3, (G, 2), dtype=jnp.float32) * 400.0
    g_wh = jax.random.uniform(k4, (G, 2), dtype=jnp.float32) * 399.0 + 1.0
    gt_boxes = jnp.concatenate([g_xy1, g_xy1 + g_wh], axis=1)
    return {"anchors": anchors, "gt_boxes": gt_boxes}


def reference(anchors, gt_boxes):
    # 1. keep anchors fully inside the image
    inside_mask = (anchors[:, 0] >= 0) & (anchors[:, 1] >= 0) & (anchors[:, 2] <= IMG_W) & (anchors[:, 3] <= IMG_H)
    inside_idx = jnp.nonzero(inside_mask, size=anchors.shape[0], fill_value=0)[0]
    a = anchors[inside_idx]
    # 2. IoU between gt boxes and inside anchors: [G, N_in]
    ious = box_iou(gt_boxes, a)
    gt_max_ious = ious.max(axis=1)
    is_gt_argmax = (ious == gt_max_ious[:, None]).any(axis=0)
    max_ious = ious.max(axis=0)
    argmax_ious = jnp.argmax(ious, axis=0)
    below_thresh = max_ious < NEG_T
    between_thresh = (max_ious >= NEG_T) & (max_ious < POS_T)
    idx = jnp.where(below_thresh, -1, argmax_ious)
    idx = jnp.where(between_thresh, -2, idx)
    matched_gt_boxes = gt_boxes[jnp.clip(idx, 0, None)]
    n_in = anchors.shape[0]
    labels = jnp.full((n_in,), -1, dtype=jnp.int32)
    labels = jnp.where(is_gt_argmax, 1, labels)
    labels = jnp.where(max_ious >= POS_T, 1, labels)
    labels = jnp.where(max_ious < NEG_T, 0, labels)
    return (labels, matched_gt_boxes)

if __name__ == "__main__":
    import jax
    _d = setup_inputs()
    print(jax.jit(kernel)(*tuple(_d.values())))

</pallas_src>

<mosaic_0001>
#map = affine_map<(d0, d1) -> (0, 0)>
#map1 = affine_map<(d0, d1) -> (0, 0, 0)>
#map2 = affine_map<(d0, d1) -> (0)>
module attributes {stable_mosaic.version = 14 : i64} {
  func.func @_pass1_body(%arg0: i32, %arg1: i32, %arg2: memref<4x20480xf32, #tpu.memory_space<hbm>>, %arg3: memref<4x16x16xf32, #tpu.memory_space<hbm>>, %arg4: memref<4x16xf32, #tpu.memory_space<hbm>>, %arg5: memref<32x16xf32, #tpu.memory_space<hbm>>, %arg6: memref<20480xi32, #tpu.memory_space<hbm>>, %arg7: memref<4x20480xf32, #tpu.memory_space<hbm>>, %arg8: memref<4x640xf32, #tpu.memory_space<vmem>>, %arg9: memref<4x16x16xf32, #tpu.memory_space<vmem>>, %arg10: memref<4x16xf32, #tpu.memory_space<vmem>>, %arg11: memref<640xf32, #tpu.memory_space<vmem>>, %arg12: memref<16x640xf32, #tpu.memory_space<vmem>>, %arg13: memref<640xi32, #tpu.memory_space<vmem>>, %arg14: memref<4x640xf32, #tpu.memory_space<vmem>>, %arg15: memref<16xf32, #tpu.memory_space<vmem>>, %arg16: memref<!tpu.dma_semaphore, #tpu.memory_space<semaphore_mem>>, %arg17: memref<!tpu.dma_semaphore, #tpu.memory_space<semaphore_mem>>, %arg18: memref<!tpu.dma_semaphore, #tpu.memory_space<semaphore_mem>>) attributes {dimension_semantics = [#tpu.dimension_semantics<core_parallel>, #tpu.dimension_semantics<subcore_parallel>], iteration_bounds = array<i64: 2, 16>, scalar_prefetch = 0 : i64, scratch_operands = 11 : i64, tpu.core_type = #tpu.core_type<sc_vector_subcore>, window_params = [{transform_indices = #map}, {transform_indices = #map1}, {transform_indices = #map}, {transform_indices = #map}, {transform_indices = #map2}, {transform_indices = #map}]} {
    %mul3A = arith.constant 16 : i32
    %mul3A_0 = arith.muli %arg0, %mul3A : i32
    %add3A = arith.addi %mul3A_0, %arg1 : i32
    %mul3A_1 = arith.constant 640 : i32
    %mul3A_2 = arith.muli %add3A, %mul3A_1 : i32
    %dma_start3A = arith.constant 0 : i32
    %dma_start3A_3 = tpu.memref_slice %arg2[%dma_start3A, %mul3A_2] : memref<4x20480xf32, #tpu.memory_space<hbm>> -> memref<4x640xf32, #tpu.memory_space<hbm>>
    %dma_start3A_4 = arith.constant 0 : i32
    %dma_start3A_5 = tpu.memref_slice %arg2[%dma_start3A_4, %mul3A_2] : memref<4x20480xf32, #tpu.memory_space<hbm>> -> memref<4x640xf32, #tpu.memory_space<hbm>>
    tpu.enqueue_dma source(%dma_start3A_5 : memref<4x640xf32, #tpu.memory_space<hbm>>) target(%arg8 : memref<4x640xf32, #tpu.memory_space<vmem>>) target_semaphore(%arg16 : memref<!tpu.dma_semaphore, #tpu.memory_space<semaphore_mem>>)
    tpu.enqueue_dma source(%arg3 : memref<4x16x16xf32, #tpu.memory_space<hbm>>) target(%arg9 : memref<4x16x16xf32, #tpu.memory_space<vmem>>) target_semaphore(%arg17 : memref<!tpu.dma_semaphore, #tpu.memory_space<semaphore_mem>>)
    tpu.enqueue_dma source(%arg4 : memref<4x16xf32, #tpu.memory_space<hbm>>) target(%arg10 : memref<4x16xf32, #tpu.memory_space<vmem>>) target_semaphore(%arg18 : memref<!tpu.dma_semaphore, #tpu.memory_space<semaphore_mem>>)
    tpu.wait_dma2 semaphore(%arg17 : memref<!tpu.dma_semaphore, #tpu.memory_space<semaphore_mem>>) src(%arg3 : memref<4x16x16xf32, #tpu.memory_space<hbm>>) dst(%arg9 : memref<4x16x16xf32, #tpu.memory_space<vmem>>)
    tpu.wait_dma2 semaphore(%arg18 : memref<!tpu.dma_semaphore, #tpu.memory_space<semaphore_mem>>) src(%arg4 : memref<4x16xf32, #tpu.memory_space<hbm>>) dst(%arg10 : memref<4x16xf32, #tpu.memory_space<vmem>>)
    %broadcast_in_dim3A = arith.constant 0.000000e+00 : f32
    %broadcast_in_dim3A_6 = vector.broadcast %broadcast_in_dim3A : f32 to vector<16xf32>
    %iota3A = tpu.iota {dimensions = array<i32: 0>} : vector<16xi32>
    %get3A = arith.constant 0 : i32
    %get3A_7 = arith.constant 0 : i32
    %get3A_8 = arith.index_cast %get3A : i32 to index
    %get3A_9 = arith.index_cast %get3A_7 : i32 to index
    %get3A_10 = arith.constant 0 : index
    %get3A_11 = tpu.vector_load %arg9[%get3A_8, %get3A_9, %get3A_10] {strides = array<i32>} : memref<4x16x16xf32, #tpu.memory_space<vmem>>, vector<1x1x16xf32>,
    %get3A_12 = vector.shape_cast %get3A_11 : vector<1x1x16xf32> to vector<16xf32>
    %get3A_13 = arith.constant 1 : i32
    %get3A_14 = arith.constant 0 : i32
    %get3A_15 = arith.index_cast %get3A_13 : i32 to index
    %get3A_16 = arith.index_cast %get3A_14 : i32 to index
    %get3A_17 = arith.constant 0 : index
    %get3A_18 = tpu.vector_load %arg9[%get3A_15, %get3A_16, %get3A_17] {strides = array<i32>} : memref<4x16x16xf32, #tpu.memory_space<vmem>>, vector<1x1x16xf32>,
    %get3A_19 = vector.shape_cast %get3A_18 : vector<1x1x16xf32> to vector<16xf32>
    %get3A_20 = arith.constant 2 : i32
    %get3A_21 = arith.constant 0 : i32
    %get3A_22 = arith.index_cast %get3A_20 : i32 to index
    %get3A_23 = arith.index_cast %get3A_21 : i32 to index
    %get3A_24 = arith.constant 0 : index
    %get3A_25 = tpu.vector_load %arg9[%get3A_22, %get3A_23, %get3A_24] {strides = array<i32>} : memref<4x16x16xf32, #tpu.memory_space<vmem>>, vector<1x1x16xf32>,
    %get3A_26 = vector.shape_cast %get3A_25 : vector<1x1x16xf32> to vector<16xf32>
    %get3A_27 = arith.constant 3 : i32
    %get3A_28 = arith.constant 0 : i32
    %get3A_29 = arith.index_cast %get3A_27 : i32 to index
    %get3A_30 = arith.index_cast %get3A_28 : i32 to index
    %get3A_31 = arith.constant 0 : index
    %get3A_32 = tpu.vector_load %arg9[%get3A_29, %get3A_30, %get3A_31] {strides = array<i32>} : memref<4x16x16xf32, #tpu.memory_space<vmem>>, vector<1x1x16xf32>,
    %get3A_33 = vector.shape_cast %get3A_32 : vector<1x1x16xf32> to vector<16xf32>
    %sub3A = arith.subf %get3A_26, %get3A_12 : vector<16xf32>
    %sub3A_34 = arith.subf %get3A_33, %get3A_19 : vector<16xf32>
    %mul3A_35 = arith.mulf %sub3A, %sub3A_34 : vector<16xf32>
    %get3A_36 = arith.constant 0 : i32
    %get3A_37 = arith.constant 1 : i32
    %get3A_38 = arith.index_cast %get3A_36 : i32 to index
    %get3A_39 = arith.index_cast %get3A_37 : i32 to index
    %get3A_40 = arith.constant 0 : index
    %get3A_41 = tpu.vector_load %arg9[%get3A_38, %get3A_39, %get3A_40] {strides = array<i32>} : memref<4x16x16xf32, #tpu.memory_space<vmem>>, vector<1x1x16xf32>,
    %get3A_42 = vector.shape_cast %get3A_41 : vector<1x1x16xf32> to vector<16xf32>
    %get3A_43 = arith.constant 1 : i32
    %get3A_44 = arith.constant 1 : i32
    %get3A_45 = arith.index_cast %get3A_43 : i32 to index
    %get3A_46 = arith.index_cast %get3A_44 : i32 to index
    %get3A_47 = arith.constant 0 : index
    %get3A_48 = tpu.vector_load %arg9[%get3A_45, %get3A_46, %get3A_47] {strides = array<i32>} : memref<4x16x16xf32, #tpu.memory_space<vmem>>, vector<1x1x16xf32>,
    %get3A_49 = vector.shape_cast %get3A_48 : vector<1x1x16xf32> to vector<16xf32>
    %get3A_50 = arith.constant 2 : i32
    %get3A_51 = arith.constant 1 : i32
    %get3A_52 = arith.index_cast %get3A_50 : i32 to index
    %get3A_53 = arith.index_cast %get3A_51 : i32 to index
    %get3A_54 = arith.constant 0 : index
    %get3A_55 = tpu.vector_load %arg9[%get3A_52, %get3A_53, %get3A_54] {strides = array<i32>} : memref<4x16x16xf32, #tpu.memory_space<vmem>>, vector<1x1x16xf32>,
    %get3A_56 = vector.shape_cast %get3A_55 : vector<1x1x16xf32> to vector<16xf32>
    %get3A_57 = arith.constant 3 : i32
    %get3A_58 = arith.constant 1 : i32
    %get3A_59 = arith.index_cast %get3A_57 : i32 to index
    %get3A_60 = arith.index_cast %get3A_58 : i32 to index
    %get3A_61 = arith.constant 0 : index
    %get3A_62 = tpu.vector_load %arg9[%get3A_59, %get3A_60, %get3A_61] {strides = array<i32>} : memref<4x16x16xf32, #tpu.memory_space<vmem>>, vector<1x1x16xf32>,
    %get3A_63 = vector.shape_cast %get3A_62 : vector<1x1x16xf32> to vector<16xf32>
    %sub3A_64 = arith.subf %get3A_56, %get3A_42 : vector<16xf32>
    %sub3A_65 = arith.subf %get3A_63, %get3A_49 : vector<16xf32>
    %mul3A_66 = arith.mulf %sub3A_64, %sub3A_65 : vector<16xf32>
    %get3A_67 = arith.constant 0 : i32
    %get3A_68 = arith.constant 2 : i32
    %get3A_69 = arith.index_cast %get3A_67 : i32 to index
    %get3A_70 = arith.index_cast %get3A_68 : i32 to index
    %get3A_71 = arith.constant 0 : index
    %get3A_72 = tpu.vector_load %arg9[%get3A_69, %get3A_70, %get3A_71] {strides = array<i32>} : memref<4x16x16xf32, #tpu.memory_space<vmem>>, vector<1x1x16xf32>,
    %get3A_73 = vector.shape_cast %get3A_72 : vector<1x1x16xf32> to vector<16xf32>
    %get3A_74 = arith.constant 1 : i32
    %get3A_75 = arith.constant 2 : i32
    %get3A_76 = arith.index_cast %get3A_74 : i32 to index
    %get3A_77 = arith.index_cast %get3A_75 : i32 to index
    %get3A_78 = arith.constant 0 : index
    %get3A_79 = tpu.vector_load %arg9[%get3A_76, %get3A_77, %get3A_78] {strides = array<i32>} : memref<4x16x16xf32, #tpu.memory_space<vmem>>, vector<1x1x16xf32>,
    %get3A_80 = vector.shape_cast %get3A_79 : vector<1x1x16xf32> to vector<16xf32>
    %get3A_81 = arith.constant 2 : i32
    %get3A_82 = arith.constant 2 : i32
    %get3A_83 = arith.index_cast %get3A_81 : i32 to index
    %get3A_84 = arith.index_cast %get3A_82 : i32 to index
    %get3A_85 = arith.constant 0 : index
    %get3A_86 = tpu.vector_load %arg9[%get3A_83, %get3A_84, %get3A_85] {strides = array<i32>} : memref<4x16x16xf32, #tpu.memory_space<vmem>>, vector<1x1x16xf32>,
    %get3A_87 = vector.shape_cast %get3A_86 : vector<1x1x16xf32> to vector<16xf32>
    %get3A_88 = arith.constant 3 : i32
    %get3A_89 = arith.constant 2 : i32
    %get3A_90 = arith.index_cast %get3A_88 : i32 to index
    %get3A_91 = arith.index_cast %get3A_89 : i32 to index
    %get3A_92 = arith.constant 0 : index
    %get3A_93 = tpu.vector_load %arg9[%get3A_90, %get3A_91, %get3A_92] {strides = array<i32>} : memref<4x16x16xf32, #tpu.memory_space<vmem>>, vector<1x1x16xf32>,
    %get3A_94 = vector.shape_cast %get3A_93 : vector<1x1x16xf32> to vector<16xf32>
    %sub3A_95 = arith.subf %get3A_87, %get3A_73 : vector<16xf32>
    %sub3A_96 = arith.subf %get3A_94, %get3A_80 : vector<16xf32>
    %mul3A_97 = arith.mulf %sub3A_95, %sub3A_96 : vector<16xf32>
    %get3A_98 = arith.constant 0 : i32
    %get3A_99 = arith.constant 3 : i32
    %get3A_100 = arith.index_cast %get3A_98 : i32 to index
    %get3A_101 = arith.index_cast %get3A_99 : i32 to index
    %get3A_102 = arith.constant 0 : index
    %get3A_103 = tpu.vector_load %arg9[%get3A_100, %get3A_101, %get3A_102] {strides = array<i32>} : memref<4x16x16xf32, #tpu.memory_space<vmem>>, vector<1x1x16xf32>,
    %get3A_104 = vector.shape_cast %get3A_103 : vector<1x1x16xf32> to vector<16xf32>
    %get3A_105 = arith.constant 1 : i32
    %get3A_106 = arith.constant 3 : i32
    %get3A_107 = arith.index_cast %get3A_105 : i32 to index
    %get3A_108 = arith.index_cast %get3A_106 : i32 to index
    %get3A_109 = arith.constant 0 : index
    %get3A_110 = tpu.vector_load %arg9[%get3A_107, %get3A_108, %get3A_109] {strides = array<i32>} : memref<4x16x16xf32, #tpu.memory_space<vmem>>, vector<1x1x16xf32>,
    %get3A_111 = vector.shape_cast %get3A_110 : vector<1x1x16xf32> to vector<16xf32>
    %get3A_112 = arith.constant 2 : i32
    %get3A_113 = arith.constant 3 : i32
    %get3A_114 = arith.index_cast %get3A_112 : i32 to index
    %get3A_115 = arith.index_cast %get3A_113 : i32 to index
    %get3A_116 = arith.constant 0 : index
    %get3A_117 = tpu.vector_load %arg9[%get3A_114, %get3A_115, %get3A_116] {strides = array<i32>} : memref<4x16x16xf32, #tpu.memory_space<vmem>>, vector<1x1x16xf32>,
    %get3A_118 = vector.shape_cast %get3A_117 : vector<1x1x16xf32> to vector<16xf32>
    %get3A_119 = arith.constant 3 : i32
    %get3A_120 = arith.constant 3 : i32
    %get3A_121 = arith.index_cast %get3A_119 : i32 to index
    %get3A_122 = arith.index_cast %get3A_120 : i32 to index
    %get3A_123 = arith.constant 0 : index
    %get3A_124 = tpu.vector_load %arg9[%get3A_121, %get3A_122, %get3A_123] {strides = array<i32>} : memref<4x16x16xf32, #tpu.memory_space<vmem>>, vector<1x1x16xf32>,
    %get3A_125 = vector.shape_cast %get3A_124 : vector<1x1x16xf32> to vector<16xf32>
    %sub3A_126 = arith.subf %get3A_118, %get3A_104 : vector<16xf32>
    %sub3A_127 = arith.subf %get3A_125, %get3A_111 : vector<16xf32>
    %mul3A_128 = arith.mulf %sub3A_126, %sub3A_127 : vector<16xf32>
    %get3A_129 = arith.constant 0 : i32
    %get3A_130 = arith.constant 4 : i32
    %get3A_131 = arith.index_cast %get3A_129 : i32 to index
    %get3A_132 = arith.index_cast %get3A_130 : i32 to index
    %get3A_133 = arith.constant 0 : index
    %get3A_134 = tpu.vector_load %arg9[%get3A_131, %get3A_132, %get3A_133] {strides = array<i32>} : memref<4x16x16xf32, #tpu.memory_space<vmem>>, vector<1x1x16xf32>,
    %get3A_135 = vector.shape_cast %get3A_134 : vector<1x1x16xf32> to vector<16xf32>
    %get3A_136 = arith.constant 1 : i32
    %get3A_137 = arith.constant 4 : i32
    %get3A_138 = arith.index_cast %get3A_136 : i32 to index
    %get3A_139 = arith.index_cast %get3A_137 : i32 to index
    %get3A_140 = arith.constant 0 : index
    %get3A_141 = tpu.vector_load %arg9[%get3A_138, %get3A_139, %get3A_140] {strides = array<i32>} : memref<4x16x16xf32, #tpu.memory_space<vmem>>, vector<1x1x16xf32>,
    %get3A_142 = vector.shape_cast %get3A_141 : vector<1x1x16xf32> to vector<16xf32>
    %get3A_143 = arith.constant 2 : i32
    %get3A_144 = arith.constant 4 : i32
    %get3A_145 = arith.index_cast %get3A_143 : i32 to index
    %get3A_146 = arith.index_cast %get3A_144 : i32 to index
    %get3A_147 = arith.constant 0 : index
    %get3A_148 = tpu.vector_load %arg9[%get3A_145, %get3A_146, %get3A_147] {strides = array<i32>} : memref<4x16x16xf32, #tpu.memory_space<vmem>>, vector<1x1x16xf32>,
    %get3A_149 = vector.shape_cast %get3A_148 : vector<1x1x16xf32> to vector<16xf32>
    %get3A_150 = arith.constant 3 : i32
    %get3A_151 = arith.constant 4 : i32
    %get3A_152 = arith.index_cast %get3A_150 : i32 to index
    %get3A_153 = arith.index_cast %get3A_151 : i32 to index
    %get3A_154 = arith.constant 0 : index
    %get3A_155 = tpu.vector_load %arg9[%get3A_152, %get3A_153, %get3A_154] {strides = array<i32>} : memref<4x16x16xf32, #tpu.memory_space<vmem>>, vector<1x1x16xf32>,
    %get3A_156 = vector.shape_cast %get3A_155 : vector<1x1x16xf32> to vector<16xf32>
    %sub3A_157 = arith.subf %get3A_149, %get3A_135 : vector<16xf32>
    %sub3A_158 = arith.subf %get3A_156, %get3A_142 : vector<16xf32>
    %mul3A_159 = arith.mulf %sub3A_157, %sub3A_158 : vector<16xf32>
    %get3A_160 = arith.constant 0 : i32
    %get3A_161 = arith.constant 5 : i32
    %get3A_162 = arith.index_cast %get3A_160 : i32 to index
    %get3A_163 = arith.index_cast %get3A_161 : i32 to index
    %get3A_164 = arith.constant 0 : index
    %get3A_165 = tpu.vector_load %arg9[%get3A_162, %get3A_163, %get3A_164] {strides = array<i32>} : memref<4x16x16xf32, #tpu.memory_space<vmem>>, vector<1x1x16xf32>,
    %get3A_166 = vector.shape_cast %get3A_165 : vector<1x1x16xf32> to vector<16xf32>
    %get3A_167 = arith.constant 1 : i32
    %get3A_168 = arith.constant 5 : i32
    %get3A_169 = arith.index_cast %get3A_167 : i32 to index
    %get3A_170 = arith.index_cast %get3A_168 : i32 to index
    %get3A_171 = arith.constant 0 : index
    %get3A_172 = tpu.vector_load %arg9[%get3A_169, %get3A_170, %get3A_171] {strides = array<i32>} : memref<4x16x16xf32, #tpu.memory_space<vmem>>, vector<1x1x16xf32>,
    %get3A_173 = vector.shape_cast %get3A_172 : vector<1x1x16xf32> to vector<16xf32>
    %get3A_174 = arith.constant 2 : i32
    %get3A_175 = arith.constant 5 : i32
    %get3A_176 = arith.index_cast %get3A_174 : i32 to index
    %get3A_177 = arith.index_cast %get3A_175 : i32 to index
    %get3A_178 = arith.constant 0 : index
    %get3A_179 = tpu.vector_load %arg9[%get3A_176, %get3A_177, %get3A_178] {strides = array<i32>} : memref<4x16x16xf32, #tpu.memory_space<vmem>>, vector<1x1x16xf32>,
    %get3A_180 = vector.shape_cast %get3A_179 : vector<1x1x16xf32> to vector<16xf32>
    %get3A_181 = arith.constant 3 : i32
    %get3A_182 = arith.constant 5 : i32
    %get3A_183 = arith.index_cast %get3A_181 : i32 to index
    %get3A_184 = arith.index_cast %get3A_182 : i32 to index
    %get3A_185 = arith.constant 0 : index
    %get3A_186 = tpu.vector_load %arg9[%get3A_183, %get3A_184, %get3A_185] {strides = array<i32>} : memref<4x16x16xf32, #tpu.memory_space<vmem>>, vector<1x1x16xf32>,
    %get3A_187 = vector.shape_cast %get3A_186 : vector<1x1x16xf32> to vector<16xf32>
    %sub3A_188 = arith.subf %get3A_180, %get3A_166 : vector<16xf32>
    %sub3A_189 = arith.subf %get3A_187, %get3A_173 : vector<16xf32>
    %mul3A_190 = arith.mulf %sub3A_188, %sub3A_189 : vector<16xf32>
    %get3A_191 = arith.constant 0 : i32
    %get3A_192 = arith.constant 6 : i32
    %get3A_193 = arith.index_cast %get3A_191 : i32 to index
    %get3A_194 = arith.index_cast %get3A_192 : i32 to index
    %get3A_195 = arith.constant 0 : index
    %get3A_196 = tpu.vector_load %arg9[%get3A_193, %get3A_194, %get3A_195] {strides = array<i32>} : memref<4x16x16xf32, #tpu.memory_space<vmem>>, vector<1x1x16xf32>,
    %get3A_197 = vector.shape_cast %get3A_196 : vector<1x1x16xf32> to vector<16xf32>
    %get3A_198 = arith.constant 1 : i32
    %get3A_199 = arith.constant 6 : i32
    %get3A_200 = arith.index_cast %get3A_198 : i32 to index
    %get3A_201 = arith.index_cast %get3A_199 : i32 to index
    %get3A_202 = arith.constant 0 : index
    %get3A_203 = tpu.vector_load %arg9[%get3A_200, %get3A_201, %get3A_202] {strides = array<i32>} : memref<4x16x16xf32, #tpu.memory_space<vmem>>, vector<1x1x16xf32>,
    %get3A_204 = vector.shape_cast %get3A_203 : vector<1x1x16xf32> to vector<16xf32>
    %get3A_205 = arith.constant 2 : i32
    %get3A_206 = arith.constant 6 : i32
    %get3A_207 = arith.index_cast %get3A_205 : i32 to index
    %get3A_208 = arith.index_cast %get3A_206 : i32 to index
    %get3A_209 = arith.constant 0 : index
    %get3A_210 = tpu.vector_load %arg9[%get3A_207, %get3A_208, %get3A_209] {strides = array<i32>} : memref<4x16x16xf32, #tpu.memory_space<vmem>>, vector<1x1x16xf32>,
    %get3A_211 = vector.shape_cast %get3A_210 : vector<1x1x16xf32> to vector<16xf32>
    %get3A_212 = arith.constant 3 : i32
    %get3A_213 = arith.constant 6 : i32
    %get3A_214 = arith.index_cast %get3A_212 : i32 to index
    %get3A_215 = arith.index_cast %get3A_213 : i32 to index
    %get3A_216 = arith.constant 0 : index
    %get3A_217 = tpu.vector_load %arg9[%get3A_214, %get3A_215, %get3A_216] {strides = array<i32>} : memref<4x16x16xf32, #tpu.memory_space<vmem>>, vector<1x1x16xf32>,
    %get3A_218 = vector.shape_cast %get3A_217 : vector<1x1x16xf32> to vector<16xf32>
    %sub3A_219 = arith.subf %get3A_211, %get3A_197 : vector<16xf32>
    %sub3A_220 = arith.subf %get3A_218, %get3A_204 : vector<16xf32>
    %mul3A_221 = arith.mulf %sub3A_219, %sub3A_220 : vector<16xf32>
    %get3A_222 = arith.constant 0 : i32
    %get3A_223 = arith.constant 7 : i32
    %get3A_224 = arith.index_cast %get3A_222 : i32 to index
    %get3A_225 = arith.index_cast %get3A_223 : i32 to index
    %get3A_226 = arith.constant 0 : index
    %get3A_227 = tpu.vector_load %arg9[%get3A_224, %get3A_225, %get3A_226] {strides = array<i32>} : memref<4x16x16xf32, #tpu.memory_space<vmem>>, vector<1x1x16xf32>,
    %get3A_228 = vector.shape_cast %get3A_227 : vector<1x1x16xf32> to vector<16xf32>
    %get3A_229 = arith.constant 1 : i32
    %get3A_230 = arith.constant 7 : i32
    %get3A_231 = arith.index_cast %get3A_229 : i32 to index
    %get3A_232 = arith.index_cast %get3A_230 : i32 to index
    %get3A_233 = arith.constant 0 : index
    %get3A_234 = tpu.vector_load %arg9[%get3A_231, %get3A_232, %get3A_233] {strides = array<i32>} : memref<4x16x16xf32, #tpu.memory_space<vmem>>, vector<1x1x16xf32>,
    %get3A_235 = vector.shape_cast %get3A_234 : vector<1x1x16xf32> to vector<16xf32>
    %get3A_236 = arith.constant 2 : i32
    %get3A_237 = arith.constant 7 : i32
    %get3A_238 = arith.index_cast %get3A_236 : i32 to index
    %get3A_239 = arith.index_cast %get3A_237 : i32 to index
    %get3A_240 = arith.constant 0 : index
    %get3A_241 = tpu.vector_load %arg9[%get3A_238, %get3A_239, %get3A_240] {strides = array<i32>} : memref<4x16x16xf32, #tpu.memory_space<vmem>>, vector<1x1x16xf32>,
    %get3A_242 = vector.shape_cast %get3A_241 : vector<1x1x16xf32> to vector<16xf32>
    %get3A_243 = arith.constant 3 : i32
    %get3A_244 = arith.constant 7 : i32
    %get3A_245 = arith.index_cast %get3A_243 : i32 to index
    %get3A_246 = arith.index_cast %get3A_244 : i32 to index
    %get3A_247 = arith.constant 0 : index
    %get3A_248 = tpu.vector_load %arg9[%get3A_245, %get3A_246, %get3A_247] {strides = array<i32>} : memref<4x16x16xf32, #tpu.memory_space<vmem>>, vector<1x1x16xf32>,
    %get3A_249 = vector.shape_cast %get3A_248 : vector<1x1x16xf32> to vector<16xf32>
    %sub3A_250 = arith.subf %get3A_242, %get3A_228 : vector<16xf32>
    %sub3A_251 = arith.subf %get3A_249, %get3A_235 : vector<16xf32>
    %mul3A_252 = arith.mulf %sub3A_250, %sub3A_251 : vector<16xf32>
    %dma_wait3A = arith.constant 0 : i32
    %dma_wait3A_253 = tpu.memref_slice %arg2[%dma_wait3A, %mul3A_2] : memref<4x20480xf32, #tpu.memory_space<hbm>> -> memref<4x640xf32, #tpu.memory_space<hbm>>
    %dma_wait3A_254 = arith.constant 0 : i32
    %dma_wait3A_255 = tpu.memref_slice %arg2[%dma_wait3A_254, %mul3A_2] : memref<4x20480xf32, #tpu.memory_space<hbm>> -> memref<4x640xf32, #tpu.memory_space<hbm>>
    tpu.wait_dma2 semaphore(%arg16 : memref<!tpu.dma_semaphore, #tpu.memory_space<semaphore_mem>>) src(%dma_wait3A_255 : memref<4x640xf32, #tpu.memory_space<hbm>>) dst(%arg8 : memref<4x640xf32, #tpu.memory_space<vmem>>)
    %parallel_loop3A = arith.constant 0 : i32
    %parallel_loop3A_256 = arith.constant 40 : i32
    %parallel_loop3A_257 = arith.constant 1 : i32
    %parallel_loop3A_258:8 = scf.for %parallel_loop3A_1709 = %parallel_loop3A to %parallel_loop3A_256 step %parallel_loop3A_257 iter_args(%parallel_loop3A_1710 = %broadcast_in_dim3A_6, %parallel_loop3A_1711 = %broadcast_in_dim3A_6, %parallel_loop3A_1712 = %broadcast_in_dim3A_6, %parallel_loop3A_1713 = %broadcast_in_dim3A_6, %parallel_loop3A_1714 = %broadcast_in_dim3A_6, %parallel_loop3A_1715 = %broadcast_in_dim3A_6, %parallel_loop3A_1716 = %broadcast_in_dim3A_6, %parallel_loop3A_1717 = %broadcast_in_dim3A_6) -> (vector<16xf32>, vector<16xf32>, vector<16xf32>, vector<16xf32>, vector<16xf32>, vector<16xf32>, vector<16xf32>, vector<16xf32>)  : i32 {
      %parallel_loop3A_1718 = arith.constant 16 : i32
      %parallel_loop3A_1719 = arith.muli %parallel_loop3A_1709, %parallel_loop3A_1718 : i32
      %parallel_loop3A_1720 = arith.constant 0 : i32
      %parallel_loop3A_1721 = arith.index_cast %parallel_loop3A_1720 : i32 to index
      %parallel_loop3A_1722 = arith.index_cast %parallel_loop3A_1719 : i32 to index
      %parallel_loop3A_1723 = tpu.vector_load %arg8[%parallel_loop3A_1721, %parallel_loop3A_1722] {strides = array<i32>} : memref<4x640xf32, #tpu.memory_space<vmem>>, vector<1x16xf32>,
      %parallel_loop3A_1724 = vector.shape_cast %parallel_loop3A_1723 : vector<1x16xf32> to vector<16xf32>
      %parallel_loop3A_1725 = arith.constant 1 : i32
      %parallel_loop3A_1726 = arith.index_cast %parallel_loop3A_1725 : i32 to index
      %parallel_loop3A_1727 = arith.index_cast %parallel_loop3A_1719 : i32 to index
      %parallel_loop3A_1728 = tpu.vector_load %arg8[%parallel_loop3A_1726, %parallel_loop3A_1727] {strides = array<i32>} : memref<4x640xf32, #tpu.memory_space<vmem>>, vector<1x16xf32>,
      %parallel_loop3A_1729 = vector.shape_cast %parallel_loop3A_1728 : vector<1x16xf32> to vector<16xf32>
      %parallel_loop3A_1730 = arith.constant 2 : i32
      %parallel_loop3A_1731 = arith.index_cast %parallel_loop3A_1730 : i32 to index
      %parallel_loop3A_1732 = arith.index_cast %parallel_loop3A_1719 : i32 to index
      %parallel_loop3A_1733 = tpu.vector_load %arg8[%parallel_loop3A_1731, %parallel_loop3A_1732] {strides = array<i32>} : memref<4x640xf32, #tpu.memory_space<vmem>>, vector<1x16xf32>,
      %parallel_loop3A_1734 = vector.shape_cast %parallel_loop3A_1733 : vector<1x16xf32> to vector<16xf32>
      %parallel_loop3A_1735 = arith.constant 3 : i32
      %parallel_loop3A_1736 = arith.index_cast %parallel_loop3A_1735 : i32 to index
      %parallel_loop3A_1737 = arith.index_cast %parallel_loop3A_1719 : i32 to index
      %parallel_loop3A_1738 = tpu.vector_load %arg8[%parallel_loop3A_1736, %parallel_loop3A_1737] {strides = array<i32>} : memref<4x640xf32, #tpu.memory_space<vmem>>, vector<1x16xf32>,
      %parallel_loop3A_1739 = vector.shape_cast %parallel_loop3A_1738 : vector<1x16xf32> to vector<16xf32>
      %parallel_loop3A_1740 = arith.subf %parallel_loop3A_1734, %parallel_loop3A_1724 : vector<16xf32>
      %parallel_loop3A_1741 = arith.subf %parallel_loop3A_1739, %parallel_loop3A_1729 : vector<16xf32>
      %parallel_loop3A_1742 = arith.mulf %parallel_loop3A_1740, %parallel_loop3A_1741 : vector<16xf32>
      %parallel_loop3A_1743 = arith.index_cast %parallel_loop3A_1719 : i32 to index
      %parallel_loop3A_1744 = tpu.vector_load %arg11[%parallel_loop3A_1743] {strides = array<i32>} : memref<640xf32, #tpu.memory_space<vmem>>, vector<16xf32>,
      %parallel_loop3A_1745 = vector.shape_cast %parallel_loop3A_1744 : vector<16xf32> to vector<16xf32>
      %parallel_loop3A_1746 = vector.shape_cast %parallel_loop3A_1742 : vector<16xf32> to vector<16xf32>
      tpu.vector_store %arg11[%parallel_loop3A_1743], %parallel_loop3A_1746 {strides = array<i32>} : memref<640xf32, #tpu.memory_space<vmem>>, vector<16xf32>,
      %parallel_loop3A_1747 = arith.minimumf %parallel_loop3A_1734, %get3A_26 : vector<16xf32>
      %parallel_loop3A_1748 = arith.maximumf %parallel_loop3A_1724, %get3A_12 : vector<16xf32>
      %parallel_loop3A_1749 = arith.subf %parallel_loop3A_1747, %parallel_loop3A_1748 : vector<16xf32>
      %parallel_loop3A_1750 = arith.constant 0.000000e+00 : f32
      %parallel_loop3A_1751 = vector.broadcast %parallel_loop3A_1750 : f32 to vector<16xf32>
      %parallel_loop3A_1752 = arith.maximumf %parallel_loop3A_1749, %parallel_loop3A_1751 : vector<16xf32>
      %parallel_loop3A_1753 = arith.minimumf %parallel_loop3A_1739, %get3A_33 : vector<16xf32>
      %parallel_loop3A_1754 = arith.maximumf %parallel_loop3A_1729, %get3A_19 : vector<16xf32>
      %parallel_loop3A_1755 = arith.subf %parallel_loop3A_1753, %parallel_loop3A_1754 : vector<16xf32>
      %parallel_loop3A_1756 = arith.constant 0.000000e+00 : f32
      %parallel_loop3A_1757 = vector.broadcast %parallel_loop3A_1756 : f32 to vector<16xf32>
      %parallel_loop3A_1758 = arith.maximumf %parallel_loop3A_1755, %parallel_loop3A_1757 : vector<16xf32>
      %parallel_loop3A_1759 = arith.mulf %parallel_loop3A_1752, %parallel_loop3A_1758 : vector<16xf32>
      %parallel_loop3A_1760 = arith.addf %mul3A_35, %parallel_loop3A_1742 : vector<16xf32>
      %parallel_loop3A_1761 = arith.subf %parallel_loop3A_1760, %parallel_loop3A_1759 : vector<16xf32>
      %parallel_loop3A_1762 = arith.divf %parallel_loop3A_1759, %parallel_loop3A_1761 : vector<16xf32>
      %parallel_loop3A_1763 = arith.constant 0 : i32
      %parallel_loop3A_1764 = arith.index_cast %parallel_loop3A_1763 : i32 to index
      %parallel_loop3A_1765 = arith.index_cast %parallel_loop3A_1719 : i32 to index
      %parallel_loop3A_1766 = tpu.vector_load %arg12[%parallel_loop3A_1764, %parallel_loop3A_1765] {strides = array<i32>} : memref<16x640xf32, #tpu.memory_space<vmem>>, vector<1x16xf32>,
      %parallel_loop3A_1767 = vector.shape_cast %parallel_loop3A_1766 : vector<1x16xf32> to vector<16xf32>
      %parallel_loop3A_1768 = vector.shape_cast %parallel_loop3A_1762 : vector<16xf32> to vector<1x16xf32>
      tpu.vector_store %arg12[%parallel_loop3A_1764, %parallel_loop3A_1765], %parallel_loop3A_1768 {strides = array<i32>} : memref<16x640xf32, #tpu.memory_space<vmem>>, vector<1x16xf32>,
      %parallel_loop3A_1769 = arith.maximumf %parallel_loop3A_1710, %parallel_loop3A_1762 : vector<16xf32>
      %parallel_loop3A_1770 = arith.minimumf %parallel_loop3A_1734, %get3A_56 : vector<16xf32>
      %parallel_loop3A_1771 = arith.maximumf %parallel_loop3A_1724, %get3A_42 : vector<16xf32>
      %parallel_loop3A_1772 = arith.subf %parallel_loop3A_1770, %parallel_loop3A_1771 : vector<16xf32>
      %parallel_loop3A_1773 = arith.constant 0.000000e+00 : f32
      %parallel_loop3A_1774 = vector.broadcast %parallel_loop3A_1773 : f32 to vector<16xf32>
      %parallel_loop3A_1775 = arith.maximumf %parallel_loop3A_1772, %parallel_loop3A_1774 : vector<16xf32>
      %parallel_loop3A_1776 = arith.minimumf %parallel_loop3A_1739, %get3A_63 : vector<16xf32>
      %parallel_loop3A_1777 = arith.maximumf %parallel_loop3A_1729, %get3A_49 : vector<16xf32>
      %parallel_loop3A_1778 = arith.subf %parallel_loop3A_1776, %parallel_loop3A_1777 : vector<16xf32>
      %parallel_loop3A_1779 = arith.constant 0.000000e+00 : f32
      %parallel_loop3A_1780 = vector.broadcast %parallel_loop3A_1779 : f32 to vector<16xf32>
      %parallel_loop3A_1781 = arith.maximumf %parallel_loop3A_1778, %parallel_loop3A_1780 : vector<16xf32>
      %parallel_loop3A_1782 = arith.mulf %parallel_loop3A_1775, %parallel_loop3A_1781 : vector<16xf32>
      %parallel_loop3A_1783 = arith.addf %mul3A_66, %parallel_loop3A_1742 : vector<16xf32>
      %parallel_loop3A_1784 = arith.subf %parallel_loop3A_1783, %parallel_loop3A_1782 : vector<16xf32>
      %parallel_loop3A_1785 = arith.divf %parallel_loop3A_1782, %parallel_loop3A_1784 : vector<16xf32>
      %parallel_loop3A_1786 = arith.constant 1 : i32
      %parallel_loop3A_1787 = arith.index_cast %parallel_loop3A_1786 : i32 to index
      %parallel_loop3A_1788 = arith.index_cast %parallel_loop3A_1719 : i32 to index
      %parallel_loop3A_1789 = tpu.vector_load %arg12[%parallel_loop3A_1787, %parallel_loop3A_1788] {strides = array<i32>} : memref<16x640xf32, #tpu.memory_space<vmem>>, vector<1x16xf32>,
      %parallel_loop3A_1790 = vector.shape_cast %parallel_loop3A_1789 : vector<1x16xf32> to vector<16xf32>
      %parallel_loop3A_1791 = vector.shape_cast %parallel_loop3A_1785 : vector<16xf32> to vector<1x16xf32>
      tpu.vector_store %arg12[%parallel_loop3A_1787, %parallel_loop3A_1788], %parallel_loop3A_1791 {strides = array<i32>} : memref<16x640xf32, #tpu.memory_space<vmem>>, vector<1x16xf32>,
      %parallel_loop3A_1792 = arith.maximumf %parallel_loop3A_1711, %parallel_loop3A_1785 : vector<16xf32>
      %parallel_loop3A_1793 = arith.minimumf %parallel_loop3A_1734, %get3A_87 : vector<16xf32>
      %parallel_loop3A_1794 = arith.maximumf %parallel_loop3A_1724, %get3A_73 : vector<16xf32>
      %parallel_loop3A_1795 = arith.subf %parallel_loop3A_1793, %parallel_loop3A_1794 : vector<16xf32>
      %parallel_loop3A_1796 = arith.constant 0.000000e+00 : f32
      %parallel_loop3A_1797 = vector.broadcast %parallel_loop3A_1796 : f32 to vector<16xf32>
      %parallel_loop3A_1798 = arith.maximumf %parallel_loop3A_1795, %parallel_loop3A_1797 : vector<16xf32>
      %parallel_loop3A_1799 = arith.minimumf %parallel_loop3A_1739, %get3A_94 : vector<16xf32>
      %parallel_loop3A_1800 = arith.maximumf %parallel_loop3A_1729, %get3A_80 : vector<16xf32>
      %parallel_loop3A_1801 = arith.subf %parallel_loop3A_1799, %parallel_loop3A_1800 : vector<16xf32>
      %parallel_loop3A_1802 = arith.constant 0.000000e+00 : f32
      %parallel_loop3A_1803 = vector.broadcast %parallel_loop3A_1802 : f32 to vector<16xf32>
      %parallel_loop3A_1804 = arith.maximumf %parallel_loop3A_1801, %parallel_loop3A_1803 : vector<16xf32>
      %parallel_loop3A_1805 = arith.mulf %parallel_loop3A_1798, %parallel_loop3A_1804 : vector<16xf32>
      %parallel_loop3A_1806 = arith.addf %mul3A_97, %parallel_loop3A_1742 : vector<16xf32>
      %parallel_loop3A_1807 = arith.subf %parallel_loop3A_1806, %parallel_loop3A_1805 : vector<16xf32>
      %parallel_loop3A_1808 = arith.divf %parallel_loop3A_1805, %parallel_loop3A_1807 : vector<16xf32>
      %parallel_loop3A_1809 = arith.constant 2 : i32
      %parallel_loop3A_1810 = arith.index_cast %parallel_loop3A_1809 : i32 to index
      %parallel_loop3A_1811 = arith.index_cast %parallel_loop3A_1719 : i32 to index
      %parallel_loop3A_1812 = tpu.vector_load %arg12[%parallel_loop3A_1810, %parallel_loop3A_1811] {strides = array<i32>} : memref<16x640xf32, #tpu.memory_space<vmem>>, vector<1x16xf32>,
      %parallel_loop3A_1813 = vector.shape_cast %parallel_loop3A_1812 : vector<1x16xf32> to vector<16xf32>
      %parallel_loop3A_1814 = vector.shape_cast %parallel_loop3A_1808 : vector<16xf32> to vector<1x16xf32>
      tpu.vector_store %arg12[%parallel_loop3A_1810, %parallel_loop3A_1811], %parallel_loop3A_1814 {strides = array<i32>} : memref<16x640xf32, #tpu.memory_space<vmem>>, vector<1x16xf32>,
      %parallel_loop3A_1815 = arith.maximumf %parallel_loop3A_1712, %parallel_loop3A_1808 : vector<16xf32>
      %parallel_loop3A_1816 = arith.minimumf %parallel_loop3A_1734, %get3A_118 : vector<16xf32>
      %parallel_loop3A_1817 = arith.maximumf %parallel_loop3A_1724, %get3A_104 : vector<16xf32>
      %parallel_loop3A_1818 = arith.subf %parallel_loop3A_1816, %parallel_loop3A_1817 : vector<16xf32>
      %parallel_loop3A_1819 = arith.constant 0.000000e+00 : f32
      %parallel_loop3A_1820 = vector.broadcast %parallel_loop3A_1819 : f32 to vector<16xf32>
      %parallel_loop3A_1821 = arith.maximumf %parallel_loop3A_1818, %parallel_loop3A_1820 : vector<16xf32>
      %parallel_loop3A_1822 = arith.minimumf %parallel_loop3A_1739, %get3A_125 : vector<16xf32>
      %parallel_loop3A_1823 = arith.maximumf %parallel_loop3A_1729, %get3A_111 : vector<16xf32>
      %parallel_loop3A_1824 = arith.subf %parallel_loop3A_1822, %parallel_loop3A_1823 : vector<16xf32>
      %parallel_loop3A_1825 = arith.constant 0.000000e+00 : f32
      %parallel_loop3A_1826 = vector.broadcast %parallel_loop3A_1825 : f32 to vector<16xf32>
      %parallel_loop3A_1827 = arith.maximumf %parallel_loop3A_1824, %parallel_loop3A_1826 : vector<16xf32>
      %parallel_loop3A_1828 = arith.mulf %parallel_loop3A_1821, %parallel_loop3A_1827 : vector<16xf32>
      %parallel_loop3A_1829 = arith.addf %mul3A_128, %parallel_loop3A_1742 : vector<16xf32>
      %parallel_loop3A_1830 = arith.subf %parallel_loop3A_1829, %parallel_loop3A_1828 : vector<16xf32>
      %parallel_loop3A_1831 = arith.divf %parallel_loop3A_1828, %parallel_loop3A_1830 : vector<16xf32>
      %parallel_loop3A_1832 = arith.constant 3 : i32
      %parallel_loop3A_1833 = arith.index_cast %parallel_loop3A_1832 : i32 to index
      %parallel_loop3A_1834 = arith.index_cast %parallel_loop3A_1719 : i32 to index
      %parallel_loop3A_1835 = tpu.vector_load %arg12[%parallel_loop3A_1833, %parallel_loop3A_1834] {strides = array<i32>} : memref<16x640xf32, #tpu.memory_space<vmem>>, vector<1x16xf32>,
      %parallel_loop3A_1836 = vector.shape_cast %parallel_loop3A_1835 : vector<1x16xf32> to vector<16xf32>
      %parallel_loop3A_1837 = vector.shape_cast %parallel_loop3A_1831 : vector<16xf32> to vector<1x16xf32>
      tpu.vector_store %arg12[%parallel_loop3A_1833, %parallel_loop3A_1834], %parallel_loop3A_1837 {strides = array<i32>} : memref<16x640xf32, #tpu.memory_space<vmem>>, vector<1x16xf32>,
      %parallel_loop3A_1838 = arith.maximumf %parallel_loop3A_1713, %parallel_loop3A_1831 : vector<16xf32>
      %parallel_loop3A_1839 = arith.minimumf %parallel_loop3A_1734, %get3A_149 : vector<16xf32>
      %parallel_loop3A_1840 = arith.maximumf %parallel_loop3A_1724, %get3A_135 : vector<16xf32>
      %parallel_loop3A_1841 = arith.subf %parallel_loop3A_1839, %parallel_loop3A_1840 : vector<16xf32>
      %parallel_loop3A_1842 = arith.constant 0.000000e+00 : f32
      %parallel_loop3A_1843 = vector.broadcast %parallel_loop3A_1842 : f32 to vector<16xf32>
      %parallel_loop3A_1844 = arith.maximumf %parallel_loop3A_1841, %parallel_loop3A_1843 : vector<16xf32>
      %parallel_loop3A_1845 = arith.minimumf %parallel_loop3A_1739, %get3A_156 : vector<16xf32>
      %parallel_loop3A_1846 = arith.maximumf %parallel_loop3A_1729, %get3A_142 : vector<16xf32>
      %parallel_loop3A_1847 = arith.subf %parallel_loop3A_1845, %parallel_loop3A_1846 : vector<16xf32>
      %parallel_loop3A_1848 = arith.constant 0.000000e+00 : f32
      %parallel_loop3A_1849 = vector.broadcast %parallel_loop3A_1848 : f32 to vector<16xf32>
      %parallel_loop3A_1850 = arith.maximumf %parallel_loop3A_1847, %parallel_loop3A_1849 : vector<16xf32>
      %parallel_loop3A_1851 = arith.mulf %parallel_loop3A_1844, %parallel_loop3A_1850 : vector<16xf32>
      %parallel_loop3A_1852 = arith.addf %mul3A_159, %parallel_loop3A_1742 : vector<16xf32>
      %parallel_loop3A_1853 = arith.subf %parallel_loop3A_1852, %parallel_loop3A_1851 : vector<16xf32>
      %parallel_loop3A_1854 = arith.divf %parallel_loop3A_1851, %parallel_loop3A_1853 : vector<16xf32>
      %parallel_loop3A_1855 = arith.constant 4 : i32
      %parallel_loop3A_1856 = arith.index_cast %parallel_loop3A_1855 : i32 to index
      %parallel_loop3A_1857 = arith.index_cast %parallel_loop3A_1719 : i32 to index
      %parallel_loop3A_1858 = tpu.vector_load %arg12[%parallel_loop3A_1856, %parallel_loop3A_1857] {strides = array<i32>} : memref<16x640xf32, #tpu.memory_space<vmem>>, vector<1x16xf32>,
      %parallel_loop3A_1859 = vector.shape_cast %parallel_loop3A_1858 : vector<1x16xf32> to vector<16xf32>
      %parallel_loop3A_1860 = vector.shape_cast %parallel_loop3A_1854 : vector<16xf32> to vector<1x16xf32>
      tpu.vector_store %arg12[%parallel_loop3A_1856, %parallel_loop3A_1857], %parallel_loop3A_1860 {strides = array<i32>} : memref<16x640xf32, #tpu.memory_space<vmem>>, vector<1x16xf32>,
      %parallel_loop3A_1861 = arith.maximumf %parallel_loop3A_1714, %parallel_loop3A_1854 : vector<16xf32>
      %parallel_loop3A_1862 = arith.minimumf %parallel_loop3A_1734, %get3A_180 : vector<16xf32>
      %parallel_loop3A_1863 = arith.maximumf %parallel_loop3A_1724, %get3A_166 : vector<16xf32>
      %parallel_loop3A_1864 = arith.subf %parallel_loop3A_1862, %parallel_loop3A_1863 : vector<16xf32>
      %parallel_loop3A_1865 = arith.constant 0.000000e+00 : f32
      %parallel_loop3A_1866 = vector.broadcast %parallel_loop3A_1865 : f32 to vector<16xf32>
      %parallel_loop3A_1867 = arith.maximumf %parallel_loop3A_1864, %parallel_loop3A_1866 : vector<16xf32>
      %parallel_loop3A_1868 = arith.minimumf %parallel_loop3A_1739, %get3A_187 : vector<16xf32>
      %parallel_loop3A_1869 = arith.maximumf %parallel_loop3A_1729, %get3A_173 : vector<16xf32>
      %parallel_loop3A_1870 = arith.subf %parallel_loop3A_1868, %parallel_loop3A_1869 : vector<16xf32>
      %parallel_loop3A_1871 = arith.constant 0.000000e+00 : f32
      %parallel_loop3A_1872 = vector.broadcast %parallel_loop3A_1871 : f32 to vector<16xf32>
      %parallel_loop3A_1873 = arith.maximumf %parallel_loop3A_1870, %parallel_loop3A_1872 : vector<16xf32>
      %parallel_loop3A_1874 = arith.mulf %parallel_loop3A_1867, %parallel_loop3A_1873 : vector<16xf32>
      %parallel_loop3A_1875 = arith.addf %mul3A_190, %parallel_loop3A_1742 : vector<16xf32>
      %parallel_loop3A_1876 = arith.subf %parallel_loop3A_1875, %parallel_loop3A_1874 : vector<16xf32>
      %parallel_loop3A_1877 = arith.divf %parallel_loop3A_1874, %parallel_loop3A_1876 : vector<16xf32>
      %parallel_loop3A_1878 = arith.constant 5 : i32
      %parallel_loop3A_1879 = arith.index_cast %parallel_loop3A_1878 : i32 to index
      %parallel_loop3A_1880 = arith.index_cast %parallel_loop3A_1719 : i32 to index
      %parallel_loop3A_1881 = tpu.vector_load %arg12[%parallel_loop3A_1879, %parallel_loop3A_1880] {strides = array<i32>} : memref<16x640xf32, #tpu.memory_space<vmem>>, vector<1x16xf32>,
      %parallel_loop3A_1882 = vector.shape_cast %parallel_loop3A_1881 : vector<1x16xf32> to vector<16xf32>
      %parallel_loop3A_1883 = vector.shape_cast %parallel_loop3A_1877 : vector<16xf32> to vector<1x16xf32>
      tpu.vector_store %arg12[%parallel_loop3A_1879, %parallel_loop3A_1880], %parallel_loop3A_1883 {strides = array<i32>} : memref<16x640xf32, #tpu.memory_space<vmem>>, vector<1x16xf32>,
      %parallel_loop3A_1884 = arith.maximumf %parallel_loop3A_1715, %parallel_loop3A_1877 : vector<16xf32>
      %parallel_loop3A_1885 = arith.minimumf %parallel_loop3A_1734, %get3A_211 : vector<16xf32>
      %parallel_loop3A_1886 = arith.maximumf %parallel_loop3A_1724, %get3A_197 : vector<16xf32>
      %parallel_loop3A_1887 = arith.subf %parallel_loop3A_1885, %parallel_loop3A_1886 : vector<16xf32>
      %parallel_loop3A_1888 = arith.constant 0.000000e+00 : f32
      %parallel_loop3A_1889 = vector.broadcast %parallel_loop3A_1888 : f32 to vector<16xf32>
      %parallel_loop3A_1890 = arith.maximumf %parallel_loop3A_1887, %parallel_loop3A_1889 : vector<16xf32>
      %parallel_loop3A_1891 = arith.minimumf %parallel_loop3A_1739, %get3A_218 : vector<16xf32>
      %parallel_loop3A_1892 = arith.maximumf %parallel_loop3A_1729, %get3A_204 : vector<16xf32>
      %parallel_loop3A_1893 = arith.subf %parallel_loop3A_1891, %parallel_loop3A_1892 : vector<16xf32>
      %parallel_loop3A_1894 = arith.constant 0.000000e+00 : f32
      %parallel_loop3A_1895 = vector.broadcast %parallel_loop3A_1894 : f32 to vector<16xf32>
      %parallel_loop3A_1896 = arith.maximumf %parallel_loop3A_1893, %parallel_loop3A_1895 : vector<16xf32>
      %parallel_loop3A_1897 = arith.mulf %parallel_loop3A_1890, %parallel_loop3A_1896 : vector<16xf32>
      %parallel_loop3A_1898 = arith.addf %mul3A_221, %parallel_loop3A_1742 : vector<16xf32>
      %parallel_loop3A_1899 = arith.subf %parallel_loop3A_1898, %parallel_loop3A_1897 : vector<16xf32>
      %parallel_loop3A_1900 = arith.divf %parallel_loop3A_1897, %parallel_loop3A_1899 : vector<16xf32>
      %parallel_loop3A_1901 = arith.constant 6 : i32
      %parallel_loop3A_1902 = arith.index_cast %parallel_loop3A_1901 : i32 to index
      %parallel_loop3A_1903 = arith.index_cast %parallel_loop3A_1719 : i32 to index
      %parallel_loop3A_1904 = tpu.vector_load %arg12[%parallel_loop3A_1902, %parallel_loop3A_1903] {strides = array<i32>} : memref<16x640xf32, #tpu.memory_space<vmem>>, vector<1x16xf32>,
      %parallel_loop3A_1905 = vector.shape_cast %parallel_loop3A_1904 : vector<1x16xf32> to vector<16xf32>
      %parallel_loop3A_1906 = vector.shape_cast %parallel_loop3A_1900 : vector<16xf32> to vector<1x16xf32>
      tpu.vector_store %arg12[%parallel_loop3A_1902, %parallel_loop3A_1903], %parallel_loop3A_1906 {strides = array<i32>} : memref<16x640xf32, #tpu.memory_space<vmem>>, vector<1x16xf32>,
      %parallel_loop3A_1907 = arith.maximumf %parallel_loop3A_1716, %parallel_loop3A_1900 : vector<16xf32>
      %parallel_loop3A_1908 = arith.minimumf %parallel_loop3A_1734, %get3A_242 : vector<16xf32>
      %parallel_loop3A_1909 = arith.maximumf %parallel_loop3A_1724, %get3A_228 : vector<16xf32>
      %parallel_loop3A_1910 = arith.subf %parallel_loop3A_1908, %parallel_loop3A_1909 : vector<16xf32>
      %parallel_loop3A_1911 = arith.constant 0.000000e+00 : f32
      %parallel_loop3A_1912 = vector.broadcast %parallel_loop3A_1911 : f32 to vector<16xf32>
      %parallel_loop3A_1913 = arith.maximumf %parallel_loop3A_1910, %parallel_loop3A_1912 : vector<16xf32>
      %parallel_loop3A_1914 = arith.minimumf %parallel_loop3A_1739, %get3A_249 : vector<16xf32>
      %parallel_loop3A_1915 = arith.maximumf %parallel_loop3A_1729, %get3A_235 : vector<16xf32>
      %parallel_loop3A_1916 = arith.subf %parallel_loop3A_1914, %parallel_loop3A_1915 : vector<16xf32>
      %parallel_loop3A_1917 = arith.constant 0.000000e+00 : f32
      %parallel_loop3A_1918 = vector.broadcast %parallel_loop3A_1917 : f32 to vector<16xf32>
      %parallel_loop3A_1919 = arith.maximumf %parallel_loop3A_1916, %parallel_loop3A_1918 : vector<16xf32>
      %parallel_loop3A_1920 = arith.mulf %parallel_loop3A_1913, %parallel_loop3A_1919 : vector<16xf32>
      %parallel_loop3A_1921 = arith.addf %mul3A_252, %parallel_loop3A_1742 : vector<16xf32>
      %parallel_loop3A_1922 = arith.subf %parallel_loop3A_1921, %parallel_loop3A_1920 : vector<16xf32>
      %parallel_loop3A_1923 = arith.divf %parallel_loop3A_1920, %parallel_loop3A_1922 : vector<16xf32>
      %parallel_loop3A_1924 = arith.constant 7 : i32
      %parallel_loop3A_1925 = arith.index_cast %parallel_loop3A_1924 : i32 to index
      %parallel_loop3A_1926 = arith.index_cast %parallel_loop3A_1719 : i32 to index
      %parallel_loop3A_1927 = tpu.vector_load %arg12[%parallel_loop3A_1925, %parallel_loop3A_1926] {strides = array<i32>} : memref<16x640xf32, #tpu.memory_space<vmem>>, vector<1x16xf32>,
      %parallel_loop3A_1928 = vector.shape_cast %parallel_loop3A_1927 : vector<1x16xf32> to vector<16xf32>
      %parallel_loop3A_1929 = vector.shape_cast %parallel_loop3A_1923 : vector<16xf32> to vector<1x16xf32>
      tpu.vector_store %arg12[%parallel_loop3A_1925, %parallel_loop3A_1926], %parallel_loop3A_1929 {strides = array<i32>} : memref<16x640xf32, #tpu.memory_space<vmem>>, vector<1x16xf32>,
      %parallel_loop3A_1930 = arith.maximumf %parallel_loop3A_1717, %parallel_loop3A_1923 : vector<16xf32>
      scf.yield %parallel_loop3A_1769, %parallel_loop3A_1792, %parallel_loop3A_1815, %parallel_loop3A_1838, %parallel_loop3A_1861, %parallel_loop3A_1884, %parallel_loop3A_1907, %parallel_loop3A_1930 : vector<16xf32>, vector<16xf32>, vector<16xf32>, vector<16xf32>, vector<16xf32>, vector<16xf32>, vector<16xf32>, vector<16xf32>
    } {sc.loop_unroll_factor = 1 : i64, sc.parallel_access}
    %get3A_259 = arith.constant 0 : i32
    %get3A_260 = arith.constant 8 : i32
    %get3A_261 = arith.index_cast %get3A_259 : i32 to index
    %get3A_262 = arith.index_cast %get3A_260 : i32 to index
    %get3A_263 = arith.constant 0 : index
    %get3A_264 = tpu.vector_load %arg9[%get3A_261, %get3A_262, %get3A_263] {strides = array<i32>} : memref<4x16x16xf32, #tpu.memory_space<vmem>>, vector<1x1x16xf32>,
    %get3A_265 = vector.shape_cast %get3A_264 : vector<1x1x16xf32> to vector<16xf32>
    %get3A_266 = arith.constant 1 : i32
    %get3A_267 = arith.constant 8 : i32
    %get3A_268 = arith.index_cast %get3A_266 : i32 to index
    %get3A_269 = arith.index_cast %get3A_267 : i32 to index
    %get3A_270 = arith.constant 0 : index
    %get3A_271 = tpu.vector_load %arg9[%get3A_268, %get3A_269, %get3A_270] {strides = array<i32>} : memref<4x16x16xf32, #tpu.memory_space<vmem>>, vector<1x1x16xf32>,
    %get3A_272 = vector.shape_cast %get3A_271 : vector<1x1x16xf32> to vector<16xf32>
    %get3A_273 = arith.constant 2 : i32
    %get3A_274 = arith.constant 8 : i32
    %get3A_275 = arith.index_cast %get3A_273 : i32 to index
    %get3A_276 = arith.index_cast %get3A_274 : i32 to index
    %get3A_277 = arith.constant 0 : index
    %get3A_278 = tpu.vector_load %arg9[%get3A_275, %get3A_276, %get3A_277] {strides = array<i32>} : memref<4x16x16xf32, #tpu.memory_space<vmem>>, vector<1x1x16xf32>,
    %get3A_279 = vector.shape_cast %get3A_278 : vector<1x1x16xf32> to vector<16xf32>
    %get3A_280 = arith.constant 3 : i32
    %get3A_281 = arith.constant 8 : i32
    %get3A_282 = arith.index_cast %get3A_280 : i32 to index
    %get3A_283 = arith.index_cast %get3A_281 : i32 to index
    %get3A_284 = arith.constant 0 : index
    %get3A_285 = tpu.vector_load %arg9[%get3A_282, %get3A_283, %get3A_284] {strides = array<i32>} : memref<4x16x16xf32, #tpu.memory_space<vmem>>, vector<1x1x16xf32>,
    %get3A_286 = vector.shape_cast %get3A_285 : vector<1x1x16xf32> to vector<16xf32>
    %sub3A_287 = arith.subf %get3A_279, %get3A_265 : vector<16xf32>
    %sub3A_288 = arith.subf %get3A_286, %get3A_272 : vector<16xf32>
    %mul3A_289 = arith.mulf %sub3A_287, %sub3A_288 : vector<16xf32>
    %get3A_290 = arith.constant 0 : i32
    %get3A_291 = arith.constant 9 : i32
    %get3A_292 = arith.index_cast %get3A_290 : i32 to index
    %get3A_293 = arith.index_cast %get3A_291 : i32 to index
    %get3A_294 = arith.constant 0 : index
    %get3A_295 = tpu.vector_load %arg9[%get3A_292, %get3A_293, %get3A_294] {strides = array<i32>} : memref<4x16x16xf32, #tpu.memory_space<vmem>>, vector<1x1x16xf32>,
    %get3A_296 = vector.shape_cast %get3A_295 : vector<1x1x16xf32> to vector<16xf32>
    %get3A_297 = arith.constant 1 : i32
    %get3A_298 = arith.constant 9 : i32
    %get3A_299 = arith.index_cast %get3A_297 : i32 to index
    %get3A_300 = arith.index_cast %get3A_298 : i32 to index
    %get3A_301 = arith.constant 0 : index
    %get3A_302 = tpu.vector_load %arg9[%get3A_299, %get3A_300, %get3A_301] {strides = array<i32>} : memref<4x16x16xf32, #tpu.memory_space<vmem>>, vector<1x1x16xf32>,
    %get3A_303 = vector.shape_cast %get3A_302 : vector<1x1x16xf32> to vector<16xf32>
    %get3A_304 = arith.constant 2 : i32
    %get3A_305 = arith.constant 9 : i32
    %get3A_306 = arith.index_cast %get3A_304 : i32 to index
    %get3A_307 = arith.index_cast %get3A_305 : i32 to index
    %get3A_308 = arith.constant 0 : index
    %get3A_309 = tpu.vector_load %arg9[%get3A_306, %get3A_307, %get3A_308] {strides = array<i32>} : memref<4x16x16xf32, #tpu.memory_space<vmem>>, vector<1x1x16xf32>,
    %get3A_310 = vector.shape_cast %get3A_309 : vector<1x1x16xf32> to vector<16xf32>
    %get3A_311 = arith.constant 3 : i32
    %get3A_312 = arith.constant 9 : i32
    %get3A_313 = arith.index_cast %get3A_311 : i32 to index
    %get3A_314 = arith.index_cast %get3A_312 : i32 to index
    %get3A_315 = arith.constant 0 : index
    %get3A_316 = tpu.vector_load %arg9[%get3A_313, %get3A_314, %get3A_315] {strides = array<i32>} : memref<4x16x16xf32, #tpu.memory_space<vmem>>, vector<1x1x16xf32>,
    %get3A_317 = vector.shape_cast %get3A_316 : vector<1x1x16xf32> to vector<16xf32>
    %sub3A_318 = arith.subf %get3A_310, %get3A_296 : vector<16xf32>
    %sub3A_319 = arith.subf %get3A_317, %get3A_303 : vector<16xf32>
    %mul3A_320 = arith.mulf %sub3A_318, %sub3A_319 : vector<16xf32>
    %get3A_321 = arith.constant 0 : i32
    %get3A_322 = arith.constant 10 : i32
    %get3A_323 = arith.index_cast %get3A_321 : i32 to index
    %get3A_324 = arith.index_cast %get3A_322 : i32 to index
    %get3A_325 = arith.constant 0 : index
    %get3A_326 = tpu.vector_load %arg9[%get3A_323, %get3A_324, %get3A_325] {strides = array<i32>} : memref<4x16x16xf32, #tpu.memory_space<vmem>>, vector<1x1x16xf32>,
    %get3A_327 = vector.shape_cast %get3A_326 : vector<1x1x16xf32> to vector<16xf32>
    %get3A_328 = arith.constant 1 : i32
    %get3A_329 = arith.constant 10 : i32
    %get3A_330 = arith.index_cast %get3A_328 : i32 to index
    %get3A_331 = arith.index_cast %get3A_329 : i32 to index
    %get3A_332 = arith.constant 0 : index
    %get3A_333 = tpu.vector_load %arg9[%get3A_330, %get3A_331, %get3A_332] {strides = array<i32>} : memref<4x16x16xf32, #tpu.memory_space<vmem>>, vector<1x1x16xf32>,
    %get3A_334 = vector.shape_cast %get3A_333 : vector<1x1x16xf32> to vector<16xf32>
    %get3A_335 = arith.constant 2 : i32
    %get3A_336 = arith.constant 10 : i32
    %get3A_337 = arith.index_cast %get3A_335 : i32 to index
    %get3A_338 = arith.index_cast %get3A_336 : i32 to index
    %get3A_339 = arith.constant 0 : index
    %get3A_340 = tpu.vector_load %arg9[%get3A_337, %get3A_338, %get3A_339] {strides = array<i32>} : memref<4x16x16xf32, #tpu.memory_space<vmem>>, vector<1x1x16xf32>,
    %get3A_341 = vector.shape_cast %get3A_340 : vector<1x1x16xf32> to vector<16xf32>
    %get3A_342 = arith.constant 3 : i32
    %get3A_343 = arith.constant 10 : i32
    %get3A_344 = arith.index_cast %get3A_342 : i32 to index
    %get3A_345 = arith.index_cast %get3A_343 : i32 to index
    %get3A_346 = arith.constant 0 : index
    %get3A_347 = tpu.vector_load %arg9[%get3A_344, %get3A_345, %get3A_346] {strides = array<i32>} : memref<4x16x16xf32, #tpu.memory_space<vmem>>, vector<1x1x16xf32>,
    %get3A_348 = vector.shape_cast %get3A_347 : vector<1x1x16xf32> to vector<16xf32>
    %sub3A_349 = arith.subf %get3A_341, %get3A_327 : vector<16xf32>
    %sub3A_350 = arith.subf %get3A_348, %get3A_334 : vector<16xf32>
    %mul3A_351 = arith.mulf %sub3A_349, %sub3A_350 : vector<16xf32>
    %get3A_352 = arith.constant 0 : i32
    %get3A_353 = arith.constant 11 : i32
    %get3A_354 = arith.index_cast %get3A_352 : i32 to index
    %get3A_355 = arith.index_cast %get3A_353 : i32 to index
    %get3A_356 = arith.constant 0 : index
    %get3A_357 = tpu.vector_load %arg9[%get3A_354, %get3A_355, %get3A_356] {strides = array<i32>} : memref<4x16x16xf32, #tpu.memory_space<vmem>>, vector<1x1x16xf32>,
    %get3A_358 = vector.shape_cast %get3A_357 : vector<1x1x16xf32> to vector<16xf32>
    %get3A_359 = arith.constant 1 : i32
    %get3A_360 = arith.constant 11 : i32
    %get3A_361 = arith.index_cast %get3A_359 : i32 to index
    %get3A_362 = arith.index_cast %get3A_360 : i32 to index
    %get3A_363 = arith.constant 0 : index
    %get3A_364 = tpu.vector_load %arg9[%get3A_361, %get3A_362, %get3A_363] {strides = array<i32>} : memref<4x16x16xf32, #tpu.memory_space<vmem>>, vector<1x1x16xf32>,
    %get3A_365 = vector.shape_cast %get3A_364 : vector<1x1x16xf32> to vector<16xf32>
    %get3A_366 = arith.constant 2 : i32
    %get3A_367 = arith.constant 11 : i32
    %get3A_368 = arith.index_cast %get3A_366 : i32 to index
    %get3A_369 = arith.index_cast %get3A_367 : i32 to index
    %get3A_370 = arith.constant 0 : index
    %get3A_371 = tpu.vector_load %arg9[%get3A_368, %get3A_369, %get3A_370] {strides = array<i32>} : memref<4x16x16xf32, #tpu.memory_space<vmem>>, vector<1x1x16xf32>,
    %get3A_372 = vector.shape_cast %get3A_371 : vector<1x1x16xf32> to vector<16xf32>
    %get3A_373 = arith.constant 3 : i32
    %get3A_374 = arith.constant 11 : i32
    %get3A_375 = arith.index_cast %get3A_373 : i32 to index
    %get3A_376 = arith.index_cast %get3A_374 : i32 to index
    %get3A_377 = arith.constant 0 : index
    %get3A_378 = tpu.vector_load %arg9[%get3A_375, %get3A_376, %get3A_377] {strides = array<i32>} : memref<4x16x16xf32, #tpu.memory_space<vmem>>, vector<1x1x16xf32>,
    %get3A_379 = vector.shape_cast %get3A_378 : vector<1x1x16xf32> to vector<16xf32>
    %sub3A_380 = arith.subf %get3A_372, %get3A_358 : vector<16xf32>
    %sub3A_381 = arith.subf %get3A_379, %get3A_365 : vector<16xf32>
    %mul3A_382 = arith.mulf %sub3A_380, %sub3A_381 : vector<16xf32>
    %get3A_383 = arith.constant 0 : i32
    %get3A_384 = arith.constant 12 : i32
    %get3A_385 = arith.index_cast %get3A_383 : i32 to index
    %get3A_386 = arith.index_cast %get3A_384 : i32 to index
    %get3A_387 = arith.constant 0 : index
    %get3A_388 = tpu.vector_load %arg9[%get3A_385, %get3A_386, %get3A_387] {strides = array<i32>} : memref<4x16x16xf32, #tpu.memory_space<vmem>>, vector<1x1x16xf32>,
    %get3A_389 = vector.shape_cast %get3A_388 : vector<1x1x16xf32> to vector<16xf32>
    %get3A_390 = arith.constant 1 : i32
    %get3A_391 = arith.constant 12 : i32
    %get3A_392 = arith.index_cast %get3A_390 : i32 to index
    %get3A_393 = arith.index_cast %get3A_391 : i32 to index
    %get3A_394 = arith.constant 0 : index
    %get3A_395 = tpu.vector_load %arg9[%get3A_392, %get3A_393, %get3A_394] {strides = array<i32>} : memref<4x16x16xf32, #tpu.memory_space<vmem>>, vector<1x1x16xf32>,
    %get3A_396 = vector.shape_cast %get3A_395 : vector<1x1x16xf32> to vector<16xf32>
    %get3A_397 = arith.constant 2 : i32
    %get3A_398 = arith.constant 12 : i32
    %get3A_399 = arith.index_cast %get3A_397 : i32 to index
    %get3A_400 = arith.index_cast %get3A_398 : i32 to index
    %get3A_401 = arith.constant 0 : index
    %get3A_402 = tpu.vector_load %arg9[%get3A_399, %get3A_400, %get3A_401] {strides = array<i32>} : memref<4x16x16xf32, #tpu.memory_space<vmem>>, vector<1x1x16xf32>,
    %get3A_403 = vector.shape_cast %get3A_402 : vector<1x1x16xf32> to vector<16xf32>
    %get3A_404 = arith.constant 3 : i32
    %get3A_405 = arith.constant 12 : i32
    %get3A_406 = arith.index_cast %get3A_404 : i32 to index
    %get3A_407 = arith.index_cast %get3A_405 : i32 to index
    %get3A_408 = arith.constant 0 : index
    %get3A_409 = tpu.vector_load %arg9[%get3A_406, %get3A_407, %get3A_408] {strides = array<i32>} : memref<4x16x16xf32, #tpu.memory_space<vmem>>, vector<1x1x16xf32>,
    %get3A_410 = vector.shape_cast %get3A_409 : vector<1x1x16xf32> to vector<16xf32>
    %sub3A_411 = arith.subf %get3A_403, %get3A_389 : vector<16xf32>
    %sub3A_412 = arith.subf %get3A_410, %get3A_396 : vector<16xf32>
    %mul3A_413 = arith.mulf %sub3A_411, %sub3A_412 : vector<16xf32>
    %get3A_414 = arith.constant 0 : i32
    %get3A_415 = arith.constant 13 : i32
    %get3A_416 = arith.index_cast %get3A_414 : i32 to index
    %get3A_417 = arith.index_cast %get3A_415 : i32 to index
    %get3A_418 = arith.constant 0 : index
    %get3A_419 = tpu.vector_load %arg9[%get3A_416, %get3A_417, %get3A_418] {strides = array<i32>} : memref<4x16x16xf32, #tpu.memory_space<vmem>>, vector<1x1x16xf32>,
    %get3A_420 = vector.shape_cast %get3A_419 : vector<1x1x16xf32> to vector<16xf32>
    %get3A_421 = arith.constant 1 : i32
    %get3A_422 = arith.constant 13 : i32
    %get3A_423 = arith.index_cast %get3A_421 : i32 to index
    %get3A_424 = arith.index_cast %get3A_422 : i32 to index
    %get3A_425 = arith.constant 0 : index
    %get3A_426 = tpu.vector_load %arg9[%get3A_423, %get3A_424, %get3A_425] {strides = array<i32>} : memref<4x16x16xf32, #tpu.memory_space<vmem>>, vector<1x1x16xf32>,
    %get3A_427 = vector.shape_cast %get3A_426 : vector<1x1x16xf32> to vector<16xf32>
    %get3A_428 = arith.constant 2 : i32
    %get3A_429 = arith.constant 13 : i32
    %get3A_430 = arith.index_cast %get3A_428 : i32 to index
    %get3A_431 = arith.index_cast %get3A_429 : i32 to index
    %get3A_432 = arith.constant 0 : index
    %get3A_433 = tpu.vector_load %arg9[%get3A_430, %get3A_431, %get3A_432] {strides = array<i32>} : memref<4x16x16xf32, #tpu.memory_space<vmem>>, vector<1x1x16xf32>,
    %get3A_434 = vector.shape_cast %get3A_433 : vector<1x1x16xf32> to vector<16xf32>
    %get3A_435 = arith.constant 3 : i32
    %get3A_436 = arith.constant 13 : i32
    %get3A_437 = arith.index_cast %get3A_435 : i32 to index
    %get3A_438 = arith.index_cast %get3A_436 : i32 to index
    %get3A_439 = arith.constant 0 : index
    %get3A_440 = tpu.vector_load %arg9[%get3A_437, %get3A_438, %get3A_439] {strides = array<i32>} : memref<4x16x16xf32, #tpu.memory_space<vmem>>, vector<1x1x16xf32>,
    %get3A_441 = vector.shape_cast %get3A_440 : vector<1x1x16xf32> to vector<16xf32>
    %sub3A_442 = arith.subf %get3A_434, %get3A_420 : vector<16xf32>
    %sub3A_443 = arith.subf %get3A_441, %get3A_427 : vector<16xf32>
    %mul3A_444 = arith.mulf %sub3A_442, %sub3A_443 : vector<16xf32>
    %get3A_445 = arith.constant 0 : i32
    %get3A_446 = arith.constant 14 : i32
    %get3A_447 = arith.index_cast %get3A_445 : i32 to index
    %get3A_448 = arith.index_cast %get3A_446 : i32 to index
    %get3A_449 = arith.constant 0 : index
    %get3A_450 = tpu.vector_load %arg9[%get3A_447, %get3A_448, %get3A_449] {strides = array<i32>} : memref<4x16x16xf32, #tpu.memory_space<vmem>>, vector<1x1x16xf32>,
    %get3A_451 = vector.shape_cast %get3A_450 : vector<1x1x16xf32> to vector<16xf32>
    %get3A_452 = arith.constant 1 : i32
    %get3A_453 = arith.constant 14 : i32
    %get3A_454 = arith.index_cast %get3A_452 : i32 to index
    %get3A_455 = arith.index_cast %get3A_453 : i32 to index
    %get3A_456 = arith.constant 0 : index
    %get3A_457 = tpu.vector_load %arg9[%get3A_454, %get3A_455, %get3A_456] {strides = array<i32>} : memref<4x16x16xf32, #tpu.memory_space<vmem>>, vector<1x1x16xf32>,
    %get3A_458 = vector.shape_cast %get3A_457 : vector<1x1x16xf32> to vector<16xf32>
    %get3A_459 = arith.constant 2 : i32
    %get3A_460 = arith.constant 14 : i32
    %get3A_461 = arith.index_cast %get3A_459 : i32 to index
    %get3A_462 = arith.index_cast %get3A_460 : i32 to index
    %get3A_463 = arith.constant 0 : index
    %get3A_464 = tpu.vector_load %arg9[%get3A_461, %get3A_462, %get3A_463] {strides = array<i32>} : memref<4x16x16xf32, #tpu.memory_space<vmem>>, vector<1x1x16xf32>,
    %get3A_465 = vector.shape_cast %get3A_464 : vector<1x1x16xf32> to vector<16xf32>
    %get3A_466 = arith.constant 3 : i32
    %get3A_467 = arith.constant 14 : i32
    %get3A_468 = arith.index_cast %get3A_466 : i32 to index
    %get3A_469 = arith.index_cast %get3A_467 : i32 to index
    %get3A_470 = arith.constant 0 : index
    %get3A_471 = tpu.vector_load %arg9[%get3A_468, %get3A_469, %get3A_470] {strides = array<i32>} : memref<4x16x16xf32, #tpu.memory_space<vmem>>, vector<1x1x16xf32>,
    %get3A_472 = vector.shape_cast %get3A_471 : vector<1x1x16xf32> to vector<16xf32>
    %sub3A_473 = arith.subf %get3A_465, %get3A_451 : vector<16xf32>
    %sub3A_474 = arith.subf %get3A_472, %get3A_458 : vector<16xf32>
    %mul3A_475 = arith.mulf %sub3A_473, %sub3A_474 : vector<16xf32>
    %get3A_476 = arith.constant 0 : i32
    %get3A_477 = arith.constant 15 : i32
    %get3A_478 = arith.index_cast %get3A_476 : i32 to index
    %get3A_479 = arith.index_cast %get3A_477 : i32 to index
    %get3A_480 = arith.constant 0 : index
    %get3A_481 = tpu.vector_load %arg9[%get3A_478, %get3A_479, %get3A_480] {strides = array<i32>} : memref<4x16x16xf32, #tpu.memory_space<vmem>>, vector<1x1x16xf32>,
    %get3A_482 = vector.shape_cast %get3A_481 : vector<1x1x16xf32> to vector<16xf32>
    %get3A_483 = arith.constant 1 : i32
    %get3A_484 = arith.constant 15 : i32
    %get3A_485 = arith.index_cast %get3A_483 : i32 to index
    %get3A_486 = arith.index_cast %get3A_484 : i32 to index
    %get3A_487 = arith.constant 0 : index
    %get3A_488 = tpu.vector_load %arg9[%get3A_485, %get3A_486, %get3A_487] {strides = array<i32>} : memref<4x16x16xf32, #tpu.memory_space<vmem>>, vector<1x1x16xf32>,
    %get3A_489 = vector.shape_cast %get3A_488 : vector<1x1x16xf32> to vector<16xf32>
    %get3A_490 = arith.constant 2 : i32
    %get3A_491 = arith.constant 15 : i32
    %get3A_492 = arith.index_cast %get3A_490 : i32 to index
    %get3A_493 = arith.index_cast %get3A_491 : i32 to index
    %get3A_494 = arith.constant 0 : index
    %get3A_495 = tpu.vector_load %arg9[%get3A_492, %get3A_493, %get3A_494] {strides = array<i32>} : memref<4x16x16xf32, #tpu.memory_space<vmem>>, vector<1x1x16xf32>,
    %get3A_496 = vector.shape_cast %get3A_495 : vector<1x1x16xf32> to vector<16xf32>
    %get3A_497 = arith.constant 3 : i32
    %get3A_498 = arith.constant 15 : i32
    %get3A_499 = arith.index_cast %get3A_497 : i32 to index
    %get3A_500 = arith.index_cast %get3A_498 : i32 to index
    %get3A_501 = arith.constant 0 : index
    %get3A_502 = tpu.vector_load %arg9[%get3A_499, %get3A_500, %get3A_501] {strides = array<i32>} : memref<4x16x16xf32, #tpu.memory_space<vmem>>, vector<1x1x16xf32>,
    %get3A_503 = vector.shape_cast %get3A_502 : vector<1x1x16xf32> to vector<16xf32>
    %sub3A_504 = arith.subf %get3A_496, %get3A_482 : vector<16xf32>
    %sub3A_505 = arith.subf %get3A_503, %get3A_489 : vector<16xf32>
    %mul3A_506 = arith.mulf %sub3A_504, %sub3A_505 : vector<16xf32>
    %parallel_loop3A_507 = arith.constant 0 : i32
    %parallel_loop3A_508 = arith.constant 40 : i32
    %parallel_loop3A_509 = arith.constant 1 : i32
    %parallel_loop3A_510:8 = scf.for %parallel_loop3A_1709 = %parallel_loop3A_507 to %parallel_loop3A_508 step %parallel_loop3A_509 iter_args(%parallel_loop3A_1710 = %broadcast_in_dim3A_6, %parallel_loop3A_1711 = %broadcast_in_dim3A_6, %parallel_loop3A_1712 = %broadcast_in_dim3A_6, %parallel_loop3A_1713 = %broadcast_in_dim3A_6, %parallel_loop3A_1714 = %broadcast_in_dim3A_6, %parallel_loop3A_1715 = %broadcast_in_dim3A_6, %parallel_loop3A_1716 = %broadcast_in_dim3A_6, %parallel_loop3A_1717 = %broadcast_in_dim3A_6) -> (vector<16xf32>, vector<16xf32>, vector<16xf32>, vector<16xf32>, vector<16xf32>, vector<16xf32>, vector<16xf32>, vector<16xf32>)  : i32 {
      %parallel_loop3A_1718 = arith.constant 16 : i32
      %parallel_loop3A_1719 = arith.muli %parallel_loop3A_1709, %parallel_loop3A_1718 : i32
      %parallel_loop3A_1720 = arith.constant 0 : i32
      %parallel_loop3A_1721 = arith.index_cast %parallel_loop3A_1720 : i32 to index
      %parallel_loop3A_1722 = arith.index_cast %parallel_loop3A_1719 : i32 to index
      %parallel_loop3A_1723 = tpu.vector_load %arg8[%parallel_loop3A_1721, %parallel_loop3A_1722] {strides = array<i32>} : memref<4x640xf32, #tpu.memory_space<vmem>>, vector<1x16xf32>,
      %parallel_loop3A_1724 = vector.shape_cast %parallel_loop3A_1723 : vector<1x16xf32> to vector<16xf32>
      %parallel_loop3A_1725 = arith.constant 1 : i32
      %parallel_loop3A_1726 = arith.index_cast %parallel_loop3A_1725 : i32 to index
      %parallel_loop3A_1727 = arith.index_cast %parallel_loop3A_1719 : i32 to index
      %parallel_loop3A_1728 = tpu.vector_load %arg8[%parallel_loop3A_1726, %parallel_loop3A_1727] {strides = array<i32>} : memref<4x640xf32, #tpu.memory_space<vmem>>, vector<1x16xf32>,
      %parallel_loop3A_1729 = vector.shape_cast %parallel_loop3A_1728 : vector<1x16xf32> to vector<16xf32>
      %parallel_loop3A_1730 = arith.constant 2 : i32
      %parallel_loop3A_1731 = arith.index_cast %parallel_loop3A_1730 : i32 to index
      %parallel_loop3A_1732 = arith.index_cast %parallel_loop3A_1719 : i32 to index
      %parallel_loop3A_1733 = tpu.vector_load %arg8[%parallel_loop3A_1731, %parallel_loop3A_1732] {strides = array<i32>} : memref<4x640xf32, #tpu.memory_space<vmem>>, vector<1x16xf32>,
      %parallel_loop3A_1734 = vector.shape_cast %parallel_loop3A_1733 : vector<1x16xf32> to vector<16xf32>
      %parallel_loop3A_1735 = arith.constant 3 : i32
      %parallel_loop3A_1736 = arith.index_cast %parallel_loop3A_1735 : i32 to index
      %parallel_loop3A_1737 = arith.index_cast %parallel_loop3A_1719 : i32 to index
      %parallel_loop3A_1738 = tpu.vector_load %arg8[%parallel_loop3A_1736, %parallel_loop3A_1737] {strides = array<i32>} : memref<4x640xf32, #tpu.memory_space<vmem>>, vector<1x16xf32>,
      %parallel_loop3A_1739 = vector.shape_cast %parallel_loop3A_1738 : vector<1x16xf32> to vector<16xf32>
      %parallel_loop3A_1740 = arith.index_cast %parallel_loop3A_1719 : i32 to index
      %parallel_loop3A_1741 = tpu.vector_load %arg11[%parallel_loop3A_1740] {strides = array<i32>} : memref<640xf32, #tpu.memory_space<vmem>>, vector<16xf32>,
      %parallel_loop3A_1742 = vector.shape_cast %parallel_loop3A_1741 : vector<16xf32> to vector<16xf32>
      %parallel_loop3A_1743 = arith.minimumf %parallel_loop3A_1734, %get3A_279 : vector<16xf32>
      %parallel_loop3A_1744 = arith.maximumf %parallel_loop3A_1724, %get3A_265 : vector<16xf32>
      %parallel_loop3A_1745 = arith.subf %parallel_loop3A_1743, %parallel_loop3A_1744 : vector<16xf32>
      %parallel_loop3A_1746 = arith.constant 0.000000e+00 : f32
      %parallel_loop3A_1747 = vector.broadcast %parallel_loop3A_1746 : f32 to vector<16xf32>
      %parallel_loop3A_1748 = arith.maximumf %parallel_loop3A_1745, %parallel_loop3A_1747 : vector<16xf32>
      %parallel_loop3A_1749 = arith.minimumf %parallel_loop3A_1739, %get3A_286 : vector<16xf32>
      %parallel_loop3A_1750 = arith.maximumf %parallel_loop3A_1729, %get3A_272 : vector<16xf32>
      %parallel_loop3A_1751 = arith.subf %parallel_loop3A_1749, %parallel_loop3A_1750 : vector<16xf32>
      %parallel_loop3A_1752 = arith.constant 0.000000e+00 : f32
      %parallel_loop3A_1753 = vector.broadcast %parallel_loop3A_1752 : f32 to vector<16xf32>
      %parallel_loop3A_1754 = arith.maximumf %parallel_loop3A_1751, %parallel_loop3A_1753 : vector<16xf32>
      %parallel_loop3A_1755 = arith.mulf %parallel_loop3A_1748, %parallel_loop3A_1754 : vector<16xf32>
      %parallel_loop3A_1756 = arith.addf %mul3A_289, %parallel_loop3A_1742 : vector<16xf32>
      %parallel_loop3A_1757 = arith.subf %parallel_loop3A_1756, %parallel_loop3A_1755 : vector<16xf32>
      %parallel_loop3A_1758 = arith.divf %parallel_loop3A_1755, %parallel_loop3A_1757 : vector<16xf32>
      %parallel_loop3A_1759 = arith.constant 8 : i32
      %parallel_loop3A_1760 = arith.index_cast %parallel_loop3A_1759 : i32 to index
      %parallel_loop3A_1761 = arith.index_cast %parallel_loop3A_1719 : i32 to index
      %parallel_loop3A_1762 = tpu.vector_load %arg12[%parallel_loop3A_1760, %parallel_loop3A_1761] {strides = array<i32>} : memref<16x640xf32, #tpu.memory_space<vmem>>, vector<1x16xf32>,
      %parallel_loop3A_1763 = vector.shape_cast %parallel_loop3A_1762 : vector<1x16xf32> to vector<16xf32>
      %parallel_loop3A_1764 = vector.shape_cast %parallel_loop3A_1758 : vector<16xf32> to vector<1x16xf32>
      tpu.vector_store %arg12[%parallel_loop3A_1760, %parallel_loop3A_1761], %parallel_loop3A_1764 {strides = array<i32>} : memref<16x640xf32, #tpu.memory_space<vmem>>, vector<1x16xf32>,
      %parallel_loop3A_1765 = arith.maximumf %parallel_loop3A_1710, %parallel_loop3A_1758 : vector<16xf32>
      %parallel_loop3A_1766 = arith.minimumf %parallel_loop3A_1734, %get3A_310 : vector<16xf32>
      %parallel_loop3A_1767 = arith.maximumf %parallel_loop3A_1724, %get3A_296 : vector<16xf32>
      %parallel_loop3A_1768 = arith.subf %parallel_loop3A_1766, %parallel_loop3A_1767 : vector<16xf32>
      %parallel_loop3A_1769 = arith.constant 0.000000e+00 : f32
      %parallel_loop3A_1770 = vector.broadcast %parallel_loop3A_1769 : f32 to vector<16xf32>
      %parallel_loop3A_1771 = arith.maximumf %parallel_loop3A_1768, %parallel_loop3A_1770 : vector<16xf32>
      %parallel_loop3A_1772 = arith.minimumf %parallel_loop3A_1739, %get3A_317 : vector<16xf32>
      %parallel_loop3A_1773 = arith.maximumf %parallel_loop3A_1729, %get3A_303 : vector<16xf32>
      %parallel_loop3A_1774 = arith.subf %parallel_loop3A_1772, %parallel_loop3A_1773 : vector<16xf32>
      %parallel_loop3A_1775 = arith.constant 0.000000e+00 : f32
      %parallel_loop3A_1776 = vector.broadcast %parallel_loop3A_1775 : f32 to vector<16xf32>
      %parallel_loop3A_1777 = arith.maximumf %parallel_loop3A_1774, %parallel_loop3A_1776 : vector<16xf32>
      %parallel_loop3A_1778 = arith.mulf %parallel_loop3A_1771, %parallel_loop3A_1777 : vector<16xf32>
      %parallel_loop3A_1779 = arith.addf %mul3A_320, %parallel_loop3A_1742 : vector<16xf32>
      %parallel_loop3A_1780 = arith.subf %parallel_loop3A_1779, %parallel_loop3A_1778 : vector<16xf32>
      %parallel_loop3A_1781 = arith.divf %parallel_loop3A_1778, %parallel_loop3A_1780 : vector<16xf32>
      %parallel_loop3A_1782 = arith.constant 9 : i32
      %parallel_loop3A_1783 = arith.index_cast %parallel_loop3A_1782 : i32 to index
      %parallel_loop3A_1784 = arith.index_cast %parallel_loop3A_1719 : i32 to index
      %parallel_loop3A_1785 = tpu.vector_load %arg12[%parallel_loop3A_1783, %parallel_loop3A_1784] {strides = array<i32>} : memref<16x640xf32, #tpu.memory_space<vmem>>, vector<1x16xf32>,
      %parallel_loop3A_1786 = vector.shape_cast %parallel_loop3A_1785 : vector<1x16xf32> to vector<16xf32>
      %parallel_loop3A_1787 = vector.shape_cast %parallel_loop3A_1781 : vector<16xf32> to vector<1x16xf32>
      tpu.vector_store %arg12[%parallel_loop3A_1783, %parallel_loop3A_1784], %parallel_loop3A_1787 {strides = array<i32>} : memref<16x640xf32, #tpu.memory_space<vmem>>, vector<1x16xf32>,
      %parallel_loop3A_1788 = arith.maximumf %parallel_loop3A_1711, %parallel_loop3A_1781 : vector<16xf32>
      %parallel_loop3A_1789 = arith.minimumf %parallel_loop3A_1734, %get3A_341 : vector<16xf32>
      %parallel_loop3A_1790 = arith.maximumf %parallel_loop3A_1724, %get3A_327 : vector<16xf32>
      %parallel_loop3A_1791 = arith.subf %parallel_loop3A_1789, %parallel_loop3A_1790 : vector<16xf32>
      %parallel_loop3A_1792 = arith.constant 0.000000e+00 : f32
      %parallel_loop3A_1793 = vector.broadcast %parallel_loop3A_1792 : f32 to vector<16xf32>
      %parallel_loop3A_1794 = arith.maximumf %parallel_loop3A_1791, %parallel_loop3A_1793 : vector<16xf32>
      %parallel_loop3A_1795 = arith.minimumf %parallel_loop3A_1739, %get3A_348 : vector<16xf32>
      %parallel_loop3A_1796 = arith.maximumf %parallel_loop3A_1729, %get3A_334 : vector<16xf32>
      %parallel_loop3A_1797 = arith.subf %parallel_loop3A_1795, %parallel_loop3A_1796 : vector<16xf32>
      %parallel_loop3A_1798 = arith.constant 0.000000e+00 : f32
      %parallel_loop3A_1799 = vector.broadcast %parallel_loop3A_1798 : f32 to vector<16xf32>
      %parallel_loop3A_1800 = arith.maximumf %parallel_loop3A_1797, %parallel_loop3A_1799 : vector<16xf32>
      %parallel_loop3A_1801 = arith.mulf %parallel_loop3A_1794, %parallel_loop3A_1800 : vector<16xf32>
      %parallel_loop3A_1802 = arith.addf %mul3A_351, %parallel_loop3A_1742 : vector<16xf32>
      %parallel_loop3A_1803 = arith.subf %parallel_loop3A_1802, %parallel_loop3A_1801 : vector<16xf32>
      %parallel_loop3A_1804 = arith.divf %parallel_loop3A_1801, %parallel_loop3A_1803 : vector<16xf32>
      %parallel_loop3A_1805 = arith.constant 10 : i32
      %parallel_loop3A_1806 = arith.index_cast %parallel_loop3A_1805 : i32 to index
      %parallel_loop3A_1807 = arith.index_cast %parallel_loop3A_1719 : i32 to index
      %parallel_loop3A_1808 = tpu.vector_load %arg12[%parallel_loop3A_1806, %parallel_loop3A_1807] {strides = array<i32>} : memref<16x640xf32, #tpu.memory_space<vmem>>, vector<1x16xf32>,
      %parallel_loop3A_1809 = vector.shape_cast %parallel_loop3A_1808 : vector<1x16xf32> to vector<16xf32>
      %parallel_loop3A_1810 = vector.shape_cast %parallel_loop3A_1804 : vector<16xf32> to vector<1x16xf32>
      tpu.vector_store %arg12[%parallel_loop3A_1806, %parallel_loop3A_1807], %parallel_loop3A_1810 {strides = array<i32>} : memref<16x640xf32, #tpu.memory_space<vmem>>, vector<1x16xf32>,
      %parallel_loop3A_1811 = arith.maximumf %parallel_loop3A_1712, %parallel_loop3A_1804 : vector<16xf32>
      %parallel_loop3A_1812 = arith.minimumf %parallel_loop3A_1734, %get3A_372 : vector<16xf32>
      %parallel_loop3A_1813 = arith.maximumf %parallel_loop3A_1724, %get3A_358 : vector<16xf32>
      %parallel_loop3A_1814 = arith.subf %parallel_loop3A_1812, %parallel_loop3A_1813 : vector<16xf32>
      %parallel_loop3A_1815 = arith.constant 0.000000e+00 : f32
      %parallel_loop3A_1816 = vector.broadcast %parallel_loop3A_1815 : f32 to vector<16xf32>
      %parallel_loop3A_1817 = arith.maximumf %parallel_loop3A_1814, %parallel_loop3A_1816 : vector<16xf32>
      %parallel_loop3A_1818 = arith.minimumf %parallel_loop3A_1739, %get3A_379 : vector<16xf32>
      %parallel_loop3A_1819 = arith.maximumf %parallel_loop3A_1729, %get3A_365 : vector<16xf32>
      %parallel_loop3A_1820 = arith.subf %parallel_loop3A_1818, %parallel_loop3A_1819 : vector<16xf32>
      %parallel_loop3A_1821 = arith.constant 0.000000e+00 : f32
      %parallel_loop3A_1822 = vector.broadcast %parallel_loop3A_1821 : f32 to vector<16xf32>
      %parallel_loop3A_1823 = arith.maximumf %parallel_loop3A_1820, %parallel_loop3A_1822 : vector<16xf32>
      %parallel_loop3A_1824 = arith.mulf %parallel_loop3A_1817, %parallel_loop3A_1823 : vector<16xf32>
      %parallel_loop3A_1825 = arith.addf %mul3A_382, %parallel_loop3A_1742 : vector<16xf32>
      %parallel_loop3A_1826 = arith.subf %parallel_loop3A_1825, %parallel_loop3A_1824 : vector<16xf32>
      %parallel_loop3A_1827 = arith.divf %parallel_loop3A_1824, %parallel_loop3A_1826 : vector<16xf32>
      %parallel_loop3A_1828 = arith.constant 11 : i32
      %parallel_loop3A_1829 = arith.index_cast %parallel_loop3A_1828 : i32 to index
      %parallel_loop3A_1830 = arith.index_cast %parallel_loop3A_1719 : i32 to index
      %parallel_loop3A_1831 = tpu.vector_load %arg12[%parallel_loop3A_1829, %parallel_loop3A_1830] {strides = array<i32>} : memref<16x640xf32, #tpu.memory_space<vmem>>, vector<1x16xf32>,
      %parallel_loop3A_1832 = vector.shape_cast %parallel_loop3A_1831 : vector<1x16xf32> to vector<16xf32>
      %parallel_loop3A_1833 = vector.shape_cast %parallel_loop3A_1827 : vector<16xf32> to vector<1x16xf32>
      tpu.vector_store %arg12[%parallel_loop3A_1829, %parallel_loop3A_1830], %parallel_loop3A_1833 {strides = array<i32>} : memref<16x640xf32, #tpu.memory_space<vmem>>, vector<1x16xf32>,
      %parallel_loop3A_1834 = arith.maximumf %parallel_loop3A_1713, %parallel_loop3A_1827 : vector<16xf32>
      %parallel_loop3A_1835 = arith.minimumf %parallel_loop3A_1734, %get3A_403 : vector<16xf32>
      %parallel_loop3A_1836 = arith.maximumf %parallel_loop3A_1724, %get3A_389 : vector<16xf32>
      %parallel_loop3A_1837 = arith.subf %parallel_loop3A_1835, %parallel_loop3A_1836 : vector<16xf32>
      %parallel_loop3A_1838 = arith.constant 0.000000e+00 : f32
      %parallel_loop3A_1839 = vector.broadcast %parallel_loop3A_1838 : f32 to vector<16xf32>
      %parallel_loop3A_1840 = arith.maximumf %parallel_loop3A_1837, %parallel_loop3A_1839 : vector<16xf32>
      %parallel_loop3A_1841 = arith.minimumf %parallel_loop3A_1739, %get3A_410 : vector<16xf32>
      %parallel_loop3A_1842 = arith.maximumf %parallel_loop3A_1729, %get3A_396 : vector<16xf32>
      %parallel_loop3A_1843 = arith.subf %parallel_loop3A_1841, %parallel_loop3A_1842 : vector<16xf32>
      %parallel_loop3A_1844 = arith.constant 0.000000e+00 : f32
      %parallel_loop3A_1845 = vector.broadcast %parallel_loop3A_1844 : f32 to vector<16xf32>
      %parallel_loop3A_1846 = arith.maximumf %parallel_loop3A_1843, %parallel_loop3A_1845 : vector<16xf32>
      %parallel_loop3A_1847 = arith.mulf %parallel_loop3A_1840, %parallel_loop3A_1846 : vector<16xf32>
      %parallel_loop3A_1848 = arith.addf %mul3A_413, %parallel_loop3A_1742 : vector<16xf32>
      %parallel_loop3A_1849 = arith.subf %parallel_loop3A_1848, %parallel_loop3A_1847 : vector<16xf32>
      %parallel_loop3A_1850 = arith.divf %parallel_loop3A_1847, %parallel_loop3A_1849 : vector<16xf32>
      %parallel_loop3A_1851 = arith.constant 12 : i32
      %parallel_loop3A_1852 = arith.index_cast %parallel_loop3A_1851 : i32 to index
      %parallel_loop3A_1853 = arith.index_cast %parallel_loop3A_1719 : i32 to index
      %parallel_loop3A_1854 = tpu.vector_load %arg12[%parallel_loop3A_1852, %parallel_loop3A_1853] {strides = array<i32>} : memref<16x640xf32, #tpu.memory_space<vmem>>, vector<1x16xf32>,
      %parallel_loop3A_1855 = vector.shape_cast %parallel_loop3A_1854 : vector<1x16xf32> to vector<16xf32>
      %parallel_loop3A_1856 = vector.shape_cast %parallel_loop3A_1850 : vector<16xf32> to vector<1x16xf32>
      tpu.vector_store %arg12[%parallel_loop3A_1852, %parallel_loop3A_1853], %parallel_loop3A_1856 {strides = array<i32>} : memref<16x640xf32, #tpu.memory_space<vmem>>, vector<1x16xf32>,
      %parallel_loop3A_1857 = arith.maximumf %parallel_loop3A_1714, %parallel_loop3A_1850 : vector<16xf32>
      %parallel_loop3A_1858 = arith.minimumf %parallel_loop3A_1734, %get3A_434 : vector<16xf32>
      %parallel_loop3A_1859 = arith.maximumf %parallel_loop3A_1724, %get3A_420 : vector<16xf32>
      %parallel_loop3A_1860 = arith.subf %parallel_loop3A_1858, %parallel_loop3A_1859 : vector<16xf32>
      %parallel_loop3A_1861 = arith.constant 0.000000e+00 : f32
      %parallel_loop3A_1862 = vector.broadcast %parallel_loop3A_1861 : f32 to vector<16xf32>
      %parallel_loop3A_1863 = arith.maximumf %parallel_loop3A_1860, %parallel_loop3A_1862 : vector<16xf32>
      %parallel_loop3A_1864 = arith.minimumf %parallel_loop3A_1739, %get3A_441 : vector<16xf32>
      %parallel_loop3A_1865 = arith.maximumf %parallel_loop3A_1729, %get3A_427 : vector<16xf32>
      %parallel_loop3A_1866 = arith.subf %parallel_loop3A_1864, %parallel_loop3A_1865 : vector<16xf32>
      %parallel_loop3A_1867 = arith.constant 0.000000e+00 : f32
      %parallel_loop3A_1868 = vector.broadcast %parallel_loop3A_1867 : f32 to vector<16xf32>
      %parallel_loop3A_1869 = arith.maximumf %parallel_loop3A_1866, %parallel_loop3A_1868 : vector<16xf32>
      %parallel_loop3A_1870 = arith.mulf %parallel_loop3A_1863, %parallel_loop3A_1869 : vector<16xf32>
      %parallel_loop3A_1871 = arith.addf %mul3A_444, %parallel_loop3A_1742 : vector<16xf32>
      %parallel_loop3A_1872 = arith.subf %parallel_loop3A_1871, %parallel_loop3A_1870 : vector<16xf32>
      %parallel_loop3A_1873 = arith.divf %parallel_loop3A_1870, %parallel_loop3A_1872 : vector<16xf32>
      %parallel_loop3A_1874 = arith.constant 13 : i32
      %parallel_loop3A_1875 = arith.index_cast %parallel_loop3A_1874 : i32 to index
      %parallel_loop3A_1876 = arith.index_cast %parallel_loop3A_1719 : i32 to index
      %parallel_loop3A_1877 = tpu.vector_load %arg12[%parallel_loop3A_1875, %parallel_loop3A_1876] {strides = array<i32>} : memref<16x640xf32, #tpu.memory_space<vmem>>, vector<1x16xf32>,
      %parallel_loop3A_1878 = vector.shape_cast %parallel_loop3A_1877 : vector<1x16xf32> to vector<16xf32>
      %parallel_loop3A_1879 = vector.shape_cast %parallel_loop3A_1873 : vector<16xf32> to vector<1x16xf32>
      tpu.vector_store %arg12[%parallel_loop3A_1875, %parallel_loop3A_1876], %parallel_loop3A_1879 {strides = array<i32>} : memref<16x640xf32, #tpu.memory_space<vmem>>, vector<1x16xf32>,
      %parallel_loop3A_1880 = arith.maximumf %parallel_loop3A_1715, %parallel_loop3A_1873 : vector<16xf32>
      %parallel_loop3A_1881 = arith.minimumf %parallel_loop3A_1734, %get3A_465 : vector<16xf32>
      %parallel_loop3A_1882 = arith.maximumf %parallel_loop3A_1724, %get3A_451 : vector<16xf32>
      %parallel_loop3A_1883 = arith.subf %parallel_loop3A_1881, %parallel_loop3A_1882 : vector<16xf32>
      %parallel_loop3A_1884 = arith.constant 0.000000e+00 : f32
      %parallel_loop3A_1885 = vector.broadcast %parallel_loop3A_1884 : f32 to vector<16xf32>
      %parallel_loop3A_1886 = arith.maximumf %parallel_loop3A_1883, %parallel_loop3A_1885 : vector<16xf32>
      %parallel_loop3A_1887 = arith.minimumf %parallel_loop3A_1739, %get3A_472 : vector<16xf32>
      %parallel_loop3A_1888 = arith.maximumf %parallel_loop3A_1729, %get3A_458 : vector<16xf32>
      %parallel_loop3A_1889 = arith.subf %parallel_loop3A_1887, %parallel_loop3A_1888 : vector<16xf32>
      %parallel_loop3A_1890 = arith.constant 0.000000e+00 : f32
      %parallel_loop3A_1891 = vector.broadcast %parallel_loop3A_1890 : f32 to vector<16xf32>
      %parallel_loop3A_1892 = arith.maximumf %parallel_loop3A_1889, %parallel_loop3A_1891 : vector<16xf32>
      %parallel_loop3A_1893 = arith.mulf %parallel_loop3A_1886, %parallel_loop3A_1892 : vector<16xf32>
      %parallel_loop3A_1894 = arith.addf %mul3A_475, %parallel_loop3A_1742 : vector<16xf32>
      %parallel_loop3A_1895 = arith.subf %parallel_loop3A_1894, %parallel_loop3A_1893 : vector<16xf32>
      %parallel_loop3A_1896 = arith.divf %parallel_loop3A_1893, %parallel_loop3A_1895 : vector<16xf32>
      %parallel_loop3A_1897 = arith.constant 14 : i32
      %parallel_loop3A_1898 = arith.index_cast %parallel_loop3A_1897 : i32 to index
      %parallel_loop3A_1899 = arith.index_cast %parallel_loop3A_1719 : i32 to index
      %parallel_loop3A_1900 = tpu.vector_load %arg12[%parallel_loop3A_1898, %parallel_loop3A_1899] {strides = array<i32>} : memref<16x640xf32, #tpu.memory_space<vmem>>, vector<1x16xf32>,
      %parallel_loop3A_1901 = vector.shape_cast %parallel_loop3A_1900 : vector<1x16xf32> to vector<16xf32>
      %parallel_loop3A_1902 = vector.shape_cast %parallel_loop3A_1896 : vector<16xf32> to vector<1x16xf32>
      tpu.vector_store %arg12[%parallel_loop3A_1898, %parallel_loop3A_1899], %parallel_loop3A_1902 {strides = array<i32>} : memref<16x640xf32, #tpu.memory_space<vmem>>, vector<1x16xf32>,
      %parallel_loop3A_1903 = arith.maximumf %parallel_loop3A_1716, %parallel_loop3A_1896 : vector<16xf32>
      %parallel_loop3A_1904 = arith.minimumf %parallel_loop3A_1734, %get3A_496 : vector<16xf32>
      %parallel_loop3A_1905 = arith.maximumf %parallel_loop3A_1724, %get3A_482 : vector<16xf32>
      %parallel_loop3A_1906 = arith.subf %parallel_loop3A_1904, %parallel_loop3A_1905 : vector<16xf32>
      %parallel_loop3A_1907 = arith.constant 0.000000e+00 : f32
      %parallel_loop3A_1908 = vector.broadcast %parallel_loop3A_1907 : f32 to vector<16xf32>
      %parallel_loop3A_1909 = arith.maximumf %parallel_loop3A_1906, %parallel_loop3A_1908 : vector<16xf32>
      %parallel_loop3A_1910 = arith.minimumf %parallel_loop3A_1739, %get3A_503 : vector<16xf32>
      %parallel_loop3A_1911 = arith.maximumf %parallel_loop3A_1729, %get3A_489 : vector<16xf32>
      %parallel_loop3A_1912 = arith.subf %parallel_loop3A_1910, %parallel_loop3A_1911 : vector<16xf32>
      %parallel_loop3A_1913 = arith.constant 0.000000e+00 : f32
      %parallel_loop3A_1914 = vector.broadcast %parallel_loop3A_1913 : f32 to vector<16xf32>
      %parallel_loop3A_1915 = arith.maximumf %parallel_loop3A_1912, %parallel_loop3A_1914 : vector<16xf32>
      %parallel_loop3A_1916 = arith.mulf %parallel_loop3A_1909, %parallel_loop3A_1915 : vector<16xf32>
      %parallel_loop3A_1917 = arith.addf %mul3A_506, %parallel_loop3A_1742 : vector<16xf32>
      %parallel_loop3A_1918 = arith.subf %parallel_loop3A_1917, %parallel_loop3A_1916 : vector<16xf32>
      %parallel_loop3A_1919 = arith.divf %parallel_loop3A_1916, %parallel_loop3A_1918 : vector<16xf32>
      %parallel_loop3A_1920 = arith.constant 15 : i32
      %parallel_loop3A_1921 = arith.index_cast %parallel_loop3A_1920 : i32 to index
      %parallel_loop3A_1922 = arith.index_cast %parallel_loop3A_1719 : i32 to index
      %parallel_loop3A_1923 = tpu.vector_load %arg12[%parallel_loop3A_1921, %parallel_loop3A_1922] {strides = array<i32>} : memref<16x640xf32, #tpu.memory_space<vmem>>, vector<1x16xf32>,
      %parallel_loop3A_1924 = vector.shape_cast %parallel_loop3A_1923 : vector<1x16xf32> to vector<16xf32>
      %parallel_loop3A_1925 = vector.shape_cast %parallel_loop3A_1919 : vector<16xf32> to vector<1x16xf32>
      tpu.vector_store %arg12[%parallel_loop3A_1921, %parallel_loop3A_1922], %parallel_loop3A_1925 {strides = array<i32>} : memref<16x640xf32, #tpu.memory_space<vmem>>, vector<1x16xf32>,
      %parallel_loop3A_1926 = arith.maximumf %parallel_loop3A_1717, %parallel_loop3A_1919 : vector<16xf32>
      scf.yield %parallel_loop3A_1765, %parallel_loop3A_1788, %parallel_loop3A_1811, %parallel_loop3A_1834, %parallel_loop3A_1857, %parallel_loop3A_1880, %parallel_loop3A_1903, %parallel_loop3A_1926 : vector<16xf32>, vector<16xf32>, vector<16xf32>, vector<16xf32>, vector<16xf32>, vector<16xf32>, vector<16xf32>, vector<16xf32>
    } {sc.loop_unroll_factor = 1 : i64, sc.parallel_access}
    %add3A_511 = arith.constant 1 : i32
    %add3A_512 = vector.broadcast %add3A_511 : i32 to vector<16xi32>
    %add3A_513 = arith.addi %iota3A, %add3A_512 : vector<16xi32>
    %and3A = arith.constant 15 : i32
    %and3A_514 = vector.broadcast %and3A : i32 to vector<16xi32>
    %and3A_515 = arith.andi %add3A_513, %and3A_514 : vector<16xi32>
    %lt3A = arith.constant 0 : i32
    %lt3A_516 = vector.broadcast %lt3A : i32 to vector<16xi32>
    %lt3A_517 = arith.cmpi slt, %and3A_515, %lt3A_516 : vector<16xi32>
    %add3A_518 = arith.constant 16 : i32
    %add3A_519 = vector.broadcast %add3A_518 : i32 to vector<16xi32>
    %add3A_520 = arith.addi %and3A_515, %add3A_519 : vector<16xi32>
    %select_n3A = arith.select %lt3A_517, %add3A_520, %and3A_515 : vector<16xi1>, vector<16xi32>
    %broadcast_in_dim3A_521 = vector.shape_cast %select_n3A : vector<16xi32> to vector<16x1xi32>
    %gather3A = vector.shape_cast %broadcast_in_dim3A_521 : vector<16x1xi32> to vector<16xi32>
    %gather3A_522 = tpu.dynamic_gather %parallel_loop3A_258#0[%gather3A] in [0] : vector<16xf32>, vector<16xi32> -> vector<16xf32>
    %max3A = arith.maximumf %parallel_loop3A_258#0, %gather3A_522 : vector<16xf32>
    %add3A_523 = arith.constant 2 : i32
    %add3A_524 = vector.broadcast %add3A_523 : i32 to vector<16xi32>
    %add3A_525 = arith.addi %iota3A, %add3A_524 : vector<16xi32>
    %and3A_526 = arith.constant 15 : i32
    %and3A_527 = vector.broadcast %and3A_526 : i32 to vector<16xi32>
    %and3A_528 = arith.andi %add3A_525, %and3A_527 : vector<16xi32>
    %lt3A_529 = arith.constant 0 : i32
    %lt3A_530 = vector.broadcast %lt3A_529 : i32 to vector<16xi32>
    %lt3A_531 = arith.cmpi slt, %and3A_528, %lt3A_530 : vector<16xi32>
    %add3A_532 = arith.constant 16 : i32
    %add3A_533 = vector.broadcast %add3A_532 : i32 to vector<16xi32>
    %add3A_534 = arith.addi %and3A_528, %add3A_533 : vector<16xi32>
    %select_n3A_535 = arith.select %lt3A_531, %add3A_534, %and3A_528 : vector<16xi1>, vector<16xi32>
    %broadcast_in_dim3A_536 = vector.shape_cast %select_n3A_535 : vector<16xi32> to vector<16x1xi32>
    %gather3A_537 = vector.shape_cast %broadcast_in_dim3A_536 : vector<16x1xi32> to vector<16xi32>
    %gather3A_538 = tpu.dynamic_gather %max3A[%gather3A_537] in [0] : vector<16xf32>, vector<16xi32> -> vector<16xf32>
    %max3A_539 = arith.maximumf %max3A, %gather3A_538 : vector<16xf32>
    %add3A_540 = arith.constant 4 : i32
    %add3A_541 = vector.broadcast %add3A_540 : i32 to vector<16xi32>
    %add3A_542 = arith.addi %iota3A, %add3A_541 : vector<16xi32>
    %and3A_543 = arith.constant 15 : i32
    %and3A_544 = vector.broadcast %and3A_543 : i32 to vector<16xi32>
    %and3A_545 = arith.andi %add3A_542, %and3A_544 : vector<16xi32>
    %lt3A_546 = arith.constant 0 : i32
    %lt3A_547 = vector.broadcast %lt3A_546 : i32 to vector<16xi32>
    %lt3A_548 = arith.cmpi slt, %and3A_545, %lt3A_547 : vector<16xi32>
    %add3A_549 = arith.constant 16 : i32
    %add3A_550 = vector.broadcast %add3A_549 : i32 to vector<16xi32>
    %add3A_551 = arith.addi %and3A_545, %add3A_550 : vector<16xi32>
    %select_n3A_552 = arith.select %lt3A_548, %add3A_551, %and3A_545 : vector<16xi1>, vector<16xi32>
    %broadcast_in_dim3A_553 = vector.shape_cast %select_n3A_552 : vector<16xi32> to vector<16x1xi32>
    %gather3A_554 = vector.shape_cast %broadcast_in_dim3A_553 : vector<16x1xi32> to vector<16xi32>
    %gather3A_555 = tpu.dynamic_gather %max3A_539[%gather3A_554] in [0] : vector<16xf32>, vector<16xi32> -> vector<16xf32>
    %max3A_556 = arith.maximumf %max3A_539, %gather3A_555 : vector<16xf32>
    %add3A_557 = arith.constant 8 : i32
    %add3A_558 = vector.broadcast %add3A_557 : i32 to vector<16xi32>
    %add3A_559 = arith.addi %iota3A, %add3A_558 : vector<16xi32>
    %and3A_560 = arith.constant 15 : i32
    %and3A_561 = vector.broadcast %and3A_560 : i32 to vector<16xi32>
    %and3A_562 = arith.andi %add3A_559, %and3A_561 : vector<16xi32>
    %lt3A_563 = arith.constant 0 : i32
    %lt3A_564 = vector.broadcast %lt3A_563 : i32 to vector<16xi32>
    %lt3A_565 = arith.cmpi slt, %and3A_562, %lt3A_564 : vector<16xi32>
    %add3A_566 = arith.constant 16 : i32
    %add3A_567 = vector.broadcast %add3A_566 : i32 to vector<16xi32>
    %add3A_568 = arith.addi %and3A_562, %add3A_567 : vector<16xi32>
    %select_n3A_569 = arith.select %lt3A_565, %add3A_568, %and3A_562 : vector<16xi1>, vector<16xi32>
    %broadcast_in_dim3A_570 = vector.shape_cast %select_n3A_569 : vector<16xi32> to vector<16x1xi32>
    %gather3A_571 = vector.shape_cast %broadcast_in_dim3A_570 : vector<16x1xi32> to vector<16xi32>
    %gather3A_572 = tpu.dynamic_gather %max3A_556[%gather3A_571] in [0] : vector<16xf32>, vector<16xi32> -> vector<16xf32>
    %max3A_573 = arith.maximumf %max3A_556, %gather3A_572 : vector<16xf32>
    %add3A_574 = arith.constant 1 : i32
    %add3A_575 = vector.broadcast %add3A_574 : i32 to vector<16xi32>
    %add3A_576 = arith.addi %iota3A, %add3A_575 : vector<16xi32>
    %and3A_577 = arith.constant 15 : i32
    %and3A_578 = vector.broadcast %and3A_577 : i32 to vector<16xi32>
    %and3A_579 = arith.andi %add3A_576, %and3A_578 : vector<16xi32>
    %lt3A_580 = arith.constant 0 : i32
    %lt3A_581 = vector.broadcast %lt3A_580 : i32 to vector<16xi32>
    %lt3A_582 = arith.cmpi slt, %and3A_579, %lt3A_581 : vector<16xi32>
    %add3A_583 = arith.constant 16 : i32
    %add3A_584 = vector.broadcast %add3A_583 : i32 to vector<16xi32>
    %add3A_585 = arith.addi %and3A_579, %add3A_584 : vector<16xi32>
    %select_n3A_586 = arith.select %lt3A_582, %add3A_585, %and3A_579 : vector<16xi1>, vector<16xi32>
    %broadcast_in_dim3A_587 = vector.shape_cast %select_n3A_586 : vector<16xi32> to vector<16x1xi32>
    %gather3A_588 = vector.shape_cast %broadcast_in_dim3A_587 : vector<16x1xi32> to vector<16xi32>
    %gather3A_589 = tpu.dynamic_gather %parallel_loop3A_258#1[%gather3A_588] in [0] : vector<16xf32>, vector<16xi32> -> vector<16xf32>
    %max3A_590 = arith.maximumf %parallel_loop3A_258#1, %gather3A_589 : vector<16xf32>
    %add3A_591 = arith.constant 2 : i32
    %add3A_592 = vector.broadcast %add3A_591 : i32 to vector<16xi32>
    %add3A_593 = arith.addi %iota3A, %add3A_592 : vector<16xi32>
    %and3A_594 = arith.constant 15 : i32
    %and3A_595 = vector.broadcast %and3A_594 : i32 to vector<16xi32>
    %and3A_596 = arith.andi %add3A_593, %and3A_595 : vector<16xi32>
    %lt3A_597 = arith.constant 0 : i32
    %lt3A_598 = vector.broadcast %lt3A_597 : i32 to vector<16xi32>
    %lt3A_599 = arith.cmpi slt, %and3A_596, %lt3A_598 : vector<16xi32>
    %add3A_600 = arith.constant 16 : i32
    %add3A_601 = vector.broadcast %add3A_600 : i32 to vector<16xi32>
    %add3A_602 = arith.addi %and3A_596, %add3A_601 : vector<16xi32>
    %select_n3A_603 = arith.select %lt3A_599, %add3A_602, %and3A_596 : vector<16xi1>, vector<16xi32>
    %broadcast_in_dim3A_604 = vector.shape_cast %select_n3A_603 : vector<16xi32> to vector<16x1xi32>
    %gather3A_605 = vector.shape_cast %broadcast_in_dim3A_604 : vector<16x1xi32> to vector<16xi32>
    %gather3A_606 = tpu.dynamic_gather %max3A_590[%gather3A_605] in [0] : vector<16xf32>, vector<16xi32> -> vector<16xf32>
    %max3A_607 = arith.maximumf %max3A_590, %gather3A_606 : vector<16xf32>
    %add3A_608 = arith.constant 4 : i32
    %add3A_609 = vector.broadcast %add3A_608 : i32 to vector<16xi32>
    %add3A_610 = arith.addi %iota3A, %add3A_609 : vector<16xi32>
    %and3A_611 = arith.constant 15 : i32
    %and3A_612 = vector.broadcast %and3A_611 : i32 to vector<16xi32>
    %and3A_613 = arith.andi %add3A_610, %and3A_612 : vector<16xi32>
    %lt3A_614 = arith.constant 0 : i32
    %lt3A_615 = vector.broadcast %lt3A_614 : i32 to vector<16xi32>
    %lt3A_616 = arith.cmpi slt, %and3A_613, %lt3A_615 : vector<16xi32>
    %add3A_617 = arith.constant 16 : i32
    %add3A_618 = vector.broadcast %add3A_617 : i32 to vector<16xi32>
    %add3A_619 = arith.addi %and3A_613, %add3A_618 : vector<16xi32>
    %select_n3A_620 = arith.select %lt3A_616, %add3A_619, %and3A_613 : vector<16xi1>, vector<16xi32>
    %broadcast_in_dim3A_621 = vector.shape_cast %select_n3A_620 : vector<16xi32> to vector<16x1xi32>
    %gather3A_622 = vector.shape_cast %broadcast_in_dim3A_621 : vector<16x1xi32> to vector<16xi32>
    %gather3A_623 = tpu.dynamic_gather %max3A_607[%gather3A_622] in [0] : vector<16xf32>, vector<16xi32> -> vector<16xf32>
    %max3A_624 = arith.maximumf %max3A_607, %gather3A_623 : vector<16xf32>
    %add3A_625 = arith.constant 8 : i32
    %add3A_626 = vector.broadcast %add3A_625 : i32 to vector<16xi32>
    %add3A_627 = arith.addi %iota3A, %add3A_626 : vector<16xi32>
    %and3A_628 = arith.constant 15 : i32
    %and3A_629 = vector.broadcast %and3A_628 : i32 to vector<16xi32>
    %and3A_630 = arith.andi %add3A_627, %and3A_629 : vector<16xi32>
    %lt3A_631 = arith.constant 0 : i32
    %lt3A_632 = vector.broadcast %lt3A_631 : i32 to vector<16xi32>
    %lt3A_633 = arith.cmpi slt, %and3A_630, %lt3A_632 : vector<16xi32>
    %add3A_634 = arith.constant 16 : i32
    %add3A_635 = vector.broadcast %add3A_634 : i32 to vector<16xi32>
    %add3A_636 = arith.addi %and3A_630, %add3A_635 : vector<16xi32>
    %select_n3A_637 = arith.select %lt3A_633, %add3A_636, %and3A_630 : vector<16xi1>, vector<16xi32>
    %broadcast_in_dim3A_638 = vector.shape_cast %select_n3A_637 : vector<16xi32> to vector<16x1xi32>
    %gather3A_639 = vector.shape_cast %broadcast_in_dim3A_638 : vector<16x1xi32> to vector<16xi32>
    %gather3A_640 = tpu.dynamic_gather %max3A_624[%gather3A_639] in [0] : vector<16xf32>, vector<16xi32> -> vector<16xf32>
    %max3A_641 = arith.maximumf %max3A_624, %gather3A_640 : vector<16xf32>
    %add3A_642 = arith.constant 1 : i32
    %add3A_643 = vector.broadcast %add3A_642 : i32 to vector<16xi32>
    %add3A_644 = arith.addi %iota3A, %add3A_643 : vector<16xi32>
    %and3A_645 = arith.constant 15 : i32
    %and3A_646 = vector.broadcast %and3A_645 : i32 to vector<16xi32>
    %and3A_647 = arith.andi %add3A_644, %and3A_646 : vector<16xi32>
    %lt3A_648 = arith.constant 0 : i32
    %lt3A_649 = vector.broadcast %lt3A_648 : i32 to vector<16xi32>
    %lt3A_650 = arith.cmpi slt, %and3A_647, %lt3A_649 : vector<16xi32>
    %add3A_651 = arith.constant 16 : i32
    %add3A_652 = vector.broadcast %add3A_651 : i32 to vector<16xi32>
    %add3A_653 = arith.addi %and3A_647, %add3A_652 : vector<16xi32>
    %select_n3A_654 = arith.select %lt3A_650, %add3A_653, %and3A_647 : vector<16xi1>, vector<16xi32>
    %broadcast_in_dim3A_655 = vector.shape_cast %select_n3A_654 : vector<16xi32> to vector<16x1xi32>
    %gather3A_656 = vector.shape_cast %broadcast_in_dim3A_655 : vector<16x1xi32> to vector<16xi32>
    %gather3A_657 = tpu.dynamic_gather %parallel_loop3A_258#2[%gather3A_656] in [0] : vector<16xf32>, vector<16xi32> -> vector<16xf32>
    %max3A_658 = arith.maximumf %parallel_loop3A_258#2, %gather3A_657 : vector<16xf32>
    %add3A_659 = arith.constant 2 : i32
    %add3A_660 = vector.broadcast %add3A_659 : i32 to vector<16xi32>
    %add3A_661 = arith.addi %iota3A, %add3A_660 : vector<16xi32>
    %and3A_662 = arith.constant 15 : i32
    %and3A_663 = vector.broadcast %and3A_662 : i32 to vector<16xi32>
    %and3A_664 = arith.andi %add3A_661, %and3A_663 : vector<16xi32>
    %lt3A_665 = arith.constant 0 : i32
    %lt3A_666 = vector.broadcast %lt3A_665 : i32 to vector<16xi32>
    %lt3A_667 = arith.cmpi slt, %and3A_664, %lt3A_666 : vector<16xi32>
    %add3A_668 = arith.constant 16 : i32
    %add3A_669 = vector.broadcast %add3A_668 : i32 to vector<16xi32>
    %add3A_670 = arith.addi %and3A_664, %add3A_669 : vector<16xi32>
    %select_n3A_671 = arith.select %lt3A_667, %add3A_670, %and3A_664 : vector<16xi1>, vector<16xi32>
    %broadcast_in_dim3A_672 = vector.shape_cast %select_n3A_671 : vector<16xi32> to vector<16x1xi32>
    %gather3A_673 = vector.shape_cast %broadcast_in_dim3A_672 : vector<16x1xi32> to vector<16xi32>
    %gather3A_674 = tpu.dynamic_gather %max3A_658[%gather3A_673] in [0] : vector<16xf32>, vector<16xi32> -> vector<16xf32>
    %max3A_675 = arith.maximumf %max3A_658, %gather3A_674 : vector<16xf32>
    %add3A_676 = arith.constant 4 : i32
    %add3A_677 = vector.broadcast %add3A_676 : i32 to vector<16xi32>
    %add3A_678 = arith.addi %iota3A, %add3A_677 : vector<16xi32>
    %and3A_679 = arith.constant 15 : i32
    %and3A_680 = vector.broadcast %and3A_679 : i32 to vector<16xi32>
    %and3A_681 = arith.andi %add3A_678, %and3A_680 : vector<16xi32>
    %lt3A_682 = arith.constant 0 : i32
    %lt3A_683 = vector.broadcast %lt3A_682 : i32 to vector<16xi32>
    %lt3A_684 = arith.cmpi slt, %and3A_681, %lt3A_683 : vector<16xi32>
    %add3A_685 = arith.constant 16 : i32
    %add3A_686 = vector.broadcast %add3A_685 : i32 to vector<16xi32>
    %add3A_687 = arith.addi %and3A_681, %add3A_686 : vector<16xi32>
    %select_n3A_688 = arith.select %lt3A_684, %add3A_687, %and3A_681 : vector<16xi1>, vector<16xi32>
    %broadcast_in_dim3A_689 = vector.shape_cast %select_n3A_688 : vector<16xi32> to vector<16x1xi32>
    %gather3A_690 = vector.shape_cast %broadcast_in_dim3A_689 : vector<16x1xi32> to vector<16xi32>
    %gather3A_691 = tpu.dynamic_gather %max3A_675[%gather3A_690] in [0] : vector<16xf32>, vector<16xi32> -> vector<16xf32>
    %max3A_692 = arith.maximumf %max3A_675, %gather3A_691 : vector<16xf32>
    %add3A_693 = arith.constant 8 : i32
    %add3A_694 = vector.broadcast %add3A_693 : i32 to vector<16xi32>
    %add3A_695 = arith.addi %iota3A, %add3A_694 : vector<16xi32>
    %and3A_696 = arith.constant 15 : i32
    %and3A_697 = vector.broadcast %and3A_696 : i32 to vector<16xi32>
    %and3A_698 = arith.andi %add3A_695, %and3A_697 : vector<16xi32>
    %lt3A_699 = arith.constant 0 : i32
    %lt3A_700 = vector.broadcast %lt3A_699 : i32 to vector<16xi32>
    %lt3A_701 = arith.cmpi slt, %and3A_698, %lt3A_700 : vector<16xi32>
    %add3A_702 = arith.constant 16 : i32
    %add3A_703 = vector.broadcast %add3A_702 : i32 to vector<16xi32>
    %add3A_704 = arith.addi %and3A_698, %add3A_703 : vector<16xi32>
    %select_n3A_705 = arith.select %lt3A_701, %add3A_704, %and3A_698 : vector<16xi1>, vector<16xi32>
    %broadcast_in_dim3A_706 = vector.shape_cast %select_n3A_705 : vector<16xi32> to vector<16x1xi32>
    %gather3A_707 = vector.shape_cast %broadcast_in_dim3A_706 : vector<16x1xi32> to vector<16xi32>
    %gather3A_708 = tpu.dynamic_gather %max3A_692[%gather3A_707] in [0] : vector<16xf32>, vector<16xi32> -> vector<16xf32>
    %max3A_709 = arith.maximumf %max3A_692, %gather3A_708 : vector<16xf32>
    %add3A_710 = arith.constant 1 : i32
    %add3A_711 = vector.broadcast %add3A_710 : i32 to vector<16xi32>
    %add3A_712 = arith.addi %iota3A, %add3A_711 : vector<16xi32>
    %and3A_713 = arith.constant 15 : i32
    %and3A_714 = vector.broadcast %and3A_713 : i32 to vector<16xi32>
    %and3A_715 = arith.andi %add3A_712, %and3A_714 : vector<16xi32>
    %lt3A_716 = arith.constant 0 : i32
    %lt3A_717 = vector.broadcast %lt3A_716 : i32 to vector<16xi32>
    %lt3A_718 = arith.cmpi slt, %and3A_715, %lt3A_717 : vector<16xi32>
    %add3A_719 = arith.constant 16 : i32
    %add3A_720 = vector.broadcast %add3A_719 : i32 to vector<16xi32>
    %add3A_721 = arith.addi %and3A_715, %add3A_720 : vector<16xi32>
    %select_n3A_722 = arith.select %lt3A_718, %add3A_721, %and3A_715 : vector<16xi1>, vector<16xi32>
    %broadcast_in_dim3A_723 = vector.shape_cast %select_n3A_722 : vector<16xi32> to vector<16x1xi32>
    %gather3A_724 = vector.shape_cast %broadcast_in_dim3A_723 : vector<16x1xi32> to vector<16xi32>
    %gather3A_725 = tpu.dynamic_gather %parallel_loop3A_258#3[%gather3A_724] in [0] : vector<16xf32>, vector<16xi32> -> vector<16xf32>
    %max3A_726 = arith.maximumf %parallel_loop3A_258#3, %gather3A_725 : vector<16xf32>
    %add3A_727 = arith.constant 2 : i32
    %add3A_728 = vector.broadcast %add3A_727 : i32 to vector<16xi32>
    %add3A_729 = arith.addi %iota3A, %add3A_728 : vector<16xi32>
    %and3A_730 = arith.constant 15 : i32
    %and3A_731 = vector.broadcast %and3A_730 : i32 to vector<16xi32>
    %and3A_732 = arith.andi %add3A_729, %and3A_731 : vector<16xi32>
    %lt3A_733 = arith.constant 0 : i32
    %lt3A_734 = vector.broadcast %lt3A_733 : i32 to vector<16xi32>
    %lt3A_735 = arith.cmpi slt, %and3A_732, %lt3A_734 : vector<16xi32>
    %add3A_736 = arith.constant 16 : i32
    %add3A_737 = vector.broadcast %add3A_736 : i32 to vector<16xi32>
    %add3A_738 = arith.addi %and3A_732, %add3A_737 : vector<16xi32>
    %select_n3A_739 = arith.select %lt3A_735, %add3A_738, %and3A_732 : vector<16xi1>, vector<16xi32>
    %broadcast_in_dim3A_740 = vector.shape_cast %select_n3A_739 : vector<16xi32> to vector<16x1xi32>
    %gather3A_741 = vector.shape_cast %broadcast_in_dim3A_740 : vector<16x1xi32> to vector<16xi32>
    %gather3A_742 = tpu.dynamic_gather %max3A_726[%gather3A_741] in [0] : vector<16xf32>, vector<16xi32> -> vector<16xf32>
    %max3A_743 = arith.maximumf %max3A_726, %gather3A_742 : vector<16xf32>
    %add3A_744 = arith.constant 4 : i32
    %add3A_745 = vector.broadcast %add3A_744 : i32 to vector<16xi32>
    %add3A_746 = arith.addi %iota3A, %add3A_745 : vector<16xi32>
    %and3A_747 = arith.constant 15 : i32
    %and3A_748 = vector.broadcast %and3A_747 : i32 to vector<16xi32>
    %and3A_749 = arith.andi %add3A_746, %and3A_748 : vector<16xi32>
    %lt3A_750 = arith.constant 0 : i32
    %lt3A_751 = vector.broadcast %lt3A_750 : i32 to vector<16xi32>
    %lt3A_752 = arith.cmpi slt, %and3A_749, %lt3A_751 : vector<16xi32>
    %add3A_753 = arith.constant 16 : i32
    %add3A_754 = vector.broadcast %add3A_753 : i32 to vector<16xi32>
    %add3A_755 = arith.addi %and3A_749, %add3A_754 : vector<16xi32>
    %select_n3A_756 = arith.select %lt3A_752, %add3A_755, %and3A_749 : vector<16xi1>, vector<16xi32>
    %broadcast_in_dim3A_757 = vector.shape_cast %select_n3A_756 : vector<16xi32> to vector<16x1xi32>
    %gather3A_758 = vector.shape_cast %broadcast_in_dim3A_757 : vector<16x1xi32> to vector<16xi32>
    %gather3A_759 = tpu.dynamic_gather %max3A_743[%gather3A_758] in [0] : vector<16xf32>, vector<16xi32> -> vector<16xf32>
    %max3A_760 = arith.maximumf %max3A_743, %gather3A_759 : vector<16xf32>
    %add3A_761 = arith.constant 8 : i32
    %add3A_762 = vector.broadcast %add3A_761 : i32 to vector<16xi32>
    %add3A_763 = arith.addi %iota3A, %add3A_762 : vector<16xi32>
    %and3A_764 = arith.constant 15 : i32
    %and3A_765 = vector.broadcast %and3A_764 : i32 to vector<16xi32>
    %and3A_766 = arith.andi %add3A_763, %and3A_765 : vector<16xi32>
    %lt3A_767 = arith.constant 0 : i32
    %lt3A_768 = vector.broadcast %lt3A_767 : i32 to vector<16xi32>
    %lt3A_769 = arith.cmpi slt, %and3A_766, %lt3A_768 : vector<16xi32>
    %add3A_770 = arith.constant 16 : i32
    %add3A_771 = vector.broadcast %add3A_770 : i32 to vector<16xi32>
    %add3A_772 = arith.addi %and3A_766, %add3A_771 : vector<16xi32>
    %select_n3A_773 = arith.select %lt3A_769, %add3A_772, %and3A_766 : vector<16xi1>, vector<16xi32>
    %broadcast_in_dim3A_774 = vector.shape_cast %select_n3A_773 : vector<16xi32> to vector<16x1xi32>
    %gather3A_775 = vector.shape_cast %broadcast_in_dim3A_774 : vector<16x1xi32> to vector<16xi32>
    %gather3A_776 = tpu.dynamic_gather %max3A_760[%gather3A_775] in [0] : vector<16xf32>, vector<16xi32> -> vector<16xf32>
    %max3A_777 = arith.maximumf %max3A_760, %gather3A_776 : vector<16xf32>
    %add3A_778 = arith.constant 1 : i32
    %add3A_779 = vector.broadcast %add3A_778 : i32 to vector<16xi32>
    %add3A_780 = arith.addi %iota3A, %add3A_779 : vector<16xi32>
    %and3A_781 = arith.constant 15 : i32
    %and3A_782 = vector.broadcast %and3A_781 : i32 to vector<16xi32>
    %and3A_783 = arith.andi %add3A_780, %and3A_782 : vector<16xi32>
    %lt3A_784 = arith.constant 0 : i32
    %lt3A_785 = vector.broadcast %lt3A_784 : i32 to vector<16xi32>
    %lt3A_786 = arith.cmpi slt, %and3A_783, %lt3A_785 : vector<16xi32>
    %add3A_787 = arith.constant 16 : i32
    %add3A_788 = vector.broadcast %add3A_787 : i32 to vector<16xi32>
    %add3A_789 = arith.addi %and3A_783, %add3A_788 : vector<16xi32>
    %select_n3A_790 = arith.select %lt3A_786, %add3A_789, %and3A_783 : vector<16xi1>, vector<16xi32>
    %broadcast_in_dim3A_791 = vector.shape_cast %select_n3A_790 : vector<16xi32> to vector<16x1xi32>
    %gather3A_792 = vector.shape_cast %broadcast_in_dim3A_791 : vector<16x1xi32> to vector<16xi32>
    %gather3A_793 = tpu.dynamic_gather %parallel_loop3A_258#4[%gather3A_792] in [0] : vector<16xf32>, vector<16xi32> -> vector<16xf32>
    %max3A_794 = arith.maximumf %parallel_loop3A_258#4, %gather3A_793 : vector<16xf32>
    %add3A_795 = arith.constant 2 : i32
    %add3A_796 = vector.broadcast %add3A_795 : i32 to vector<16xi32>
    %add3A_797 = arith.addi %iota3A, %add3A_796 : vector<16xi32>
    %and3A_798 = arith.constant 15 : i32
    %and3A_799 = vector.broadcast %and3A_798 : i32 to vector<16xi32>
    %and3A_800 = arith.andi %add3A_797, %and3A_799 : vector<16xi32>
    %lt3A_801 = arith.constant 0 : i32
    %lt3A_802 = vector.broadcast %lt3A_801 : i32 to vector<16xi32>
    %lt3A_803 = arith.cmpi slt, %and3A_800, %lt3A_802 : vector<16xi32>
    %add3A_804 = arith.constant 16 : i32
    %add3A_805 = vector.broadcast %add3A_804 : i32 to vector<16xi32>
    %add3A_806 = arith.addi %and3A_800, %add3A_805 : vector<16xi32>
    %select_n3A_807 = arith.select %lt3A_803, %add3A_806, %and3A_800 : vector<16xi1>, vector<16xi32>
    %broadcast_in_dim3A_808 = vector.shape_cast %select_n3A_807 : vector<16xi32> to vector<16x1xi32>
    %gather3A_809 = vector.shape_cast %broadcast_in_dim3A_808 : vector<16x1xi32> to vector<16xi32>
    %gather3A_810 = tpu.dynamic_gather %max3A_794[%gather3A_809] in [0] : vector<16xf32>, vector<16xi32> -> vector<16xf32>
    %max3A_811 = arith.maximumf %max3A_794, %gather3A_810 : vector<16xf32>
    %add3A_812 = arith.constant 4 : i32
    %add3A_813 = vector.broadcast %add3A_812 : i32 to vector<16xi32>
    %add3A_814 = arith.addi %iota3A, %add3A_813 : vector<16xi32>
    %and3A_815 = arith.constant 15 : i32
    %and3A_816 = vector.broadcast %and3A_815 : i32 to vector<16xi32>
    %and3A_817 = arith.andi %add3A_814, %and3A_816 : vector<16xi32>
    %lt3A_818 = arith.constant 0 : i32
    %lt3A_819 = vector.broadcast %lt3A_818 : i32 to vector<16xi32>
    %lt3A_820 = arith.cmpi slt, %and3A_817, %lt3A_819 : vector<16xi32>
    %add3A_821 = arith.constant 16 : i32
    %add3A_822 = vector.broadcast %add3A_821 : i32 to vector<16xi32>
    %add3A_823 = arith.addi %and3A_817, %add3A_822 : vector<16xi32>
    %select_n3A_824 = arith.select %lt3A_820, %add3A_823, %and3A_817 : vector<16xi1>, vector<16xi32>
    %broadcast_in_dim3A_825 = vector.shape_cast %select_n3A_824 : vector<16xi32> to vector<16x1xi32>
    %gather3A_826 = vector.shape_cast %broadcast_in_dim3A_825 : vector<16x1xi32> to vector<16xi32>
    %gather3A_827 = tpu.dynamic_gather %max3A_811[%gather3A_826] in [0] : vector<16xf32>, vector<16xi32> -> vector<16xf32>
    %max3A_828 = arith.maximumf %max3A_811, %gather3A_827 : vector<16xf32>
    %add3A_829 = arith.constant 8 : i32
    %add3A_830 = vector.broadcast %add3A_829 : i32 to vector<16xi32>
    %add3A_831 = arith.addi %iota3A, %add3A_830 : vector<16xi32>
    %and3A_832 = arith.constant 15 : i32
    %and3A_833 = vector.broadcast %and3A_832 : i32 to vector<16xi32>
    %and3A_834 = arith.andi %add3A_831, %and3A_833 : vector<16xi32>
    %lt3A_835 = arith.constant 0 : i32
    %lt3A_836 = vector.broadcast %lt3A_835 : i32 to vector<16xi32>
    %lt3A_837 = arith.cmpi slt, %and3A_834, %lt3A_836 : vector<16xi32>
    %add3A_838 = arith.constant 16 : i32
    %add3A_839 = vector.broadcast %add3A_838 : i32 to vector<16xi32>
    %add3A_840 = arith.addi %and3A_834, %add3A_839 : vector<16xi32>
    %select_n3A_841 = arith.select %lt3A_837, %add3A_840, %and3A_834 : vector<16xi1>, vector<16xi32>
    %broadcast_in_dim3A_842 = vector.shape_cast %select_n3A_841 : vector<16xi32> to vector<16x1xi32>
    %gather3A_843 = vector.shape_cast %broadcast_in_dim3A_842 : vector<16x1xi32> to vector<16xi32>
    %gather3A_844 = tpu.dynamic_gather %max3A_828[%gather3A_843] in [0] : vector<16xf32>, vector<16xi32> -> vector<16xf32>
    %max3A_845 = arith.maximumf %max3A_828, %gather3A_844 : vector<16xf32>
    %add3A_846 = arith.constant 1 : i32
    %add3A_847 = vector.broadcast %add3A_846 : i32 to vector<16xi32>
    %add3A_848 = arith.addi %iota3A, %add3A_847 : vector<16xi32>
    %and3A_849 = arith.constant 15 : i32
    %and3A_850 = vector.broadcast %and3A_849 : i32 to vector<16xi32>
    %and3A_851 = arith.andi %add3A_848, %and3A_850 : vector<16xi32>
    %lt3A_852 = arith.constant 0 : i32
    %lt3A_853 = vector.broadcast %lt3A_852 : i32 to vector<16xi32>
    %lt3A_854 = arith.cmpi slt, %and3A_851, %lt3A_853 : vector<16xi32>
    %add3A_855 = arith.constant 16 : i32
    %add3A_856 = vector.broadcast %add3A_855 : i32 to vector<16xi32>
    %add3A_857 = arith.addi %and3A_851, %add3A_856 : vector<16xi32>
    %select_n3A_858 = arith.select %lt3A_854, %add3A_857, %and3A_851 : vector<16xi1>, vector<16xi32>
    %broadcast_in_dim3A_859 = vector.shape_cast %select_n3A_858 : vector<16xi32> to vector<16x1xi32>
    %gather3A_860 = vector.shape_cast %broadcast_in_dim3A_859 : vector<16x1xi32> to vector<16xi32>
    %gather3A_861 = tpu.dynamic_gather %parallel_loop3A_258#5[%gather3A_860] in [0] : vector<16xf32>, vector<16xi32> -> vector<16xf32>
    %max3A_862 = arith.maximumf %parallel_loop3A_258#5, %gather3A_861 : vector<16xf32>
    %add3A_863 = arith.constant 2 : i32
    %add3A_864 = vector.broadcast %add3A_863 : i32 to vector<16xi32>
    %add3A_865 = arith.addi %iota3A, %add3A_864 : vector<16xi32>
    %and3A_866 = arith.constant 15 : i32
    %and3A_867 = vector.broadcast %and3A_866 : i32 to vector<16xi32>
    %and3A_868 = arith.andi %add3A_865, %and3A_867 : vector<16xi32>
    %lt3A_869 = arith.constant 0 : i32
    %lt3A_870 = vector.broadcast %lt3A_869 : i32 to vector<16xi32>
    %lt3A_871 = arith.cmpi slt, %and3A_868, %lt3A_870 : vector<16xi32>
    %add3A_872 = arith.constant 16 : i32
    %add3A_873 = vector.broadcast %add3A_872 : i32 to vector<16xi32>
    %add3A_874 = arith.addi %and3A_868, %add3A_873 : vector<16xi32>
    %select_n3A_875 = arith.select %lt3A_871, %add3A_874, %and3A_868 : vector<16xi1>, vector<16xi32>
    %broadcast_in_dim3A_876 = vector.shape_cast %select_n3A_875 : vector<16xi32> to vector<16x1xi32>
    %gather3A_877 = vector.shape_cast %broadcast_in_dim3A_876 : vector<16x1xi32> to vector<16xi32>
    %gather3A_878 = tpu.dynamic_gather %max3A_862[%gather3A_877] in [0] : vector<16xf32>, vector<16xi32> -> vector<16xf32>
    %max3A_879 = arith.maximumf %max3A_862, %gather3A_878 : vector<16xf32>
    %add3A_880 = arith.constant 4 : i32
    %add3A_881 = vector.broadcast %add3A_880 : i32 to vector<16xi32>
    %add3A_882 = arith.addi %iota3A, %add3A_881 : vector<16xi32>
    %and3A_883 = arith.constant 15 : i32
    %and3A_884 = vector.broadcast %and3A_883 : i32 to vector<16xi32>
    %and3A_885 = arith.andi %add3A_882, %and3A_884 : vector<16xi32>
    %lt3A_886 = arith.constant 0 : i32
    %lt3A_887 = vector.broadcast %lt3A_886 : i32 to vector<16xi32>
    %lt3A_888 = arith.cmpi slt, %and3A_885, %lt3A_887 : vector<16xi32>
    %add3A_889 = arith.constant 16 : i32
    %add3A_890 = vector.broadcast %add3A_889 : i32 to vector<16xi32>
    %add3A_891 = arith.addi %and3A_885, %add3A_890 : vector<16xi32>
    %select_n3A_892 = arith.select %lt3A_888, %add3A_891, %and3A_885 : vector<16xi1>, vector<16xi32>
    %broadcast_in_dim3A_893 = vector.shape_cast %select_n3A_892 : vector<16xi32> to vector<16x1xi32>
    %gather3A_894 = vector.shape_cast %broadcast_in_dim3A_893 : vector<16x1xi32> to vector<16xi32>
    %gather3A_895 = tpu.dynamic_gather %max3A_879[%gather3A_894] in [0] : vector<16xf32>, vector<16xi32> -> vector<16xf32>
    %max3A_896 = arith.maximumf %max3A_879, %gather3A_895 : vector<16xf32>
    %add3A_897 = arith.constant 8 : i32
    %add3A_898 = vector.broadcast %add3A_897 : i32 to vector<16xi32>
    %add3A_899 = arith.addi %iota3A, %add3A_898 : vector<16xi32>
    %and3A_900 = arith.constant 15 : i32
    %and3A_901 = vector.broadcast %and3A_900 : i32 to vector<16xi32>
    %and3A_902 = arith.andi %add3A_899, %and3A_901 : vector<16xi32>
    %lt3A_903 = arith.constant 0 : i32
    %lt3A_904 = vector.broadcast %lt3A_903 : i32 to vector<16xi32>
    %lt3A_905 = arith.cmpi slt, %and3A_902, %lt3A_904 : vector<16xi32>
    %add3A_906 = arith.constant 16 : i32
    %add3A_907 = vector.broadcast %add3A_906 : i32 to vector<16xi32>
    %add3A_908 = arith.addi %and3A_902, %add3A_907 : vector<16xi32>
    %select_n3A_909 = arith.select %lt3A_905, %add3A_908, %and3A_902 : vector<16xi1>, vector<16xi32>
    %broadcast_in_dim3A_910 = vector.shape_cast %select_n3A_909 : vector<16xi32> to vector<16x1xi32>
    %gather3A_911 = vector.shape_cast %broadcast_in_dim3A_910 : vector<16x1xi32> to vector<16xi32>
    %gather3A_912 = tpu.dynamic_gather %max3A_896[%gather3A_911] in [0] : vector<16xf32>, vector<16xi32> -> vector<16xf32>
    %max3A_913 = arith.maximumf %max3A_896, %gather3A_912 : vector<16xf32>
    %add3A_914 = arith.constant 1 : i32
    %add3A_915 = vector.broadcast %add3A_914 : i32 to vector<16xi32>
    %add3A_916 = arith.addi %iota3A, %add3A_915 : vector<16xi32>
    %and3A_917 = arith.constant 15 : i32
    %and3A_918 = vector.broadcast %and3A_917 : i32 to vector<16xi32>
    %and3A_919 = arith.andi %add3A_916, %and3A_918 : vector<16xi32>
    %lt3A_920 = arith.constant 0 : i32
    %lt3A_921 = vector.broadcast %lt3A_920 : i32 to vector<16xi32>
    %lt3A_922 = arith.cmpi slt, %and3A_919, %lt3A_921 : vector<16xi32>
    %add3A_923 = arith.constant 16 : i32
    %add3A_924 = vector.broadcast %add3A_923 : i32 to vector<16xi32>
    %add3A_925 = arith.addi %and3A_919, %add3A_924 : vector<16xi32>
    %select_n3A_926 = arith.select %lt3A_922, %add3A_925, %and3A_919 : vector<16xi1>, vector<16xi32>
    %broadcast_in_dim3A_927 = vector.shape_cast %select_n3A_926 : vector<16xi32> to vector<16x1xi32>
    %gather3A_928 = vector.shape_cast %broadcast_in_dim3A_927 : vector<16x1xi32> to vector<16xi32>
    %gather3A_929 = tpu.dynamic_gather %parallel_loop3A_258#6[%gather3A_928] in [0] : vector<16xf32>, vector<16xi32> -> vector<16xf32>
    %max3A_930 = arith.maximumf %parallel_loop3A_258#6, %gather3A_929 : vector<16xf32>
    %add3A_931 = arith.constant 2 : i32
    %add3A_932 = vector.broadcast %add3A_931 : i32 to vector<16xi32>
    %add3A_933 = arith.addi %iota3A, %add3A_932 : vector<16xi32>
    %and3A_934 = arith.constant 15 : i32
    %and3A_935 = vector.broadcast %and3A_934 : i32 to vector<16xi32>
    %and3A_936 = arith.andi %add3A_933, %and3A_935 : vector<16xi32>
    %lt3A_937 = arith.constant 0 : i32
    %lt3A_938 = vector.broadcast %lt3A_937 : i32 to vector<16xi32>
    %lt3A_939 = arith.cmpi slt, %and3A_936, %lt3A_938 : vector<16xi32>
    %add3A_940 = arith.constant 16 : i32
    %add3A_941 = vector.broadcast %add3A_940 : i32 to vector<16xi32>
    %add3A_942 = arith.addi %and3A_936, %add3A_941 : vector<16xi32>
    %select_n3A_943 = arith.select %lt3A_939, %add3A_942, %and3A_936 : vector<16xi1>, vector<16xi32>
    %broadcast_in_dim3A_944 = vector.shape_cast %select_n3A_943 : vector<16xi32> to vector<16x1xi32>
    %gather3A_945 = vector.shape_cast %broadcast_in_dim3A_944 : vector<16x1xi32> to vector<16xi32>
    %gather3A_946 = tpu.dynamic_gather %max3A_930[%gather3A_945] in [0] : vector<16xf32>, vector<16xi32> -> vector<16xf32>
    %max3A_947 = arith.maximumf %max3A_930, %gather3A_946 : vector<16xf32>
    %add3A_948 = arith.constant 4 : i32
    %add3A_949 = vector.broadcast %add3A_948 : i32 to vector<16xi32>
    %add3A_950 = arith.addi %iota3A, %add3A_949 : vector<16xi32>
    %and3A_951 = arith.constant 15 : i32
    %and3A_952 = vector.broadcast %and3A_951 : i32 to vector<16xi32>
    %and3A_953 = arith.andi %add3A_950, %and3A_952 : vector<16xi32>
    %lt3A_954 = arith.constant 0 : i32
    %lt3A_955 = vector.broadcast %lt3A_954 : i32 to vector<16xi32>
    %lt3A_956 = arith.cmpi slt, %and3A_953, %lt3A_955 : vector<16xi32>
    %add3A_957 = arith.constant 16 : i32
    %add3A_958 = vector.broadcast %add3A_957 : i32 to vector<16xi32>
    %add3A_959 = arith.addi %and3A_953, %add3A_958 : vector<16xi32>
    %select_n3A_960 = arith.select %lt3A_956, %add3A_959, %and3A_953 : vector<16xi1>, vector<16xi32>
    %broadcast_in_dim3A_961 = vector.shape_cast %select_n3A_960 : vector<16xi32> to vector<16x1xi32>
    %gather3A_962 = vector.shape_cast %broadcast_in_dim3A_961 : vector<16x1xi32> to vector<16xi32>
    %gather3A_963 = tpu.dynamic_gather %max3A_947[%gather3A_962] in [0] : vector<16xf32>, vector<16xi32> -> vector<16xf32>
    %max3A_964 = arith.maximumf %max3A_947, %gather3A_963 : vector<16xf32>
    %add3A_965 = arith.constant 8 : i32
    %add3A_966 = vector.broadcast %add3A_965 : i32 to vector<16xi32>
    %add3A_967 = arith.addi %iota3A, %add3A_966 : vector<16xi32>
    %and3A_968 = arith.constant 15 : i32
    %and3A_969 = vector.broadcast %and3A_968 : i32 to vector<16xi32>
    %and3A_970 = arith.andi %add3A_967, %and3A_969 : vector<16xi32>
    %lt3A_971 = arith.constant 0 : i32
    %lt3A_972 = vector.broadcast %lt3A_971 : i32 to vector<16xi32>
    %lt3A_973 = arith.cmpi slt, %and3A_970, %lt3A_972 : vector<16xi32>
    %add3A_974 = arith.constant 16 : i32
    %add3A_975 = vector.broadcast %add3A_974 : i32 to vector<16xi32>
    %add3A_976 = arith.addi %and3A_970, %add3A_975 : vector<16xi32>
    %select_n3A_977 = arith.select %lt3A_973, %add3A_976, %and3A_970 : vector<16xi1>, vector<16xi32>
    %broadcast_in_dim3A_978 = vector.shape_cast %select_n3A_977 : vector<16xi32> to vector<16x1xi32>
    %gather3A_979 = vector.shape_cast %broadcast_in_dim3A_978 : vector<16x1xi32> to vector<16xi32>
    %gather3A_980 = tpu.dynamic_gather %max3A_964[%gather3A_979] in [0] : vector<16xf32>, vector<16xi32> -> vector<16xf32>
    %max3A_981 = arith.maximumf %max3A_964, %gather3A_980 : vector<16xf32>
    %add3A_982 = arith.constant 1 : i32
    %add3A_983 = vector.broadcast %add3A_982 : i32 to vector<16xi32>
    %add3A_984 = arith.addi %iota3A, %add3A_983 : vector<16xi32>
    %and3A_985 = arith.constant 15 : i32
    %and3A_986 = vector.broadcast %and3A_985 : i32 to vector<16xi32>
    %and3A_987 = arith.andi %add3A_984, %and3A_986 : vector<16xi32>
    %lt3A_988 = arith.constant 0 : i32
    %lt3A_989 = vector.broadcast %lt3A_988 : i32 to vector<16xi32>
    %lt3A_990 = arith.cmpi slt, %and3A_987, %lt3A_989 : vector<16xi32>
    %add3A_991 = arith.constant 16 : i32
    %add3A_992 = vector.broadcast %add3A_991 : i32 to vector<16xi32>
    %add3A_993 = arith.addi %and3A_987, %add3A_992 : vector<16xi32>
    %select_n3A_994 = arith.select %lt3A_990, %add3A_993, %and3A_987 : vector<16xi1>, vector<16xi32>
    %broadcast_in_dim3A_995 = vector.shape_cast %select_n3A_994 : vector<16xi32> to vector<16x1xi32>
    %gather3A_996 = vector.shape_cast %broadcast_in_dim3A_995 : vector<16x1xi32> to vector<16xi32>
    %gather3A_997 = tpu.dynamic_gather %parallel_loop3A_258#7[%gather3A_996] in [0] : vector<16xf32>, vector<16xi32> -> vector<16xf32>
    %max3A_998 = arith.maximumf %parallel_loop3A_258#7, %gather3A_997 : vector<16xf32>
    %add3A_999 = arith.constant 2 : i32
    %add3A_1000 = vector.broadcast %add3A_999 : i32 to vector<16xi32>
    %add3A_1001 = arith.addi %iota3A, %add3A_1000 : vector<16xi32>
    %and3A_1002 = arith.constant 15 : i32
    %and3A_1003 = vector.broadcast %and3A_1002 : i32 to vector<16xi32>
    %and3A_1004 = arith.andi %add3A_1001, %and3A_1003 : vector<16xi32>
    %lt3A_1005 = arith.constant 0 : i32
    %lt3A_1006 = vector.broadcast %lt3A_1005 : i32 to vector<16xi32>
    %lt3A_1007 = arith.cmpi slt, %and3A_1004, %lt3A_1006 : vector<16xi32>
    %add3A_1008 = arith.constant 16 : i32
    %add3A_1009 = vector.broadcast %add3A_1008 : i32 to vector<16xi32>
    %add3A_1010 = arith.addi %and3A_1004, %add3A_1009 : vector<16xi32>
    %select_n3A_1011 = arith.select %lt3A_1007, %add3A_1010, %and3A_1004 : vector<16xi1>, vector<16xi32>
    %broadcast_in_dim3A_1012 = vector.shape_cast %select_n3A_1011 : vector<16xi32> to vector<16x1xi32>
    %gather3A_1013 = vector.shape_cast %broadcast_in_dim3A_1012 : vector<16x1xi32> to vector<16xi32>
    %gather3A_1014 = tpu.dynamic_gather %max3A_998[%gather3A_1013] in [0] : vector<16xf32>, vector<16xi32> -> vector<16xf32>
    %max3A_1015 = arith.maximumf %max3A_998, %gather3A_1014 : vector<16xf32>
    %add3A_1016 = arith.constant 4 : i32
    %add3A_1017 = vector.broadcast %add3A_1016 : i32 to vector<16xi32>
    %add3A_1018 = arith.addi %iota3A, %add3A_1017 : vector<16xi32>
    %and3A_1019 = arith.constant 15 : i32
    %and3A_1020 = vector.broadcast %and3A_1019 : i32 to vector<16xi32>
    %and3A_1021 = arith.andi %add3A_1018, %and3A_1020 : vector<16xi32>
    %lt3A_1022 = arith.constant 0 : i32
    %lt3A_1023 = vector.broadcast %lt3A_1022 : i32 to vector<16xi32>
    %lt3A_1024 = arith.cmpi slt, %and3A_1021, %lt3A_1023 : vector<16xi32>
    %add3A_1025 = arith.constant 16 : i32
    %add3A_1026 = vector.broadcast %add3A_1025 : i32 to vector<16xi32>
    %add3A_1027 = arith.addi %and3A_1021, %add3A_1026 : vector<16xi32>
    %select_n3A_1028 = arith.select %lt3A_1024, %add3A_1027, %and3A_1021 : vector<16xi1>, vector<16xi32>
    %broadcast_in_dim3A_1029 = vector.shape_cast %select_n3A_1028 : vector<16xi32> to vector<16x1xi32>
    %gather3A_1030 = vector.shape_cast %broadcast_in_dim3A_1029 : vector<16x1xi32> to vector<16xi32>
    %gather3A_1031 = tpu.dynamic_gather %max3A_1015[%gather3A_1030] in [0] : vector<16xf32>, vector<16xi32> -> vector<16xf32>
    %max3A_1032 = arith.maximumf %max3A_1015, %gather3A_1031 : vector<16xf32>
    %add3A_1033 = arith.constant 8 : i32
    %add3A_1034 = vector.broadcast %add3A_1033 : i32 to vector<16xi32>
    %add3A_1035 = arith.addi %iota3A, %add3A_1034 : vector<16xi32>
    %and3A_1036 = arith.constant 15 : i32
    %and3A_1037 = vector.broadcast %and3A_1036 : i32 to vector<16xi32>
    %and3A_1038 = arith.andi %add3A_1035, %and3A_1037 : vector<16xi32>
    %lt3A_1039 = arith.constant 0 : i32
    %lt3A_1040 = vector.broadcast %lt3A_1039 : i32 to vector<16xi32>
    %lt3A_1041 = arith.cmpi slt, %and3A_1038, %lt3A_1040 : vector<16xi32>
    %add3A_1042 = arith.constant 16 : i32
    %add3A_1043 = vector.broadcast %add3A_1042 : i32 to vector<16xi32>
    %add3A_1044 = arith.addi %and3A_1038, %add3A_1043 : vector<16xi32>
    %select_n3A_1045 = arith.select %lt3A_1041, %add3A_1044, %and3A_1038 : vector<16xi1>, vector<16xi32>
    %broadcast_in_dim3A_1046 = vector.shape_cast %select_n3A_1045 : vector<16xi32> to vector<16x1xi32>
    %gather3A_1047 = vector.shape_cast %broadcast_in_dim3A_1046 : vector<16x1xi32> to vector<16xi32>
    %gather3A_1048 = tpu.dynamic_gather %max3A_1032[%gather3A_1047] in [0] : vector<16xf32>, vector<16xi32> -> vector<16xf32>
    %max3A_1049 = arith.maximumf %max3A_1032, %gather3A_1048 : vector<16xf32>
    %add3A_1050 = arith.constant 1 : i32
    %add3A_1051 = vector.broadcast %add3A_1050 : i32 to vector<16xi32>
    %add3A_1052 = arith.addi %iota3A, %add3A_1051 : vector<16xi32>
    %and3A_1053 = arith.constant 15 : i32
    %and3A_1054 = vector.broadcast %and3A_1053 : i32 to vector<16xi32>
    %and3A_1055 = arith.andi %add3A_1052, %and3A_1054 : vector<16xi32>
    %lt3A_1056 = arith.constant 0 : i32
    %lt3A_1057 = vector.broadcast %lt3A_1056 : i32 to vector<16xi32>
    %lt3A_1058 = arith.cmpi slt, %and3A_1055, %lt3A_1057 : vector<16xi32>
    %add3A_1059 = arith.constant 16 : i32
    %add3A_1060 = vector.broadcast %add3A_1059 : i32 to vector<16xi32>
    %add3A_1061 = arith.addi %and3A_1055, %add3A_1060 : vector<16xi32>
    %select_n3A_1062 = arith.select %lt3A_1058, %add3A_1061, %and3A_1055 : vector<16xi1>, vector<16xi32>
    %broadcast_in_dim3A_1063 = vector.shape_cast %select_n3A_1062 : vector<16xi32> to vector<16x1xi32>
    %gather3A_1064 = vector.shape_cast %broadcast_in_dim3A_1063 : vector<16x1xi32> to vector<16xi32>
    %gather3A_1065 = tpu.dynamic_gather %parallel_loop3A_510#0[%gather3A_1064] in [0] : vector<16xf32>, vector<16xi32> -> vector<16xf32>
    %max3A_1066 = arith.maximumf %parallel_loop3A_510#0, %gather3A_1065 : vector<16xf32>
    %add3A_1067 = arith.constant 2 : i32
    %add3A_1068 = vector.broadcast %add3A_1067 : i32 to vector<16xi32>
    %add3A_1069 = arith.addi %iota3A, %add3A_1068 : vector<16xi32>
    %and3A_1070 = arith.constant 15 : i32
    %and3A_1071 = vector.broadcast %and3A_1070 : i32 to vector<16xi32>
    %and3A_1072 = arith.andi %add3A_1069, %and3A_1071 : vector<16xi32>
    %lt3A_1073 = arith.constant 0 : i32
    %lt3A_1074 = vector.broadcast %lt3A_1073 : i32 to vector<16xi32>
    %lt3A_1075 = arith.cmpi slt, %and3A_1072, %lt3A_1074 : vector<16xi32>
    %add3A_1076 = arith.constant 16 : i32
    %add3A_1077 = vector.broadcast %add3A_1076 : i32 to vector<16xi32>
    %add3A_1078 = arith.addi %and3A_1072, %add3A_1077 : vector<16xi32>
    %select_n3A_1079 = arith.select %lt3A_1075, %add3A_1078, %and3A_1072 : vector<16xi1>, vector<16xi32>
    %broadcast_in_dim3A_1080 = vector.shape_cast %select_n3A_1079 : vector<16xi32> to vector<16x1xi32>
    %gather3A_1081 = vector.shape_cast %broadcast_in_dim3A_1080 : vector<16x1xi32> to vector<16xi32>
    %gather3A_1082 = tpu.dynamic_gather %max3A_1066[%gather3A_1081] in [0] : vector<16xf32>, vector<16xi32> -> vector<16xf32>
    %max3A_1083 = arith.maximumf %max3A_1066, %gather3A_1082 : vector<16xf32>
    %add3A_1084 = arith.constant 4 : i32
    %add3A_1085 = vector.broadcast %add3A_1084 : i32 to vector<16xi32>
    %add3A_1086 = arith.addi %iota3A, %add3A_1085 : vector<16xi32>
    %and3A_1087 = arith.constant 15 : i32
    %and3A_1088 = vector.broadcast %and3A_1087 : i32 to vector<16xi32>
    %and3A_1089 = arith.andi %add3A_1086, %and3A_1088 : vector<16xi32>
    %lt3A_1090 = arith.constant 0 : i32
    %lt3A_1091 = vector.broadcast %lt3A_1090 : i32 to vector<16xi32>
    %lt3A_1092 = arith.cmpi slt, %and3A_1089, %lt3A_1091 : vector<16xi32>
    %add3A_1093 = arith.constant 16 : i32
    %add3A_1094 = vector.broadcast %add3A_1093 : i32 to vector<16xi32>
    %add3A_1095 = arith.addi %and3A_1089, %add3A_1094 : vector<16xi32>
    %select_n3A_1096 = arith.select %lt3A_1092, %add3A_1095, %and3A_1089 : vector<16xi1>, vector<16xi32>
    %broadcast_in_dim3A_1097 = vector.shape_cast %select_n3A_1096 : vector<16xi32> to vector<16x1xi32>
    %gather3A_1098 = vector.shape_cast %broadcast_in_dim3A_1097 : vector<16x1xi32> to vector<16xi32>
    %gather3A_1099 = tpu.dynamic_gather %max3A_1083[%gather3A_1098] in [0] : vector<16xf32>, vector<16xi32> -> vector<16xf32>
    %max3A_1100 = arith.maximumf %max3A_1083, %gather3A_1099 : vector<16xf32>
    %add3A_1101 = arith.constant 8 : i32
    %add3A_1102 = vector.broadcast %add3A_1101 : i32 to vector<16xi32>
    %add3A_1103 = arith.addi %iota3A, %add3A_1102 : vector<16xi32>
    %and3A_1104 = arith.constant 15 : i32
    %and3A_1105 = vector.broadcast %and3A_1104 : i32 to vector<16xi32>
    %and3A_1106 = arith.andi %add3A_1103, %and3A_1105 : vector<16xi32>
    %lt3A_1107 = arith.constant 0 : i32
    %lt3A_1108 = vector.broadcast %lt3A_1107 : i32 to vector<16xi32>
    %lt3A_1109 = arith.cmpi slt, %and3A_1106, %lt3A_1108 : vector<16xi32>
    %add3A_1110 = arith.constant 16 : i32
    %add3A_1111 = vector.broadcast %add3A_1110 : i32 to vector<16xi32>
    %add3A_1112 = arith.addi %and3A_1106, %add3A_1111 : vector<16xi32>
    %select_n3A_1113 = arith.select %lt3A_1109, %add3A_1112, %and3A_1106 : vector<16xi1>, vector<16xi32>
    %broadcast_in_dim3A_1114 = vector.shape_cast %select_n3A_1113 : vector<16xi32> to vector<16x1xi32>
    %gather3A_1115 = vector.shape_cast %broadcast_in_dim3A_1114 : vector<16x1xi32> to vector<16xi32>
    %gather3A_1116 = tpu.dynamic_gather %max3A_1100[%gather3A_1115] in [0] : vector<16xf32>, vector<16xi32> -> vector<16xf32>
    %max3A_1117 = arith.maximumf %max3A_1100, %gather3A_1116 : vector<16xf32>
    %add3A_1118 = arith.constant 1 : i32
    %add3A_1119 = vector.broadcast %add3A_1118 : i32 to vector<16xi32>
    %add3A_1120 = arith.addi %iota3A, %add3A_1119 : vector<16xi32>
    %and3A_1121 = arith.constant 15 : i32
    %and3A_1122 = vector.broadcast %and3A_1121 : i32 to vector<16xi32>
    %and3A_1123 = arith.andi %add3A_1120, %and3A_1122 : vector<16xi32>
    %lt3A_1124 = arith.constant 0 : i32
    %lt3A_1125 = vector.broadcast %lt3A_1124 : i32 to vector<16xi32>
    %lt3A_1126 = arith.cmpi slt, %and3A_1123, %lt3A_1125 : vector<16xi32>
    %add3A_1127 = arith.constant 16 : i32
    %add3A_1128 = vector.broadcast %add3A_1127 : i32 to vector<16xi32>
    %add3A_1129 = arith.addi %and3A_1123, %add3A_1128 : vector<16xi32>
    %select_n3A_1130 = arith.select %lt3A_1126, %add3A_1129, %and3A_1123 : vector<16xi1>, vector<16xi32>
    %broadcast_in_dim3A_1131 = vector.shape_cast %select_n3A_1130 : vector<16xi32> to vector<16x1xi32>
    %gather3A_1132 = vector.shape_cast %broadcast_in_dim3A_1131 : vector<16x1xi32> to vector<16xi32>
    %gather3A_1133 = tpu.dynamic_gather %parallel_loop3A_510#1[%gather3A_1132] in [0] : vector<16xf32>, vector<16xi32> -> vector<16xf32>
    %max3A_1134 = arith.maximumf %parallel_loop3A_510#1, %gather3A_1133 : vector<16xf32>
    %add3A_1135 = arith.constant 2 : i32
    %add3A_1136 = vector.broadcast %add3A_1135 : i32 to vector<16xi32>
    %add3A_1137 = arith.addi %iota3A, %add3A_1136 : vector<16xi32>
    %and3A_1138 = arith.constant 15 : i32
    %and3A_1139 = vector.broadcast %and3A_1138 : i32 to vector<16xi32>
    %and3A_1140 = arith.andi %add3A_1137, %and3A_1139 : vector<16xi32>
    %lt3A_1141 = arith.constant 0 : i32
    %lt3A_1142 = vector.broadcast %lt3A_1141 : i32 to vector<16xi32>
    %lt3A_1143 = arith.cmpi slt, %and3A_1140, %lt3A_1142 : vector<16xi32>
    %add3A_1144 = arith.constant 16 : i32
    %add3A_1145 = vector.broadcast %add3A_1144 : i32 to vector<16xi32>
    %add3A_1146 = arith.addi %and3A_1140, %add3A_1145 : vector<16xi32>
    %select_n3A_1147 = arith.select %lt3A_1143, %add3A_1146, %and3A_1140 : vector<16xi1>, vector<16xi32>
    %broadcast_in_dim3A_1148 = vector.shape_cast %select_n3A_1147 : vector<16xi32> to vector<16x1xi32>
    %gather3A_1149 = vector.shape_cast %broadcast_in_dim3A_1148 : vector<16x1xi32> to vector<16xi32>
    %gather3A_1150 = tpu.dynamic_gather %max3A_1134[%gather3A_1149] in [0] : vector<16xf32>, vector<16xi32> -> vector<16xf32>
    %max3A_1151 = arith.maximumf %max3A_1134, %gather3A_1150 : vector<16xf32>
    %add3A_1152 = arith.constant 4 : i32
    %add3A_1153 = vector.broadcast %add3A_1152 : i32 to vector<16xi32>
    %add3A_1154 = arith.addi %iota3A, %add3A_1153 : vector<16xi32>
    %and3A_1155 = arith.constant 15 : i32
    %and3A_1156 = vector.broadcast %and3A_1155 : i32 to vector<16xi32>
    %and3A_1157 = arith.andi %add3A_1154, %and3A_1156 : vector<16xi32>
    %lt3A_1158 = arith.constant 0 : i32
    %lt3A_1159 = vector.broadcast %lt3A_1158 : i32 to vector<16xi32>
    %lt3A_1160 = arith.cmpi slt, %and3A_1157, %lt3A_1159 : vector<16xi32>
    %add3A_1161 = arith.constant 16 : i32
    %add3A_1162 = vector.broadcast %add3A_1161 : i32 to vector<16xi32>
    %add3A_1163 = arith.addi %and3A_1157, %add3A_1162 : vector<16xi32>
    %select_n3A_1164 = arith.select %lt3A_1160, %add3A_1163, %and3A_1157 : vector<16xi1>, vector<16xi32>
    %broadcast_in_dim3A_1165 = vector.shape_cast %select_n3A_1164 : vector<16xi32> to vector<16x1xi32>
    %gather3A_1166 = vector.shape_cast %broadcast_in_dim3A_1165 : vector<16x1xi32> to vector<16xi32>
    %gather3A_1167 = tpu.dynamic_gather %max3A_1151[%gather3A_1166] in [0] : vector<16xf32>, vector<16xi32> -> vector<16xf32>
    %max3A_1168 = arith.maximumf %max3A_1151, %gather3A_1167 : vector<16xf32>
    %add3A_1169 = arith.constant 8 : i32
    %add3A_1170 = vector.broadcast %add3A_1169 : i32 to vector<16xi32>
    %add3A_1171 = arith.addi %iota3A, %add3A_1170 : vector<16xi32>
    %and3A_1172 = arith.constant 15 : i32
    %and3A_1173 = vector.broadcast %and3A_1172 : i32 to vector<16xi32>
    %and3A_1174 = arith.andi %add3A_1171, %and3A_1173 : vector<16xi32>
    %lt3A_1175 = arith.constant 0 : i32
    %lt3A_1176 = vector.broadcast %lt3A_1175 : i32 to vector<16xi32>
    %lt3A_1177 = arith.cmpi slt, %and3A_1174, %lt3A_1176 : vector<16xi32>
    %add3A_1178 = arith.constant 16 : i32
    %add3A_1179 = vector.broadcast %add3A_1178 : i32 to vector<16xi32>
    %add3A_1180 = arith.addi %and3A_1174, %add3A_1179 : vector<16xi32>
    %select_n3A_1181 = arith.select %lt3A_1177, %add3A_1180, %and3A_1174 : vector<16xi1>, vector<16xi32>
    %broadcast_in_dim3A_1182 = vector.shape_cast %select_n3A_1181 : vector<16xi32> to vector<16x1xi32>
    %gather3A_1183 = vector.shape_cast %broadcast_in_dim3A_1182 : vector<16x1xi32> to vector<16xi32>
    %gather3A_1184 = tpu.dynamic_gather %max3A_1168[%gather3A_1183] in [0] : vector<16xf32>, vector<16xi32> -> vector<16xf32>
    %max3A_1185 = arith.maximumf %max3A_1168, %gather3A_1184 : vector<16xf32>
    %add3A_1186 = arith.constant 1 : i32
    %add3A_1187 = vector.broadcast %add3A_1186 : i32 to vector<16xi32>
    %add3A_1188 = arith.addi %iota3A, %add3A_1187 : vector<16xi32>
    %and3A_1189 = arith.constant 15 : i32
    %and3A_1190 = vector.broadcast %and3A_1189 : i32 to vector<16xi32>
    %and3A_1191 = arith.andi %add3A_1188, %and3A_1190 : vector<16xi32>
    %lt3A_1192 = arith.constant 0 : i32
    %lt3A_1193 = vector.broadcast %lt3A_1192 : i32 to vector<16xi32>
    %lt3A_1194 = arith.cmpi slt, %and3A_1191, %lt3A_1193 : vector<16xi32>
    %add3A_1195 = arith.constant 16 : i32
    %add3A_1196 = vector.broadcast %add3A_1195 : i32 to vector<16xi32>
    %add3A_1197 = arith.addi %and3A_1191, %add3A_1196 : vector<16xi32>
    %select_n3A_1198 = arith.select %lt3A_1194, %add3A_1197, %and3A_1191 : vector<16xi1>, vector<16xi32>
    %broadcast_in_dim3A_1199 = vector.shape_cast %select_n3A_1198 : vector<16xi32> to vector<16x1xi32>
    %gather3A_1200 = vector.shape_cast %broadcast_in_dim3A_1199 : vector<16x1xi32> to vector<16xi32>
    %gather3A_1201 = tpu.dynamic_gather %parallel_loop3A_510#2[%gather3A_1200] in [0] : vector<16xf32>, vector<16xi32> -> vector<16xf32>
    %max3A_1202 = arith.maximumf %parallel_loop3A_510#2, %gather3A_1201 : vector<16xf32>
    %add3A_1203 = arith.constant 2 : i32
    %add3A_1204 = vector.broadcast %add3A_1203 : i32 to vector<16xi32>
    %add3A_1205 = arith.addi %iota3A, %add3A_1204 : vector<16xi32>
    %and3A_1206 = arith.constant 15 : i32
    %and3A_1207 = vector.broadcast %and3A_1206 : i32 to vector<16xi32>
    %and3A_1208 = arith.andi %add3A_1205, %and3A_1207 : vector<16xi32>
    %lt3A_1209 = arith.constant 0 : i32
    %lt3A_1210 = vector.broadcast %lt3A_1209 : i32 to vector<16xi32>
    %lt3A_1211 = arith.cmpi slt, %and3A_1208, %lt3A_1210 : vector<16xi32>
    %add3A_1212 = arith.constant 16 : i32
    %add3A_1213 = vector.broadcast %add3A_1212 : i32 to vector<16xi32>
    %add3A_1214 = arith.addi %and3A_1208, %add3A_1213 : vector<16xi32>
    %select_n3A_1215 = arith.select %lt3A_1211, %add3A_1214, %and3A_1208 : vector<16xi1>, vector<16xi32>
    %broadcast_in_dim3A_1216 = vector.shape_cast %select_n3A_1215 : vector<16xi32> to vector<16x1xi32>
    %gather3A_1217 = vector.shape_cast %broadcast_in_dim3A_1216 : vector<16x1xi32> to vector<16xi32>
    %gather3A_1218 = tpu.dynamic_gather %max3A_1202[%gather3A_1217] in [0] : vector<16xf32>, vector<16xi32> -> vector<16xf32>
    %max3A_1219 = arith.maximumf %max3A_1202, %gather3A_1218 : vector<16xf32>
    %add3A_1220 = arith.constant 4 : i32
    %add3A_1221 = vector.broadcast %add3A_1220 : i32 to vector<16xi32>
    %add3A_1222 = arith.addi %iota3A, %add3A_1221 : vector<16xi32>
    %and3A_1223 = arith.constant 15 : i32
    %and3A_1224 = vector.broadcast %and3A_1223 : i32 to vector<16xi32>
    %and3A_1225 = arith.andi %add3A_1222, %and3A_1224 : vector<16xi32>
    %lt3A_1226 = arith.constant 0 : i32
    %lt3A_1227 = vector.broadcast %lt3A_1226 : i32 to vector<16xi32>
    %lt3A_1228 = arith.cmpi slt, %and3A_1225, %lt3A_1227 : vector<16xi32>
    %add3A_1229 = arith.constant 16 : i32
    %add3A_1230 = vector.broadcast %add3A_1229 : i32 to vector<16xi32>
    %add3A_1231 = arith.addi %and3A_1225, %add3A_1230 : vector<16xi32>
    %select_n3A_1232 = arith.select %lt3A_1228, %add3A_1231, %and3A_1225 : vector<16xi1>, vector<16xi32>
    %broadcast_in_dim3A_1233 = vector.shape_cast %select_n3A_1232 : vector<16xi32> to vector<16x1xi32>
    %gather3A_1234 = vector.shape_cast %broadcast_in_dim3A_1233 : vector<16x1xi32> to vector<16xi32>
    %gather3A_1235 = tpu.dynamic_gather %max3A_1219[%gather3A_1234] in [0] : vector<16xf32>, vector<16xi32> -> vector<16xf32>
    %max3A_1236 = arith.maximumf %max3A_1219, %gather3A_1235 : vector<16xf32>
    %add3A_1237 = arith.constant 8 : i32
    %add3A_1238 = vector.broadcast %add3A_1237 : i32 to vector<16xi32>
    %add3A_1239 = arith.addi %iota3A, %add3A_1238 : vector<16xi32>
    %and3A_1240 = arith.constant 15 : i32
    %and3A_1241 = vector.broadcast %and3A_1240 : i32 to vector<16xi32>
    %and3A_1242 = arith.andi %add3A_1239, %and3A_1241 : vector<16xi32>
    %lt3A_1243 = arith.constant 0 : i32
    %lt3A_1244 = vector.broadcast %lt3A_1243 : i32 to vector<16xi32>
    %lt3A_1245 = arith.cmpi slt, %and3A_1242, %lt3A_1244 : vector<16xi32>
    %add3A_1246 = arith.constant 16 : i32
    %add3A_1247 = vector.broadcast %add3A_1246 : i32 to vector<16xi32>
    %add3A_1248 = arith.addi %and3A_1242, %add3A_1247 : vector<16xi32>
    %select_n3A_1249 = arith.select %lt3A_1245, %add3A_1248, %and3A_1242 : vector<16xi1>, vector<16xi32>
    %broadcast_in_dim3A_1250 = vector.shape_cast %select_n3A_1249 : vector<16xi32> to vector<16x1xi32>
    %gather3A_1251 = vector.shape_cast %broadcast_in_dim3A_1250 : vector<16x1xi32> to vector<16xi32>
    %gather3A_1252 = tpu.dynamic_gather %max3A_1236[%gather3A_1251] in [0] : vector<16xf32>, vector<16xi32> -> vector<16xf32>
    %max3A_1253 = arith.maximumf %max3A_1236, %gather3A_1252 : vector<16xf32>
    %add3A_1254 = arith.constant 1 : i32
    %add3A_1255 = vector.broadcast %add3A_1254 : i32 to vector<16xi32>
    %add3A_1256 = arith.addi %iota3A, %add3A_1255 : vector<16xi32>
    %and3A_1257 = arith.constant 15 : i32
    %and3A_1258 = vector.broadcast %and3A_1257 : i32 to vector<16xi32>
    %and3A_1259 = arith.andi %add3A_1256, %and3A_1258 : vector<16xi32>
    %lt3A_1260 = arith.constant 0 : i32
    %lt3A_1261 = vector.broadcast %lt3A_1260 : i32 to vector<16xi32>
    %lt3A_1262 = arith.cmpi slt, %and3A_1259, %lt3A_1261 : vector<16xi32>
    %add3A_1263 = arith.constant 16 : i32
    %add3A_1264 = vector.broadcast %add3A_1263 : i32 to vector<16xi32>
    %add3A_1265 = arith.addi %and3A_1259, %add3A_1264 : vector<16xi32>
    %select_n3A_1266 = arith.select %lt3A_1262, %add3A_1265, %and3A_1259 : vector<16xi1>, vector<16xi32>
    %broadcast_in_dim3A_1267 = vector.shape_cast %select_n3A_1266 : vector<16xi32> to vector<16x1xi32>
    %gather3A_1268 = vector.shape_cast %broadcast_in_dim3A_1267 : vector<16x1xi32> to vector<16xi32>
    %gather3A_1269 = tpu.dynamic_gather %parallel_loop3A_510#3[%gather3A_1268] in [0] : vector<16xf32>, vector<16xi32> -> vector<16xf32>
    %max3A_1270 = arith.maximumf %parallel_loop3A_510#3, %gather3A_1269 : vector<16xf32>
    %add3A_1271 = arith.constant 2 : i32
    %add3A_1272 = vector.broadcast %add3A_1271 : i32 to vector<16xi32>
    %add3A_1273 = arith.addi %iota3A, %add3A_1272 : vector<16xi32>
    %and3A_1274 = arith.constant 15 : i32
    %and3A_1275 = vector.broadcast %and3A_1274 : i32 to vector<16xi32>
    %and3A_1276 = arith.andi %add3A_1273, %and3A_1275 : vector<16xi32>
    %lt3A_1277 = arith.constant 0 : i32
    %lt3A_1278 = vector.broadcast %lt3A_1277 : i32 to vector<16xi32>
    %lt3A_1279 = arith.cmpi slt, %and3A_1276, %lt3A_1278 : vector<16xi32>
    %add3A_1280 = arith.constant 16 : i32
    %add3A_1281 = vector.broadcast %add3A_1280 : i32 to vector<16xi32>
    %add3A_1282 = arith.addi %and3A_1276, %add3A_1281 : vector<16xi32>
    %select_n3A_1283 = arith.select %lt3A_1279, %add3A_1282, %and3A_1276 : vector<16xi1>, vector<16xi32>
    %broadcast_in_dim3A_1284 = vector.shape_cast %select_n3A_1283 : vector<16xi32> to vector<16x1xi32>
    %gather3A_1285 = vector.shape_cast %broadcast_in_dim3A_1284 : vector<16x1xi32> to vector<16xi32>
    %gather3A_1286 = tpu.dynamic_gather %max3A_1270[%gather3A_1285] in [0] : vector<16xf32>, vector<16xi32> -> vector<16xf32>
    %max3A_1287 = arith.maximumf %max3A_1270, %gather3A_1286 : vector<16xf32>
    %add3A_1288 = arith.constant 4 : i32
    %add3A_1289 = vector.broadcast %add3A_1288 : i32 to vector<16xi32>
    %add3A_1290 = arith.addi %iota3A, %add3A_1289 : vector<16xi32>
    %and3A_1291 = arith.constant 15 : i32
    %and3A_1292 = vector.broadcast %and3A_1291 : i32 to vector<16xi32>
    %and3A_1293 = arith.andi %add3A_1290, %and3A_1292 : vector<16xi32>
    %lt3A_1294 = arith.constant 0 : i32
    %lt3A_1295 = vector.broadcast %lt3A_1294 : i32 to vector<16xi32>
    %lt3A_1296 = arith.cmpi slt, %and3A_1293, %lt3A_1295 : vector<16xi32>
    %add3A_1297 = arith.constant 16 : i32
    %add3A_1298 = vector.broadcast %add3A_1297 : i32 to vector<16xi32>
    %add3A_1299 = arith.addi %and3A_1293, %add3A_1298 : vector<16xi32>
    %select_n3A_1300 = arith.select %lt3A_1296, %add3A_1299, %and3A_1293 : vector<16xi1>, vector<16xi32>
    %broadcast_in_dim3A_1301 = vector.shape_cast %select_n3A_1300 : vector<16xi32> to vector<16x1xi32>
    %gather3A_1302 = vector.shape_cast %broadcast_in_dim3A_1301 : vector<16x1xi32> to vector<16xi32>
    %gather3A_1303 = tpu.dynamic_gather %max3A_1287[%gather3A_1302] in [0] : vector<16xf32>, vector<16xi32> -> vector<16xf32>
    %max3A_1304 = arith.maximumf %max3A_1287, %gather3A_1303 : vector<16xf32>
    %add3A_1305 = arith.constant 8 : i32
    %add3A_1306 = vector.broadcast %add3A_1305 : i32 to vector<16xi32>
    %add3A_1307 = arith.addi %iota3A, %add3A_1306 : vector<16xi32>
    %and3A_1308 = arith.constant 15 : i32
    %and3A_1309 = vector.broadcast %and3A_1308 : i32 to vector<16xi32>
    %and3A_1310 = arith.andi %add3A_1307, %and3A_1309 : vector<16xi32>
    %lt3A_1311 = arith.constant 0 : i32
    %lt3A_1312 = vector.broadcast %lt3A_1311 : i32 to vector<16xi32>
    %lt3A_1313 = arith.cmpi slt, %and3A_1310, %lt3A_1312 : vector<16xi32>
    %add3A_1314 = arith.constant 16 : i32
    %add3A_1315 = vector.broadcast %add3A_1314 : i32 to vector<16xi32>
    %add3A_1316 = arith.addi %and3A_1310, %add3A_1315 : vector<16xi32>
    %select_n3A_1317 = arith.select %lt3A_1313, %add3A_1316, %and3A_1310 : vector<16xi1>, vector<16xi32>
    %broadcast_in_dim3A_1318 = vector.shape_cast %select_n3A_1317 : vector<16xi32> to vector<16x1xi32>
    %gather3A_1319 = vector.shape_cast %broadcast_in_dim3A_1318 : vector<16x1xi32> to vector<16xi32>
    %gather3A_1320 = tpu.dynamic_gather %max3A_1304[%gather3A_1319] in [0] : vector<16xf32>, vector<16xi32> -> vector<16xf32>
    %max3A_1321 = arith.maximumf %max3A_1304, %gather3A_1320 : vector<16xf32>
    %add3A_1322 = arith.constant 1 : i32
    %add3A_1323 = vector.broadcast %add3A_1322 : i32 to vector<16xi32>
    %add3A_1324 = arith.addi %iota3A, %add3A_1323 : vector<16xi32>
    %and3A_1325 = arith.constant 15 : i32
    %and3A_1326 = vector.broadcast %and3A_1325 : i32 to vector<16xi32>
    %and3A_1327 = arith.andi %add3A_1324, %and3A_1326 : vector<16xi32>
    %lt3A_1328 = arith.constant 0 : i32
    %lt3A_1329 = vector.broadcast %lt3A_1328 : i32 to vector<16xi32>
    %lt3A_1330 = arith.cmpi slt, %and3A_1327, %lt3A_1329 : vector<16xi32>
    %add3A_1331 = arith.constant 16 : i32
    %add3A_1332 = vector.broadcast %add3A_1331 : i32 to vector<16xi32>
    %add3A_1333 = arith.addi %and3A_1327, %add3A_1332 : vector<16xi32>
    %select_n3A_1334 = arith.select %lt3A_1330, %add3A_1333, %and3A_1327 : vector<16xi1>, vector<16xi32>
    %broadcast_in_dim3A_1335 = vector.shape_cast %select_n3A_1334 : vector<16xi32> to vector<16x1xi32>
    %gather3A_1336 = vector.shape_cast %broadcast_in_dim3A_1335 : vector<16x1xi32> to vector<16xi32>
    %gather3A_1337 = tpu.dynamic_gather %parallel_loop3A_510#4[%gather3A_1336] in [0] : vector<16xf32>, vector<16xi32> -> vector<16xf32>
    %max3A_1338 = arith.maximumf %parallel_loop3A_510#4, %gather3A_1337 : vector<16xf32>
    %add3A_1339 = arith.constant 2 : i32
    %add3A_1340 = vector.broadcast %add3A_1339 : i32 to vector<16xi32>
    %add3A_1341 = arith.addi %iota3A, %add3A_1340 : vector<16xi32>
    %and3A_1342 = arith.constant 15 : i32
    %and3A_1343 = vector.broadcast %and3A_1342 : i32 to vector<16xi32>
    %and3A_1344 = arith.andi %add3A_1341, %and3A_1343 : vector<16xi32>
    %lt3A_1345 = arith.constant 0 : i32
    %lt3A_1346 = vector.broadcast %lt3A_1345 : i32 to vector<16xi32>
    %lt3A_1347 = arith.cmpi slt, %and3A_1344, %lt3A_1346 : vector<16xi32>
    %add3A_1348 = arith.constant 16 : i32
    %add3A_1349 = vector.broadcast %add3A_1348 : i32 to vector<16xi32>
    %add3A_1350 = arith.addi %and3A_1344, %add3A_1349 : vector<16xi32>
    %select_n3A_1351 = arith.select %lt3A_1347, %add3A_1350, %and3A_1344 : vector<16xi1>, vector<16xi32>
    %broadcast_in_dim3A_1352 = vector.shape_cast %select_n3A_1351 : vector<16xi32> to vector<16x1xi32>
    %gather3A_1353 = vector.shape_cast %broadcast_in_dim3A_1352 : vector<16x1xi32> to vector<16xi32>
    %gather3A_1354 = tpu.dynamic_gather %max3A_1338[%gather3A_1353] in [0] : vector<16xf32>, vector<16xi32> -> vector<16xf32>
    %max3A_1355 = arith.maximumf %max3A_1338, %gather3A_1354 : vector<16xf32>
    %add3A_1356 = arith.constant 4 : i32
    %add3A_1357 = vector.broadcast %add3A_1356 : i32 to vector<16xi32>
    %add3A_1358 = arith.addi %iota3A, %add3A_1357 : vector<16xi32>
    %and3A_1359 = arith.constant 15 : i32
    %and3A_1360 = vector.broadcast %and3A_1359 : i32 to vector<16xi32>
    %and3A_1361 = arith.andi %add3A_1358, %and3A_1360 : vector<16xi32>
    %lt3A_1362 = arith.constant 0 : i32
    %lt3A_1363 = vector.broadcast %lt3A_1362 : i32 to vector<16xi32>
    %lt3A_1364 = arith.cmpi slt, %and3A_1361, %lt3A_1363 : vector<16xi32>
    %add3A_1365 = arith.constant 16 : i32
    %add3A_1366 = vector.broadcast %add3A_1365 : i32 to vector<16xi32>
    %add3A_1367 = arith.addi %and3A_1361, %add3A_1366 : vector<16xi32>
    %select_n3A_1368 = arith.select %lt3A_1364, %add3A_1367, %and3A_1361 : vector<16xi1>, vector<16xi32>
    %broadcast_in_dim3A_1369 = vector.shape_cast %select_n3A_1368 : vector<16xi32> to vector<16x1xi32>
    %gather3A_1370 = vector.shape_cast %broadcast_in_dim3A_1369 : vector<16x1xi32> to vector<16xi32>
    %gather3A_1371 = tpu.dynamic_gather %max3A_1355[%gather3A_1370] in [0] : vector<16xf32>, vector<16xi32> -> vector<16xf32>
    %max3A_1372 = arith.maximumf %max3A_1355, %gather3A_1371 : vector<16xf32>
    %add3A_1373 = arith.constant 8 : i32
    %add3A_1374 = vector.broadcast %add3A_1373 : i32 to vector<16xi32>
    %add3A_1375 = arith.addi %iota3A, %add3A_1374 : vector<16xi32>
    %and3A_1376 = arith.constant 15 : i32
    %and3A_1377 = vector.broadcast %and3A_1376 : i32 to vector<16xi32>
    %and3A_1378 = arith.andi %add3A_1375, %and3A_1377 : vector<16xi32>
    %lt3A_1379 = arith.constant 0 : i32
    %lt3A_1380 = vector.broadcast %lt3A_1379 : i32 to vector<16xi32>
    %lt3A_1381 = arith.cmpi slt, %and3A_1378, %lt3A_1380 : vector<16xi32>
    %add3A_1382 = arith.constant 16 : i32
    %add3A_1383 = vector.broadcast %add3A_1382 : i32 to vector<16xi32>
    %add3A_1384 = arith.addi %and3A_1378, %add3A_1383 : vector<16xi32>
    %select_n3A_1385 = arith.select %lt3A_1381, %add3A_1384, %and3A_1378 : vector<16xi1>, vector<16xi32>
    %broadcast_in_dim3A_1386 = vector.shape_cast %select_n3A_1385 : vector<16xi32> to vector<16x1xi32>
    %gather3A_1387 = vector.shape_cast %broadcast_in_dim3A_1386 : vector<16x1xi32> to vector<16xi32>
    %gather3A_1388 = tpu.dynamic_gather %max3A_1372[%gather3A_1387] in [0] : vector<16xf32>, vector<16xi32> -> vector<16xf32>
    %max3A_1389 = arith.maximumf %max3A_1372, %gather3A_1388 : vector<16xf32>
    %add3A_1390 = arith.constant 1 : i32
    %add3A_1391 = vector.broadcast %add3A_1390 : i32 to vector<16xi32>
    %add3A_1392 = arith.addi %iota3A, %add3A_1391 : vector<16xi32>
    %and3A_1393 = arith.constant 15 : i32
    %and3A_1394 = vector.broadcast %and3A_1393 : i32 to vector<16xi32>
    %and3A_1395 = arith.andi %add3A_1392, %and3A_1394 : vector<16xi32>
    %lt3A_1396 = arith.constant 0 : i32
    %lt3A_1397 = vector.broadcast %lt3A_1396 : i32 to vector<16xi32>
    %lt3A_1398 = arith.cmpi slt, %and3A_1395, %lt3A_1397 : vector<16xi32>
    %add3A_1399 = arith.constant 16 : i32
    %add3A_1400 = vector.broadcast %add3A_1399 : i32 to vector<16xi32>
    %add3A_1401 = arith.addi %and3A_1395, %add3A_1400 : vector<16xi32>
    %select_n3A_1402 = arith.select %lt3A_1398, %add3A_1401, %and3A_1395 : vector<16xi1>, vector<16xi32>
    %broadcast_in_dim3A_1403 = vector.shape_cast %select_n3A_1402 : vector<16xi32> to vector<16x1xi32>
    %gather3A_1404 = vector.shape_cast %broadcast_in_dim3A_1403 : vector<16x1xi32> to vector<16xi32>
    %gather3A_1405 = tpu.dynamic_gather %parallel_loop3A_510#5[%gather3A_1404] in [0] : vector<16xf32>, vector<16xi32> -> vector<16xf32>
    %max3A_1406 = arith.maximumf %parallel_loop3A_510#5, %gather3A_1405 : vector<16xf32>
    %add3A_1407 = arith.constant 2 : i32
    %add3A_1408 = vector.broadcast %add3A_1407 : i32 to vector<16xi32>
    %add3A_1409 = arith.addi %iota3A, %add3A_1408 : vector<16xi32>
    %and3A_1410 = arith.constant 15 : i32
    %and3A_1411 = vector.broadcast %and3A_1410 : i32 to vector<16xi32>
    %and3A_1412 = arith.andi %add3A_1409, %and3A_1411 : vector<16xi32>
    %lt3A_1413 = arith.constant 0 : i32
    %lt3A_1414 = vector.broadcast %lt3A_1413 : i32 to vector<16xi32>
    %lt3A_1415 = arith.cmpi slt, %and3A_1412, %lt3A_1414 : vector<16xi32>
    %add3A_1416 = arith.constant 16 : i32
    %add3A_1417 = vector.broadcast %add3A_1416 : i32 to vector<16xi32>
    %add3A_1418 = arith.addi %and3A_1412, %add3A_1417 : vector<16xi32>
    %select_n3A_1419 = arith.select %lt3A_1415, %add3A_1418, %and3A_1412 : vector<16xi1>, vector<16xi32>
    %broadcast_in_dim3A_1420 = vector.shape_cast %select_n3A_1419 : vector<16xi32> to vector<16x1xi32>
    %gather3A_1421 = vector.shape_cast %broadcast_in_dim3A_1420 : vector<16x1xi32> to vector<16xi32>
    %gather3A_1422 = tpu.dynamic_gather %max3A_1406[%gather3A_1421] in [0] : vector<16xf32>, vector<16xi32> -> vector<16xf32>
    %max3A_1423 = arith.maximumf %max3A_1406, %gather3A_1422 : vector<16xf32>
    %add3A_1424 = arith.constant 4 : i32
    %add3A_1425 = vector.broadcast %add3A_1424 : i32 to vector<16xi32>
    %add3A_1426 = arith.addi %iota3A, %add3A_1425 : vector<16xi32>
    %and3A_1427 = arith.constant 15 : i32
    %and3A_1428 = vector.broadcast %and3A_1427 : i32 to vector<16xi32>
    %and3A_1429 = arith.andi %add3A_1426, %and3A_1428 : vector<16xi32>
    %lt3A_1430 = arith.constant 0 : i32
    %lt3A_1431 = vector.broadcast %lt3A_1430 : i32 to vector<16xi32>
    %lt3A_1432 = arith.cmpi slt, %and3A_1429, %lt3A_1431 : vector<16xi32>
    %add3A_1433 = arith.constant 16 : i32
    %add3A_1434 = vector.broadcast %add3A_1433 : i32 to vector<16xi32>
    %add3A_1435 = arith.addi %and3A_1429, %add3A_1434 : vector<16xi32>
    %select_n3A_1436 = arith.select %lt3A_1432, %add3A_1435, %and3A_1429 : vector<16xi1>, vector<16xi32>
    %broadcast_in_dim3A_1437 = vector.shape_cast %select_n3A_1436 : vector<16xi32> to vector<16x1xi32>
    %gather3A_1438 = vector.shape_cast %broadcast_in_dim3A_1437 : vector<16x1xi32> to vector<16xi32>
    %gather3A_1439 = tpu.dynamic_gather %max3A_1423[%gather3A_1438] in [0] : vector<16xf32>, vector<16xi32> -> vector<16xf32>
    %max3A_1440 = arith.maximumf %max3A_1423, %gather3A_1439 : vector<16xf32>
    %add3A_1441 = arith.constant 8 : i32
    %add3A_1442 = vector.broadcast %add3A_1441 : i32 to vector<16xi32>
    %add3A_1443 = arith.addi %iota3A, %add3A_1442 : vector<16xi32>
    %and3A_1444 = arith.constant 15 : i32
    %and3A_1445 = vector.broadcast %and3A_1444 : i32 to vector<16xi32>
    %and3A_1446 = arith.andi %add3A_1443, %and3A_1445 : vector<16xi32>
    %lt3A_1447 = arith.constant 0 : i32
    %lt3A_1448 = vector.broadcast %lt3A_1447 : i32 to vector<16xi32>
    %lt3A_1449 = arith.cmpi slt, %and3A_1446, %lt3A_1448 : vector<16xi32>
    %add3A_1450 = arith.constant 16 : i32
    %add3A_1451 = vector.broadcast %add3A_1450 : i32 to vector<16xi32>
    %add3A_1452 = arith.addi %and3A_1446, %add3A_1451 : vector<16xi32>
    %select_n3A_1453 = arith.select %lt3A_1449, %add3A_1452, %and3A_1446 : vector<16xi1>, vector<16xi32>
    %broadcast_in_dim3A_1454 = vector.shape_cast %select_n3A_1453 : vector<16xi32> to vector<16x1xi32>
    %gather3A_1455 = vector.shape_cast %broadcast_in_dim3A_1454 : vector<16x1xi32> to vector<16xi32>
    %gather3A_1456 = tpu.dynamic_gather %max3A_1440[%gather3A_1455] in [0] : vector<16xf32>, vector<16xi32> -> vector<16xf32>
    %max3A_1457 = arith.maximumf %max3A_1440, %gather3A_1456 : vector<16xf32>
    %add3A_1458 = arith.constant 1 : i32
    %add3A_1459 = vector.broadcast %add3A_1458 : i32 to vector<16xi32>
    %add3A_1460 = arith.addi %iota3A, %add3A_1459 : vector<16xi32>
    %and3A_1461 = arith.constant 15 : i32
    %and3A_1462 = vector.broadcast %and3A_1461 : i32 to vector<16xi32>
    %and3A_1463 = arith.andi %add3A_1460, %and3A_1462 : vector<16xi32>
    %lt3A_1464 = arith.constant 0 : i32
    %lt3A_1465 = vector.broadcast %lt3A_1464 : i32 to vector<16xi32>
    %lt3A_1466 = arith.cmpi slt, %and3A_1463, %lt3A_1465 : vector<16xi32>
    %add3A_1467 = arith.constant 16 : i32
    %add3A_1468 = vector.broadcast %add3A_1467 : i32 to vector<16xi32>
    %add3A_1469 = arith.addi %and3A_1463, %add3A_1468 : vector<16xi32>
    %select_n3A_1470 = arith.select %lt3A_1466, %add3A_1469, %and3A_1463 : vector<16xi1>, vector<16xi32>
    %broadcast_in_dim3A_1471 = vector.shape_cast %select_n3A_1470 : vector<16xi32> to vector<16x1xi32>
    %gather3A_1472 = vector.shape_cast %broadcast_in_dim3A_1471 : vector<16x1xi32> to vector<16xi32>
    %gather3A_1473 = tpu.dynamic_gather %parallel_loop3A_510#6[%gather3A_1472] in [0] : vector<16xf32>, vector<16xi32> -> vector<16xf32>
    %max3A_1474 = arith.maximumf %parallel_loop3A_510#6, %gather3A_1473 : vector<16xf32>
    %add3A_1475 = arith.constant 2 : i32
    %add3A_1476 = vector.broadcast %add3A_1475 : i32 to vector<16xi32>
    %add3A_1477 = arith.addi %iota3A, %add3A_1476 : vector<16xi32>
    %and3A_1478 = arith.constant 15 : i32
    %and3A_1479 = vector.broadcast %and3A_1478 : i32 to vector<16xi32>
    %and3A_1480 = arith.andi %add3A_1477, %and3A_1479 : vector<16xi32>
    %lt3A_1481 = arith.constant 0 : i32
    %lt3A_1482 = vector.broadcast %lt3A_1481 : i32 to vector<16xi32>
    %lt3A_1483 = arith.cmpi slt, %and3A_1480, %lt3A_1482 : vector<16xi32>
    %add3A_1484 = arith.constant 16 : i32
    %add3A_1485 = vector.broadcast %add3A_1484 : i32 to vector<16xi32>
    %add3A_1486 = arith.addi %and3A_1480, %add3A_1485 : vector<16xi32>
    %select_n3A_1487 = arith.select %lt3A_1483, %add3A_1486, %and3A_1480 : vector<16xi1>, vector<16xi32>
    %broadcast_in_dim3A_1488 = vector.shape_cast %select_n3A_1487 : vector<16xi32> to vector<16x1xi32>
    %gather3A_1489 = vector.shape_cast %broadcast_in_dim3A_1488 : vector<16x1xi32> to vector<16xi32>
    %gather3A_1490 = tpu.dynamic_gather %max3A_1474[%gather3A_1489] in [0] : vector<16xf32>, vector<16xi32> -> vector<16xf32>
    %max3A_1491 = arith.maximumf %max3A_1474, %gather3A_1490 : vector<16xf32>
    %add3A_1492 = arith.constant 4 : i32
    %add3A_1493 = vector.broadcast %add3A_1492 : i32 to vector<16xi32>
    %add3A_1494 = arith.addi %iota3A, %add3A_1493 : vector<16xi32>
    %and3A_1495 = arith.constant 15 : i32
    %and3A_1496 = vector.broadcast %and3A_1495 : i32 to vector<16xi32>
    %and3A_1497 = arith.andi %add3A_1494, %and3A_1496 : vector<16xi32>
    %lt3A_1498 = arith.constant 0 : i32
    %lt3A_1499 = vector.broadcast %lt3A_1498 : i32 to vector<16xi32>
    %lt3A_1500 = arith.cmpi slt, %and3A_1497, %lt3A_1499 : vector<16xi32>
    %add3A_1501 = arith.constant 16 : i32
    %add3A_1502 = vector.broadcast %add3A_1501 : i32 to vector<16xi32>
    %add3A_1503 = arith.addi %and3A_1497, %add3A_1502 : vector<16xi32>
    %select_n3A_1504 = arith.select %lt3A_1500, %add3A_1503, %and3A_1497 : vector<16xi1>, vector<16xi32>
    %broadcast_in_dim3A_1505 = vector.shape_cast %select_n3A_1504 : vector<16xi32> to vector<16x1xi32>
    %gather3A_1506 = vector.shape_cast %broadcast_in_dim3A_1505 : vector<16x1xi32> to vector<16xi32>
    %gather3A_1507 = tpu.dynamic_gather %max3A_1491[%gather3A_1506] in [0] : vector<16xf32>, vector<16xi32> -> vector<16xf32>
    %max3A_1508 = arith.maximumf %max3A_1491, %gather3A_1507 : vector<16xf32>
    %add3A_1509 = arith.constant 8 : i32
    %add3A_1510 = vector.broadcast %add3A_1509 : i32 to vector<16xi32>
    %add3A_1511 = arith.addi %iota3A, %add3A_1510 : vector<16xi32>
    %and3A_1512 = arith.constant 15 : i32
    %and3A_1513 = vector.broadcast %and3A_1512 : i32 to vector<16xi32>
    %and3A_1514 = arith.andi %add3A_1511, %and3A_1513 : vector<16xi32>
    %lt3A_1515 = arith.constant 0 : i32
    %lt3A_1516 = vector.broadcast %lt3A_1515 : i32 to vector<16xi32>
    %lt3A_1517 = arith.cmpi slt, %and3A_1514, %lt3A_1516 : vector<16xi32>
    %add3A_1518 = arith.constant 16 : i32
    %add3A_1519 = vector.broadcast %add3A_1518 : i32 to vector<16xi32>
    %add3A_1520 = arith.addi %and3A_1514, %add3A_1519 : vector<16xi32>
    %select_n3A_1521 = arith.select %lt3A_1517, %add3A_1520, %and3A_1514 : vector<16xi1>, vector<16xi32>
    %broadcast_in_dim3A_1522 = vector.shape_cast %select_n3A_1521 : vector<16xi32> to vector<16x1xi32>
    %gather3A_1523 = vector.shape_cast %broadcast_in_dim3A_1522 : vector<16x1xi32> to vector<16xi32>
    %gather3A_1524 = tpu.dynamic_gather %max3A_1508[%gather3A_1523] in [0] : vector<16xf32>, vector<16xi32> -> vector<16xf32>
    %max3A_1525 = arith.maximumf %max3A_1508, %gather3A_1524 : vector<16xf32>
    %add3A_1526 = arith.constant 1 : i32
    %add3A_1527 = vector.broadcast %add3A_1526 : i32 to vector<16xi32>
    %add3A_1528 = arith.addi %iota3A, %add3A_1527 : vector<16xi32>
    %and3A_1529 = arith.constant 15 : i32
    %and3A_1530 = vector.broadcast %and3A_1529 : i32 to vector<16xi32>
    %and3A_1531 = arith.andi %add3A_1528, %and3A_1530 : vector<16xi32>
    %lt3A_1532 = arith.constant 0 : i32
    %lt3A_1533 = vector.broadcast %lt3A_1532 : i32 to vector<16xi32>
    %lt3A_1534 = arith.cmpi slt, %and3A_1531, %lt3A_1533 : vector<16xi32>
    %add3A_1535 = arith.constant 16 : i32
    %add3A_1536 = vector.broadcast %add3A_1535 : i32 to vector<16xi32>
    %add3A_1537 = arith.addi %and3A_1531, %add3A_1536 : vector<16xi32>
    %select_n3A_1538 = arith.select %lt3A_1534, %add3A_1537, %and3A_1531 : vector<16xi1>, vector<16xi32>
    %broadcast_in_dim3A_1539 = vector.shape_cast %select_n3A_1538 : vector<16xi32> to vector<16x1xi32>
    %gather3A_1540 = vector.shape_cast %broadcast_in_dim3A_1539 : vector<16x1xi32> to vector<16xi32>
    %gather3A_1541 = tpu.dynamic_gather %parallel_loop3A_510#7[%gather3A_1540] in [0] : vector<16xf32>, vector<16xi32> -> vector<16xf32>
    %max3A_1542 = arith.maximumf %parallel_loop3A_510#7, %gather3A_1541 : vector<16xf32>
    %add3A_1543 = arith.constant 2 : i32
    %add3A_1544 = vector.broadcast %add3A_1543 : i32 to vector<16xi32>
    %add3A_1545 = arith.addi %iota3A, %add3A_1544 : vector<16xi32>
    %and3A_1546 = arith.constant 15 : i32
    %and3A_1547 = vector.broadcast %and3A_1546 : i32 to vector<16xi32>
    %and3A_1548 = arith.andi %add3A_1545, %and3A_1547 : vector<16xi32>
    %lt3A_1549 = arith.constant 0 : i32
    %lt3A_1550 = vector.broadcast %lt3A_1549 : i32 to vector<16xi32>
    %lt3A_1551 = arith.cmpi slt, %and3A_1548, %lt3A_1550 : vector<16xi32>
    %add3A_1552 = arith.constant 16 : i32
    %add3A_1553 = vector.broadcast %add3A_1552 : i32 to vector<16xi32>
    %add3A_1554 = arith.addi %and3A_1548, %add3A_1553 : vector<16xi32>
    %select_n3A_1555 = arith.select %lt3A_1551, %add3A_1554, %and3A_1548 : vector<16xi1>, vector<16xi32>
    %broadcast_in_dim3A_1556 = vector.shape_cast %select_n3A_1555 : vector<16xi32> to vector<16x1xi32>
    %gather3A_1557 = vector.shape_cast %broadcast_in_dim3A_1556 : vector<16x1xi32> to vector<16xi32>
    %gather3A_1558 = tpu.dynamic_gather %max3A_1542[%gather3A_1557] in [0] : vector<16xf32>, vector<16xi32> -> vector<16xf32>
    %max3A_1559 = arith.maximumf %max3A_1542, %gather3A_1558 : vector<16xf32>
    %add3A_1560 = arith.constant 4 : i32
    %add3A_1561 = vector.broadcast %add3A_1560 : i32 to vector<16xi32>
    %add3A_1562 = arith.addi %iota3A, %add3A_1561 : vector<16xi32>
    %and3A_1563 = arith.constant 15 : i32
    %and3A_1564 = vector.broadcast %and3A_1563 : i32 to vector<16xi32>
    %and3A_1565 = arith.andi %add3A_1562, %and3A_1564 : vector<16xi32>
    %lt3A_1566 = arith.constant 0 : i32
    %lt3A_1567 = vector.broadcast %lt3A_1566 : i32 to vector<16xi32>
    %lt3A_1568 = arith.cmpi slt, %and3A_1565, %lt3A_1567 : vector<16xi32>
    %add3A_1569 = arith.constant 16 : i32
    %add3A_1570 = vector.broadcast %add3A_1569 : i32 to vector<16xi32>
    %add3A_1571 = arith.addi %and3A_1565, %add3A_1570 : vector<16xi32>
    %select_n3A_1572 = arith.select %lt3A_1568, %add3A_1571, %and3A_1565 : vector<16xi1>, vector<16xi32>
    %broadcast_in_dim3A_1573 = vector.shape_cast %select_n3A_1572 : vector<16xi32> to vector<16x1xi32>
    %gather3A_1574 = vector.shape_cast %broadcast_in_dim3A_1573 : vector<16x1xi32> to vector<16xi32>
    %gather3A_1575 = tpu.dynamic_gather %max3A_1559[%gather3A_1574] in [0] : vector<16xf32>, vector<16xi32> -> vector<16xf32>
    %max3A_1576 = arith.maximumf %max3A_1559, %gather3A_1575 : vector<16xf32>
    %add3A_1577 = arith.constant 8 : i32
    %add3A_1578 = vector.broadcast %add3A_1577 : i32 to vector<16xi32>
    %add3A_1579 = arith.addi %iota3A, %add3A_1578 : vector<16xi32>
    %and3A_1580 = arith.constant 15 : i32
    %and3A_1581 = vector.broadcast %and3A_1580 : i32 to vector<16xi32>
    %and3A_1582 = arith.andi %add3A_1579, %and3A_1581 : vector<16xi32>
    %lt3A_1583 = arith.constant 0 : i32
    %lt3A_1584 = vector.broadcast %lt3A_1583 : i32 to vector<16xi32>
    %lt3A_1585 = arith.cmpi slt, %and3A_1582, %lt3A_1584 : vector<16xi32>
    %add3A_1586 = arith.constant 16 : i32
    %add3A_1587 = vector.broadcast %add3A_1586 : i32 to vector<16xi32>
    %add3A_1588 = arith.addi %and3A_1582, %add3A_1587 : vector<16xi32>
    %select_n3A_1589 = arith.select %lt3A_1585, %add3A_1588, %and3A_1582 : vector<16xi1>, vector<16xi32>
    %broadcast_in_dim3A_1590 = vector.shape_cast %select_n3A_1589 : vector<16xi32> to vector<16x1xi32>
    %gather3A_1591 = vector.shape_cast %broadcast_in_dim3A_1590 : vector<16x1xi32> to vector<16xi32>
    %gather3A_1592 = tpu.dynamic_gather %max3A_1576[%gather3A_1591] in [0] : vector<16xf32>, vector<16xi32> -> vector<16xf32>
    %max3A_1593 = arith.maximumf %max3A_1576, %gather3A_1592 : vector<16xf32>
    %get3A_1594 = arith.constant 0 : i32
    %get3A_1595 = arith.index_cast %get3A_1594 : i32 to index
    %get3A_1596 = arith.constant 0 : index
    %get3A_1597 = tpu.vector_load %arg10[%get3A_1595, %get3A_1596] {strides = array<i32>} : memref<4x16xf32, #tpu.memory_space<vmem>>, vector<1x16xf32>,
    %get3A_1598 = vector.shape_cast %get3A_1597 : vector<1x16xf32> to vector<16xf32>
    %get3A_1599 = arith.constant 1 : i32
    %get3A_1600 = arith.index_cast %get3A_1599 : i32 to index
    %get3A_1601 = arith.constant 0 : index
    %get3A_1602 = tpu.vector_load %arg10[%get3A_1600, %get3A_1601] {strides = array<i32>} : memref<4x16xf32, #tpu.memory_space<vmem>>, vector<1x16xf32>,
    %get3A_1603 = vector.shape_cast %get3A_1602 : vector<1x16xf32> to vector<16xf32>
    %get3A_1604 = arith.constant 2 : i32
    %get3A_1605 = arith.index_cast %get3A_1604 : i32 to index
    %get3A_1606 = arith.constant 0 : index
    %get3A_1607 = tpu.vector_load %arg10[%get3A_1605, %get3A_1606] {strides = array<i32>} : memref<4x16xf32, #tpu.memory_space<vmem>>, vector<1x16xf32>,
    %get3A_1608 = vector.shape_cast %get3A_1607 : vector<1x16xf32> to vector<16xf32>
    %get3A_1609 = arith.constant 3 : i32
    %get3A_1610 = arith.index_cast %get3A_1609 : i32 to index
    %get3A_1611 = arith.constant 0 : index
    %get3A_1612 = tpu.vector_load %arg10[%get3A_1610, %get3A_1611] {strides = array<i32>} : memref<4x16xf32, #tpu.memory_space<vmem>>, vector<1x16xf32>,
    %get3A_1613 = vector.shape_cast %get3A_1612 : vector<1x16xf32> to vector<16xf32>
    %broadcast_in_dim3A_1614 = arith.constant 0 : i32
    %broadcast_in_dim3A_1615 = vector.broadcast %broadcast_in_dim3A_1614 : i32 to vector<16xi32>
    %parallel_loop3A_1616 = arith.constant 0 : i32
    %parallel_loop3A_1617 = arith.constant 40 : i32
    %parallel_loop3A_1618 = arith.constant 1 : i32
    scf.for %parallel_loop3A_1709 = %parallel_loop3A_1616 to %parallel_loop3A_1617 step %parallel_loop3A_1618  : i32 {
      %parallel_loop3A_1710 = arith.constant 16 : i32
      %parallel_loop3A_1711 = arith.muli %parallel_loop3A_1709, %parallel_loop3A_1710 : i32
      %parallel_loop3A_1712 = arith.constant 0 : i32
      %parallel_loop3A_1713 = arith.index_cast %parallel_loop3A_1712 : i32 to index
      %parallel_loop3A_1714 = arith.index_cast %parallel_loop3A_1711 : i32 to index
      %parallel_loop3A_1715 = tpu.vector_load %arg12[%parallel_loop3A_1713, %parallel_loop3A_1714] {strides = array<i32>} : memref<16x640xf32, #tpu.memory_space<vmem>>, vector<1x16xf32>,
      %parallel_loop3A_1716 = vector.shape_cast %parallel_loop3A_1715 : vector<1x16xf32> to vector<16xf32>
      %parallel_loop3A_1717 = arith.cmpf oeq, %parallel_loop3A_1716, %max3A_573 : vector<16xf32>
      %parallel_loop3A_1718 = arith.constant 1 : i32
      %parallel_loop3A_1719 = arith.constant 0 : i32
      %parallel_loop3A_1720 = vector.broadcast %parallel_loop3A_1718 : i32 to vector<16xi32>
      %parallel_loop3A_1721 = vector.broadcast %parallel_loop3A_1719 : i32 to vector<16xi32>
      %parallel_loop3A_1722 = arith.select %parallel_loop3A_1717, %parallel_loop3A_1720, %parallel_loop3A_1721 : vector<16xi1>, vector<16xi32>
      %parallel_loop3A_1723 = arith.constant 1 : i32
      %parallel_loop3A_1724 = arith.index_cast %parallel_loop3A_1723 : i32 to index
      %parallel_loop3A_1725 = arith.index_cast %parallel_loop3A_1711 : i32 to index
      %parallel_loop3A_1726 = tpu.vector_load %arg12[%parallel_loop3A_1724, %parallel_loop3A_1725] {strides = array<i32>} : memref<16x640xf32, #tpu.memory_space<vmem>>, vector<1x16xf32>,
      %parallel_loop3A_1727 = vector.shape_cast %parallel_loop3A_1726 : vector<1x16xf32> to vector<16xf32>
      %parallel_loop3A_1728 = arith.cmpf oeq, %parallel_loop3A_1727, %max3A_641 : vector<16xf32>
      %parallel_loop3A_1729 = arith.constant 2 : i32
      %parallel_loop3A_1730 = arith.constant 0 : i32
      %parallel_loop3A_1731 = vector.broadcast %parallel_loop3A_1729 : i32 to vector<16xi32>
      %parallel_loop3A_1732 = vector.broadcast %parallel_loop3A_1730 : i32 to vector<16xi32>
      %parallel_loop3A_1733 = arith.select %parallel_loop3A_1728, %parallel_loop3A_1731, %parallel_loop3A_1732 : vector<16xi1>, vector<16xi32>
      %parallel_loop3A_1734 = arith.ori %parallel_loop3A_1722, %parallel_loop3A_1733 : vector<16xi32>
      %parallel_loop3A_1735 = arith.cmpf ogt, %parallel_loop3A_1727, %parallel_loop3A_1716 : vector<16xf32>
      %parallel_loop3A_1736 = arith.constant 1 : i32
      %parallel_loop3A_1737 = vector.broadcast %parallel_loop3A_1736 : i32 to vector<16xi32>
      %parallel_loop3A_1738 = arith.select %parallel_loop3A_1735, %parallel_loop3A_1737, %broadcast_in_dim3A_1615 : vector<16xi1>, vector<16xi32>
      %parallel_loop3A_1739 = arith.maximumf %parallel_loop3A_1716, %parallel_loop3A_1727 : vector<16xf32>
      %parallel_loop3A_1740 = arith.constant 2 : i32
      %parallel_loop3A_1741 = arith.index_cast %parallel_loop3A_1740 : i32 to index
      %parallel_loop3A_1742 = arith.index_cast %parallel_loop3A_1711 : i32 to index
      %parallel_loop3A_1743 = tpu.vector_load %arg12[%parallel_loop3A_1741, %parallel_loop3A_1742] {strides = array<i32>} : memref<16x640xf32, #tpu.memory_space<vmem>>, vector<1x16xf32>,
      %parallel_loop3A_1744 = vector.shape_cast %parallel_loop3A_1743 : vector<1x16xf32> to vector<16xf32>
      %parallel_loop3A_1745 = arith.cmpf oeq, %parallel_loop3A_1744, %max3A_709 : vector<16xf32>
      %parallel_loop3A_1746 = arith.constant 4 : i32
      %parallel_loop3A_1747 = arith.constant 0 : i32
      %parallel_loop3A_1748 = vector.broadcast %parallel_loop3A_1746 : i32 to vector<16xi32>
      %parallel_loop3A_1749 = vector.broadcast %parallel_loop3A_1747 : i32 to vector<16xi32>
      %parallel_loop3A_1750 = arith.select %parallel_loop3A_1745, %parallel_loop3A_1748, %parallel_loop3A_1749 : vector<16xi1>, vector<16xi32>
      %parallel_loop3A_1751 = arith.ori %parallel_loop3A_1734, %parallel_loop3A_1750 : vector<16xi32>
      %parallel_loop3A_1752 = arith.cmpf ogt, %parallel_loop3A_1744, %parallel_loop3A_1739 : vector<16xf32>
      %parallel_loop3A_1753 = arith.constant 2 : i32
      %parallel_loop3A_1754 = vector.broadcast %parallel_loop3A_1753 : i32 to vector<16xi32>
      %parallel_loop3A_1755 = arith.select %parallel_loop3A_1752, %parallel_loop3A_1754, %parallel_loop3A_1738 : vector<16xi1>, vector<16xi32>
      %parallel_loop3A_1756 = arith.maximumf %parallel_loop3A_1739, %parallel_loop3A_1744 : vector<16xf32>
      %parallel_loop3A_1757 = arith.constant 3 : i32
      %parallel_loop3A_1758 = arith.index_cast %parallel_loop3A_1757 : i32 to index
      %parallel_loop3A_1759 = arith.index_cast %parallel_loop3A_1711 : i32 to index
      %parallel_loop3A_1760 = tpu.vector_load %arg12[%parallel_loop3A_1758, %parallel_loop3A_1759] {strides = array<i32>} : memref<16x640xf32, #tpu.memory_space<vmem>>, vector<1x16xf32>,
      %parallel_loop3A_1761 = vector.shape_cast %parallel_loop3A_1760 : vector<1x16xf32> to vector<16xf32>
      %parallel_loop3A_1762 = arith.cmpf oeq, %parallel_loop3A_1761, %max3A_777 : vector<16xf32>
      %parallel_loop3A_1763 = arith.constant 8 : i32
      %parallel_loop3A_1764 = arith.constant 0 : i32
      %parallel_loop3A_1765 = vector.broadcast %parallel_loop3A_1763 : i32 to vector<16xi32>
      %parallel_loop3A_1766 = vector.broadcast %parallel_loop3A_1764 : i32 to vector<16xi32>
      %parallel_loop3A_1767 = arith.select %parallel_loop3A_1762, %parallel_loop3A_1765, %parallel_loop3A_1766 : vector<16xi1>, vector<16xi32>
      %parallel_loop3A_1768 = arith.ori %parallel_loop3A_1751, %parallel_loop3A_1767 : vector<16xi32>
      %parallel_loop3A_1769 = arith.cmpf ogt, %parallel_loop3A_1761, %parallel_loop3A_1756 : vector<16xf32>
      %parallel_loop3A_1770 = arith.constant 3 : i32
      %parallel_loop3A_1771 = vector.broadcast %parallel_loop3A_1770 : i32 to vector<16xi32>
      %parallel_loop3A_1772 = arith.select %parallel_loop3A_1769, %parallel_loop3A_1771, %parallel_loop3A_1755 : vector<16xi1>, vector<16xi32>
      %parallel_loop3A_1773 = arith.maximumf %parallel_loop3A_1756, %parallel_loop3A_1761 : vector<16xf32>
      %parallel_loop3A_1774 = arith.constant 4 : i32
      %parallel_loop3A_1775 = arith.index_cast %parallel_loop3A_1774 : i32 to index
      %parallel_loop3A_1776 = arith.index_cast %parallel_loop3A_1711 : i32 to index
      %parallel_loop3A_1777 = tpu.vector_load %arg12[%parallel_loop3A_1775, %parallel_loop3A_1776] {strides = array<i32>} : memref<16x640xf32, #tpu.memory_space<vmem>>, vector<1x16xf32>,
      %parallel_loop3A_1778 = vector.shape_cast %parallel_loop3A_1777 : vector<1x16xf32> to vector<16xf32>
      %parallel_loop3A_1779 = arith.cmpf oeq, %parallel_loop3A_1778, %max3A_845 : vector<16xf32>
      %parallel_loop3A_1780 = arith.constant 16 : i32
      %parallel_loop3A_1781 = arith.constant 0 : i32
      %parallel_loop3A_1782 = vector.broadcast %parallel_loop3A_1780 : i32 to vector<16xi32>
      %parallel_loop3A_1783 = vector.broadcast %parallel_loop3A_1781 : i32 to vector<16xi32>
      %parallel_loop3A_1784 = arith.select %parallel_loop3A_1779, %parallel_loop3A_1782, %parallel_loop3A_1783 : vector<16xi1>, vector<16xi32>
      %parallel_loop3A_1785 = arith.ori %parallel_loop3A_1768, %parallel_loop3A_1784 : vector<16xi32>
      %parallel_loop3A_1786 = arith.cmpf ogt, %parallel_loop3A_1778, %parallel_loop3A_1773 : vector<16xf32>
      %parallel_loop3A_1787 = arith.constant 4 : i32
      %parallel_loop3A_1788 = vector.broadcast %parallel_loop3A_1787 : i32 to vector<16xi32>
      %parallel_loop3A_1789 = arith.select %parallel_loop3A_1786, %parallel_loop3A_1788, %parallel_loop3A_1772 : vector<16xi1>, vector<16xi32>
      %parallel_loop3A_1790 = arith.maximumf %parallel_loop3A_1773, %parallel_loop3A_1778 : vector<16xf32>
      %parallel_loop3A_1791 = arith.constant 5 : i32
      %parallel_loop3A_1792 = arith.index_cast %parallel_loop3A_1791 : i32 to index
      %parallel_loop3A_1793 = arith.index_cast %parallel_loop3A_1711 : i32 to index
      %parallel_loop3A_1794 = tpu.vector_load %arg12[%parallel_loop3A_1792, %parallel_loop3A_1793] {strides = array<i32>} : memref<16x640xf32, #tpu.memory_space<vmem>>, vector<1x16xf32>,
      %parallel_loop3A_1795 = vector.shape_cast %parallel_loop3A_1794 : vector<1x16xf32> to vector<16xf32>
      %parallel_loop3A_1796 = arith.cmpf oeq, %parallel_loop3A_1795, %max3A_913 : vector<16xf32>
      %parallel_loop3A_1797 = arith.constant 32 : i32
      %parallel_loop3A_1798 = arith.constant 0 : i32
      %parallel_loop3A_1799 = vector.broadcast %parallel_loop3A_1797 : i32 to vector<16xi32>
      %parallel_loop3A_1800 = vector.broadcast %parallel_loop3A_1798 : i32 to vector<16xi32>
      %parallel_loop3A_1801 = arith.select %parallel_loop3A_1796, %parallel_loop3A_1799, %parallel_loop3A_1800 : vector<16xi1>, vector<16xi32>
      %parallel_loop3A_1802 = arith.ori %parallel_loop3A_1785, %parallel_loop3A_1801 : vector<16xi32>
      %parallel_loop3A_1803 = arith.cmpf ogt, %parallel_loop3A_1795, %parallel_loop3A_1790 : vector<16xf32>
      %parallel_loop3A_1804 = arith.constant 5 : i32
      %parallel_loop3A_1805 = vector.broadcast %parallel_loop3A_1804 : i32 to vector<16xi32>
      %parallel_loop3A_1806 = arith.select %parallel_loop3A_1803, %parallel_loop3A_1805, %parallel_loop3A_1789 : vector<16xi1>, vector<16xi32>
      %parallel_loop3A_1807 = arith.maximumf %parallel_loop3A_1790, %parallel_loop3A_1795 : vector<16xf32>
      %parallel_loop3A_1808 = arith.constant 6 : i32
      %parallel_loop3A_1809 = arith.index_cast %parallel_loop3A_1808 : i32 to index
      %parallel_loop3A_1810 = arith.index_cast %parallel_loop3A_1711 : i32 to index
      %parallel_loop3A_1811 = tpu.vector_load %arg12[%parallel_loop3A_1809, %parallel_loop3A_1810] {strides = array<i32>} : memref<16x640xf32, #tpu.memory_space<vmem>>, vector<1x16xf32>,
      %parallel_loop3A_1812 = vector.shape_cast %parallel_loop3A_1811 : vector<1x16xf32> to vector<16xf32>
      %parallel_loop3A_1813 = arith.cmpf oeq, %parallel_loop3A_1812, %max3A_981 : vector<16xf32>
      %parallel_loop3A_1814 = arith.constant 64 : i32
      %parallel_loop3A_1815 = arith.constant 0 : i32
      %parallel_loop3A_1816 = vector.broadcast %parallel_loop3A_1814 : i32 to vector<16xi32>
      %parallel_loop3A_1817 = vector.broadcast %parallel_loop3A_1815 : i32 to vector<16xi32>
      %parallel_loop3A_1818 = arith.select %parallel_loop3A_1813, %parallel_loop3A_1816, %parallel_loop3A_1817 : vector<16xi1>, vector<16xi32>
      %parallel_loop3A_1819 = arith.ori %parallel_loop3A_1802, %parallel_loop3A_1818 : vector<16xi32>
      %parallel_loop3A_1820 = arith.cmpf ogt, %parallel_loop3A_1812, %parallel_loop3A_1807 : vector<16xf32>
      %parallel_loop3A_1821 = arith.constant 6 : i32
      %parallel_loop3A_1822 = vector.broadcast %parallel_loop3A_1821 : i32 to vector<16xi32>
      %parallel_loop3A_1823 = arith.select %parallel_loop3A_1820, %parallel_loop3A_1822, %parallel_loop3A_1806 : vector<16xi1>, vector<16xi32>
      %parallel_loop3A_1824 = arith.maximumf %parallel_loop3A_1807, %parallel_loop3A_1812 : vector<16xf32>
      %parallel_loop3A_1825 = arith.constant 7 : i32
      %parallel_loop3A_1826 = arith.index_cast %parallel_loop3A_1825 : i32 to index
      %parallel_loop3A_1827 = arith.index_cast %parallel_loop3A_1711 : i32 to index
      %parallel_loop3A_1828 = tpu.vector_load %arg12[%parallel_loop3A_1826, %parallel_loop3A_1827] {strides = array<i32>} : memref<16x640xf32, #tpu.memory_space<vmem>>, vector<1x16xf32>,
      %parallel_loop3A_1829 = vector.shape_cast %parallel_loop3A_1828 : vector<1x16xf32> to vector<16xf32>
      %parallel_loop3A_1830 = arith.cmpf oeq, %parallel_loop3A_1829, %max3A_1049 : vector<16xf32>
      %parallel_loop3A_1831 = arith.constant 128 : i32
      %parallel_loop3A_1832 = arith.constant 0 : i32
      %parallel_loop3A_1833 = vector.broadcast %parallel_loop3A_1831 : i32 to vector<16xi32>
      %parallel_loop3A_1834 = vector.broadcast %parallel_loop3A_1832 : i32 to vector<16xi32>
      %parallel_loop3A_1835 = arith.select %parallel_loop3A_1830, %parallel_loop3A_1833, %parallel_loop3A_1834 : vector<16xi1>, vector<16xi32>
      %parallel_loop3A_1836 = arith.ori %parallel_loop3A_1819, %parallel_loop3A_1835 : vector<16xi32>
      %parallel_loop3A_1837 = arith.cmpf ogt, %parallel_loop3A_1829, %parallel_loop3A_1824 : vector<16xf32>
      %parallel_loop3A_1838 = arith.constant 7 : i32
      %parallel_loop3A_1839 = vector.broadcast %parallel_loop3A_1838 : i32 to vector<16xi32>
      %parallel_loop3A_1840 = arith.select %parallel_loop3A_1837, %parallel_loop3A_1839, %parallel_loop3A_1823 : vector<16xi1>, vector<16xi32>
      %parallel_loop3A_1841 = arith.maximumf %parallel_loop3A_1824, %parallel_loop3A_1829 : vector<16xf32>
      %parallel_loop3A_1842 = arith.constant 8 : i32
      %parallel_loop3A_1843 = arith.index_cast %parallel_loop3A_1842 : i32 to index
      %parallel_loop3A_1844 = arith.index_cast %parallel_loop3A_1711 : i32 to index
      %parallel_loop3A_1845 = tpu.vector_load %arg12[%parallel_loop3A_1843, %parallel_loop3A_1844] {strides = array<i32>} : memref<16x640xf32, #tpu.memory_space<vmem>>, vector<1x16xf32>,
      %parallel_loop3A_1846 = vector.shape_cast %parallel_loop3A_1845 : vector<1x16xf32> to vector<16xf32>
      %parallel_loop3A_1847 = arith.cmpf oeq, %parallel_loop3A_1846, %max3A_1117 : vector<16xf32>
      %parallel_loop3A_1848 = arith.constant 256 : i32
      %parallel_loop3A_1849 = arith.constant 0 : i32
      %parallel_loop3A_1850 = vector.broadcast %parallel_loop3A_1848 : i32 to vector<16xi32>
      %parallel_loop3A_1851 = vector.broadcast %parallel_loop3A_1849 : i32 to vector<16xi32>
      %parallel_loop3A_1852 = arith.select %parallel_loop3A_1847, %parallel_loop3A_1850, %parallel_loop3A_1851 : vector<16xi1>, vector<16xi32>
      %parallel_loop3A_1853 = arith.ori %parallel_loop3A_1836, %parallel_loop3A_1852 : vector<16xi32>
      %parallel_loop3A_1854 = arith.cmpf ogt, %parallel_loop3A_1846, %parallel_loop3A_1841 : vector<16xf32>
      %parallel_loop3A_1855 = arith.constant 8 : i32
      %parallel_loop3A_1856 = vector.broadcast %parallel_loop3A_1855 : i32 to vector<16xi32>
      %parallel_loop3A_1857 = arith.select %parallel_loop3A_1854, %parallel_loop3A_1856, %parallel_loop3A_1840 : vector<16xi1>, vector<16xi32>
      %parallel_loop3A_1858 = arith.maximumf %parallel_loop3A_1841, %parallel_loop3A_1846 : vector<16xf32>
      %parallel_loop3A_1859 = arith.constant 9 : i32
      %parallel_loop3A_1860 = arith.index_cast %parallel_loop3A_1859 : i32 to index
      %parallel_loop3A_1861 = arith.index_cast %parallel_loop3A_1711 : i32 to index
      %parallel_loop3A_1862 = tpu.vector_load %arg12[%parallel_loop3A_1860, %parallel_loop3A_1861] {strides = array<i32>} : memref<16x640xf32, #tpu.memory_space<vmem>>, vector<1x16xf32>,
      %parallel_loop3A_1863 = vector.shape_cast %parallel_loop3A_1862 : vector<1x16xf32> to vector<16xf32>
      %parallel_loop3A_1864 = arith.cmpf oeq, %parallel_loop3A_1863, %max3A_1185 : vector<16xf32>
      %parallel_loop3A_1865 = arith.constant 512 : i32
      %parallel_loop3A_1866 = arith.constant 0 : i32
      %parallel_loop3A_1867 = vector.broadcast %parallel_loop3A_1865 : i32 to vector<16xi32>
      %parallel_loop3A_1868 = vector.broadcast %parallel_loop3A_1866 : i32 to vector<16xi32>
      %parallel_loop3A_1869 = arith.select %parallel_loop3A_1864, %parallel_loop3A_1867, %parallel_loop3A_1868 : vector<16xi1>, vector<16xi32>
      %parallel_loop3A_1870 = arith.ori %parallel_loop3A_1853, %parallel_loop3A_1869 : vector<16xi32>
      %parallel_loop3A_1871 = arith.cmpf ogt, %parallel_loop3A_1863, %parallel_loop3A_1858 : vector<16xf32>
      %parallel_loop3A_1872 = arith.constant 9 : i32
      %parallel_loop3A_1873 = vector.broadcast %parallel_loop3A_1872 : i32 to vector<16xi32>
      %parallel_loop3A_1874 = arith.select %parallel_loop3A_1871, %parallel_loop3A_1873, %parallel_loop3A_1857 : vector<16xi1>, vector<16xi32>
      %parallel_loop3A_1875 = arith.maximumf %parallel_loop3A_1858, %parallel_loop3A_1863 : vector<16xf32>
      %parallel_loop3A_1876 = arith.constant 10 : i32
      %parallel_loop3A_1877 = arith.index_cast %parallel_loop3A_1876 : i32 to index
      %parallel_loop3A_1878 = arith.index_cast %parallel_loop3A_1711 : i32 to index
      %parallel_loop3A_1879 = tpu.vector_load %arg12[%parallel_loop3A_1877, %parallel_loop3A_1878] {strides = array<i32>} : memref<16x640xf32, #tpu.memory_space<vmem>>, vector<1x16xf32>,
      %parallel_loop3A_1880 = vector.shape_cast %parallel_loop3A_1879 : vector<1x16xf32> to vector<16xf32>
      %parallel_loop3A_1881 = arith.cmpf oeq, %parallel_loop3A_1880, %max3A_1253 : vector<16xf32>
      %parallel_loop3A_1882 = arith.constant 1024 : i32
      %parallel_loop3A_1883 = arith.constant 0 : i32
      %parallel_loop3A_1884 = vector.broadcast %parallel_loop3A_1882 : i32 to vector<16xi32>
      %parallel_loop3A_1885 = vector.broadcast %parallel_loop3A_1883 : i32 to vector<16xi32>
      %parallel_loop3A_1886 = arith.select %parallel_loop3A_1881, %parallel_loop3A_1884, %parallel_loop3A_1885 : vector<16xi1>, vector<16xi32>
      %parallel_loop3A_1887 = arith.ori %parallel_loop3A_1870, %parallel_loop3A_1886 : vector<16xi32>
      %parallel_loop3A_1888 = arith.cmpf ogt, %parallel_loop3A_1880, %parallel_loop3A_1875 : vector<16xf32>
      %parallel_loop3A_1889 = arith.constant 10 : i32
      %parallel_loop3A_1890 = vector.broadcast %parallel_loop3A_1889 : i32 to vector<16xi32>
      %parallel_loop3A_1891 = arith.select %parallel_loop3A_1888, %parallel_loop3A_1890, %parallel_loop3A_1874 : vector<16xi1>, vector<16xi32>
      %parallel_loop3A_1892 = arith.maximumf %parallel_loop3A_1875, %parallel_loop3A_1880 : vector<16xf32>
      %parallel_loop3A_1893 = arith.constant 11 : i32
      %parallel_loop3A_1894 = arith.index_cast %parallel_loop3A_1893 : i32 to index
      %parallel_loop3A_1895 = arith.index_cast %parallel_loop3A_1711 : i32 to index
      %parallel_loop3A_1896 = tpu.vector_load %arg12[%parallel_loop3A_1894, %parallel_loop3A_1895] {strides = array<i32>} : memref<16x640xf32, #tpu.memory_space<vmem>>, vector<1x16xf32>,
      %parallel_loop3A_1897 = vector.shape_cast %parallel_loop3A_1896 : vector<1x16xf32> to vector<16xf32>
      %parallel_loop3A_1898 = arith.cmpf oeq, %parallel_loop3A_1897, %max3A_1321 : vector<16xf32>
      %parallel_loop3A_1899 = arith.constant 2048 : i32
      %parallel_loop3A_1900 = arith.constant 0 : i32
      %parallel_loop3A_1901 = vector.broadcast %parallel_loop3A_1899 : i32 to vector<16xi32>
      %parallel_loop3A_1902 = vector.broadcast %parallel_loop3A_1900 : i32 to vector<16xi32>
      %parallel_loop3A_1903 = arith.select %parallel_loop3A_1898, %parallel_loop3A_1901, %parallel_loop3A_1902 : vector<16xi1>, vector<16xi32>
      %parallel_loop3A_1904 = arith.ori %parallel_loop3A_1887, %parallel_loop3A_1903 : vector<16xi32>
      %parallel_loop3A_1905 = arith.cmpf ogt, %parallel_loop3A_1897, %parallel_loop3A_1892 : vector<16xf32>
      %parallel_loop3A_1906 = arith.constant 11 : i32
      %parallel_loop3A_1907 = vector.broadcast %parallel_loop3A_1906 : i32 to vector<16xi32>
      %parallel_loop3A_1908 = arith.select %parallel_loop3A_1905, %parallel_loop3A_1907, %parallel_loop3A_1891 : vector<16xi1>, vector<16xi32>
      %parallel_loop3A_1909 = arith.maximumf %parallel_loop3A_1892, %parallel_loop3A_1897 : vector<16xf32>
      %parallel_loop3A_1910 = arith.constant 12 : i32
      %parallel_loop3A_1911 = arith.index_cast %parallel_loop3A_1910 : i32 to index
      %parallel_loop3A_1912 = arith.index_cast %parallel_loop3A_1711 : i32 to index
      %parallel_loop3A_1913 = tpu.vector_load %arg12[%parallel_loop3A_1911, %parallel_loop3A_1912] {strides = array<i32>} : memref<16x640xf32, #tpu.memory_space<vmem>>, vector<1x16xf32>,
      %parallel_loop3A_1914 = vector.shape_cast %parallel_loop3A_1913 : vector<1x16xf32> to vector<16xf32>
      %parallel_loop3A_1915 = arith.cmpf oeq, %parallel_loop3A_1914, %max3A_1389 : vector<16xf32>
      %parallel_loop3A_1916 = arith.constant 4096 : i32
      %parallel_loop3A_1917 = arith.constant 0 : i32
      %parallel_loop3A_1918 = vector.broadcast %parallel_loop3A_1916 : i32 to vector<16xi32>
      %parallel_loop3A_1919 = vector.broadcast %parallel_loop3A_1917 : i32 to vector<16xi32>
      %parallel_loop3A_1920 = arith.select %parallel_loop3A_1915, %parallel_loop3A_1918, %parallel_loop3A_1919 : vector<16xi1>, vector<16xi32>
      %parallel_loop3A_1921 = arith.ori %parallel_loop3A_1904, %parallel_loop3A_1920 : vector<16xi32>
      %parallel_loop3A_1922 = arith.cmpf ogt, %parallel_loop3A_1914, %parallel_loop3A_1909 : vector<16xf32>
      %parallel_loop3A_1923 = arith.constant 12 : i32
      %parallel_loop3A_1924 = vector.broadcast %parallel_loop3A_1923 : i32 to vector<16xi32>
      %parallel_loop3A_1925 = arith.select %parallel_loop3A_1922, %parallel_loop3A_1924, %parallel_loop3A_1908 : vector<16xi1>, vector<16xi32>
      %parallel_loop3A_1926 = arith.maximumf %parallel_loop3A_1909, %parallel_loop3A_1914 : vector<16xf32>
      %parallel_loop3A_1927 = arith.constant 13 : i32
      %parallel_loop3A_1928 = arith.index_cast %parallel_loop3A_1927 : i32 to index
      %parallel_loop3A_1929 = arith.index_cast %parallel_loop3A_1711 : i32 to index
      %parallel_loop3A_1930 = tpu.vector_load %arg12[%parallel_loop3A_1928, %parallel_loop3A_1929] {strides = array<i32>} : memref<16x640xf32, #tpu.memory_space<vmem>>, vector<1x16xf32>,
      %parallel_loop3A_1931 = vector.shape_cast %parallel_loop3A_1930 : vector<1x16xf32> to vector<16xf32>
      %parallel_loop3A_1932 = arith.cmpf oeq, %parallel_loop3A_1931, %max3A_1457 : vector<16xf32>
      %parallel_loop3A_1933 = arith.constant 8192 : i32
      %parallel_loop3A_1934 = arith.constant 0 : i32
      %parallel_loop3A_1935 = vector.broadcast %parallel_loop3A_1933 : i32 to vector<16xi32>
      %parallel_loop3A_1936 = vector.broadcast %parallel_loop3A_1934 : i32 to vector<16xi32>
      %parallel_loop3A_1937 = arith.select %parallel_loop3A_1932, %parallel_loop3A_1935, %parallel_loop3A_1936 : vector<16xi1>, vector<16xi32>
      %parallel_loop3A_1938 = arith.ori %parallel_loop3A_1921, %parallel_loop3A_1937 : vector<16xi32>
      %parallel_loop3A_1939 = arith.cmpf ogt, %parallel_loop3A_1931, %parallel_loop3A_1926 : vector<16xf32>
      %parallel_loop3A_1940 = arith.constant 13 : i32
      %parallel_loop3A_1941 = vector.broadcast %parallel_loop3A_1940 : i32 to vector<16xi32>
      %parallel_loop3A_1942 = arith.select %parallel_loop3A_1939, %parallel_loop3A_1941, %parallel_loop3A_1925 : vector<16xi1>, vector<16xi32>
      %parallel_loop3A_1943 = arith.maximumf %parallel_loop3A_1926, %parallel_loop3A_1931 : vector<16xf32>
      %parallel_loop3A_1944 = arith.constant 14 : i32
      %parallel_loop3A_1945 = arith.index_cast %parallel_loop3A_1944 : i32 to index
      %parallel_loop3A_1946 = arith.index_cast %parallel_loop3A_1711 : i32 to index
      %parallel_loop3A_1947 = tpu.vector_load %arg12[%parallel_loop3A_1945, %parallel_loop3A_1946] {strides = array<i32>} : memref<16x640xf32, #tpu.memory_space<vmem>>, vector<1x16xf32>,
      %parallel_loop3A_1948 = vector.shape_cast %parallel_loop3A_1947 : vector<1x16xf32> to vector<16xf32>
      %parallel_loop3A_1949 = arith.cmpf oeq, %parallel_loop3A_1948, %max3A_1525 : vector<16xf32>
      %parallel_loop3A_1950 = arith.constant 16384 : i32
      %parallel_loop3A_1951 = arith.constant 0 : i32
      %parallel_loop3A_1952 = vector.broadcast %parallel_loop3A_1950 : i32 to vector<16xi32>
      %parallel_loop3A_1953 = vector.broadcast %parallel_loop3A_1951 : i32 to vector<16xi32>
      %parallel_loop3A_1954 = arith.select %parallel_loop3A_1949, %parallel_loop3A_1952, %parallel_loop3A_1953 : vector<16xi1>, vector<16xi32>
      %parallel_loop3A_1955 = arith.ori %parallel_loop3A_1938, %parallel_loop3A_1954 : vector<16xi32>
      %parallel_loop3A_1956 = arith.cmpf ogt, %parallel_loop3A_1948, %parallel_loop3A_1943 : vector<16xf32>
      %parallel_loop3A_1957 = arith.constant 14 : i32
      %parallel_loop3A_1958 = vector.broadcast %parallel_loop3A_1957 : i32 to vector<16xi32>
      %parallel_loop3A_1959 = arith.select %parallel_loop3A_1956, %parallel_loop3A_1958, %parallel_loop3A_1942 : vector<16xi1>, vector<16xi32>
      %parallel_loop3A_1960 = arith.maximumf %parallel_loop3A_1943, %parallel_loop3A_1948 : vector<16xf32>
      %parallel_loop3A_1961 = arith.constant 15 : i32
      %parallel_loop3A_1962 = arith.index_cast %parallel_loop3A_1961 : i32 to index
      %parallel_loop3A_1963 = arith.index_cast %parallel_loop3A_1711 : i32 to index
      %parallel_loop3A_1964 = tpu.vector_load %arg12[%parallel_loop3A_1962, %parallel_loop3A_1963] {strides = array<i32>} : memref<16x640xf32, #tpu.memory_space<vmem>>, vector<1x16xf32>,
      %parallel_loop3A_1965 = vector.shape_cast %parallel_loop3A_1964 : vector<1x16xf32> to vector<16xf32>
      %parallel_loop3A_1966 = arith.cmpf oeq, %parallel_loop3A_1965, %max3A_1593 : vector<16xf32>
      %parallel_loop3A_1967 = arith.constant 32768 : i32
      %parallel_loop3A_1968 = arith.constant 0 : i32
      %parallel_loop3A_1969 = vector.broadcast %parallel_loop3A_1967 : i32 to vector<16xi32>
      %parallel_loop3A_1970 = vector.broadcast %parallel_loop3A_1968 : i32 to vector<16xi32>
      %parallel_loop3A_1971 = arith.select %parallel_loop3A_1966, %parallel_loop3A_1969, %parallel_loop3A_1970 : vector<16xi1>, vector<16xi32>
      %parallel_loop3A_1972 = arith.ori %parallel_loop3A_1955, %parallel_loop3A_1971 : vector<16xi32>
      %parallel_loop3A_1973 = arith.cmpf ogt, %parallel_loop3A_1965, %parallel_loop3A_1960 : vector<16xf32>
      %parallel_loop3A_1974 = arith.constant 15 : i32
      %parallel_loop3A_1975 = vector.broadcast %parallel_loop3A_1974 : i32 to vector<16xi32>
      %parallel_loop3A_1976 = arith.select %parallel_loop3A_1973, %parallel_loop3A_1975, %parallel_loop3A_1959 : vector<16xi1>, vector<16xi32>
      %parallel_loop3A_1977 = arith.maximumf %parallel_loop3A_1960, %parallel_loop3A_1965 : vector<16xf32>
      %parallel_loop3A_1978 = arith.constant 0.699999988 : f32
      %parallel_loop3A_1979 = vector.broadcast %parallel_loop3A_1978 : f32 to vector<16xf32>
      %parallel_loop3A_1980 = arith.cmpf oge, %parallel_loop3A_1977, %parallel_loop3A_1979 : vector<16xf32>
      %parallel_loop3A_1981 = arith.constant 1 : i32
      %parallel_loop3A_1982 = arith.constant -1 : i32
      %parallel_loop3A_1983 = vector.broadcast %parallel_loop3A_1981 : i32 to vector<16xi32>
      %parallel_loop3A_1984 = vector.broadcast %parallel_loop3A_1982 : i32 to vector<16xi32>
      %parallel_loop3A_1985 = arith.select %parallel_loop3A_1980, %parallel_loop3A_1983, %parallel_loop3A_1984 : vector<16xi1>, vector<16xi32>
      %parallel_loop3A_1986 = arith.constant 3.000000e-01 : f32
      %parallel_loop3A_1987 = vector.broadcast %parallel_loop3A_1986 : f32 to vector<16xf32>
      %parallel_loop3A_1988 = arith.cmpf olt, %parallel_loop3A_1977, %parallel_loop3A_1987 : vector<16xf32>
      %parallel_loop3A_1989 = arith.constant 0 : i32
      %parallel_loop3A_1990 = vector.broadcast %parallel_loop3A_1989 : i32 to vector<16xi32>
      %parallel_loop3A_1991 = arith.select %parallel_loop3A_1988, %parallel_loop3A_1990, %parallel_loop3A_1985 : vector<16xi1>, vector<16xi32>
      %parallel_loop3A_1992 = arith.constant 1 : i32
      %parallel_loop3A_1993 = vector.broadcast %parallel_loop3A_1992 : i32 to vector<16xi32>
      %parallel_loop3A_1994 = arith.addi %parallel_loop3A_1991, %parallel_loop3A_1993 : vector<16xi32>
      %parallel_loop3A_1995 = arith.constant 16 : i32
      %parallel_loop3A_1996 = vector.broadcast %parallel_loop3A_1995 : i32 to vector<16xi32>
      %parallel_loop3A_1997 = arith.shli %parallel_loop3A_1994, %parallel_loop3A_1996 : vector<16xi32>
      %parallel_loop3A_1998 = arith.ori %parallel_loop3A_1972, %parallel_loop3A_1997 : vector<16xi32>
      %parallel_loop3A_1999 = arith.index_cast %parallel_loop3A_1711 : i32 to index
      %parallel_loop3A_2000 = tpu.vector_load %arg13[%parallel_loop3A_1999] {strides = array<i32>} : memref<640xi32, #tpu.memory_space<vmem>>, vector<16xi32>,
      %parallel_loop3A_2001 = vector.shape_cast %parallel_loop3A_2000 : vector<16xi32> to vector<16xi32>
      %parallel_loop3A_2002 = vector.shape_cast %parallel_loop3A_1998 : vector<16xi32> to vector<16xi32>
      tpu.vector_store %arg13[%parallel_loop3A_1999], %parallel_loop3A_2002 {strides = array<i32>} : memref<640xi32, #tpu.memory_space<vmem>>, vector<16xi32>,
      %parallel_loop3A_2003 = arith.constant 0.699999988 : f32
      %parallel_loop3A_2004 = vector.broadcast %parallel_loop3A_2003 : f32 to vector<16xf32>
      %parallel_loop3A_2005 = arith.cmpf oge, %parallel_loop3A_1977, %parallel_loop3A_2004 : vector<16xf32>
      %parallel_loop3A_2006 = arith.constant 0 : i32
      %parallel_loop3A_2007 = vector.broadcast %parallel_loop3A_2006 : i32 to vector<16xi32>
      %parallel_loop3A_2008 = arith.select %parallel_loop3A_2005, %parallel_loop3A_1976, %parallel_loop3A_2007 : vector<16xi1>, vector<16xi32>
      %parallel_loop3A_2009 = arith.constant 0 : i32
      %parallel_loop3A_2010 = vector.broadcast %parallel_loop3A_2009 : i32 to vector<16xi32>
      %parallel_loop3A_2011 = arith.cmpi slt, %parallel_loop3A_2008, %parallel_loop3A_2010 : vector<16xi32>
      %parallel_loop3A_2012 = arith.constant 16 : i32
      %parallel_loop3A_2013 = vector.broadcast %parallel_loop3A_2012 : i32 to vector<16xi32>
      %parallel_loop3A_2014 = arith.addi %parallel_loop3A_2008, %parallel_loop3A_2013 : vector<16xi32>
      %parallel_loop3A_2015 = arith.select %parallel_loop3A_2011, %parallel_loop3A_2014, %parallel_loop3A_2008 : vector<16xi1>, vector<16xi32>
      %parallel_loop3A_2016 = vector.shape_cast %parallel_loop3A_2015 : vector<16xi32> to vector<16x1xi32>
      %parallel_loop3A_2017 = vector.shape_cast %parallel_loop3A_2016 : vector<16x1xi32> to vector<16xi32>
      %parallel_loop3A_2018 = tpu.dynamic_gather %get3A_1598[%parallel_loop3A_2017] in [0] : vector<16xf32>, vector<16xi32> -> vector<16xf32>
      %parallel_loop3A_2019 = arith.constant 0 : i32
      %parallel_loop3A_2020 = arith.index_cast %parallel_loop3A_2019 : i32 to index
      %parallel_loop3A_2021 = arith.index_cast %parallel_loop3A_1711 : i32 to index
      %parallel_loop3A_2022 = tpu.vector_load %arg14[%parallel_loop3A_2020, %parallel_loop3A_2021] {strides = array<i32>} : memref<4x640xf32, #tpu.memory_space<vmem>>, vector<1x16xf32>,
      %parallel_loop3A_2023 = vector.shape_cast %parallel_loop3A_2022 : vector<1x16xf32> to vector<16xf32>
      %parallel_loop3A_2024 = vector.shape_cast %parallel_loop3A_2018 : vector<16xf32> to vector<1x16xf32>
      tpu.vector_store %arg14[%parallel_loop3A_2020, %parallel_loop3A_2021], %parallel_loop3A_2024 {strides = array<i32>} : memref<4x640xf32, #tpu.memory_space<vmem>>, vector<1x16xf32>,
      %parallel_loop3A_2025 = arith.constant 0 : i32
      %parallel_loop3A_2026 = vector.broadcast %parallel_loop3A_2025 : i32 to vector<16xi32>
      %parallel_loop3A_2027 = arith.cmpi slt, %parallel_loop3A_2008, %parallel_loop3A_2026 : vector<16xi32>
      %parallel_loop3A_2028 = arith.constant 16 : i32
      %parallel_loop3A_2029 = vector.broadcast %parallel_loop3A_2028 : i32 to vector<16xi32>
      %parallel_loop3A_2030 = arith.addi %parallel_loop3A_2008, %parallel_loop3A_2029 : vector<16xi32>
      %parallel_loop3A_2031 = arith.select %parallel_loop3A_2027, %parallel_loop3A_2030, %parallel_loop3A_2008 : vector<16xi1>, vector<16xi32>
      %parallel_loop3A_2032 = vector.shape_cast %parallel_loop3A_2031 : vector<16xi32> to vector<16x1xi32>
      %parallel_loop3A_2033 = vector.shape_cast %parallel_loop3A_2032 : vector<16x1xi32> to vector<16xi32>
      %parallel_loop3A_2034 = tpu.dynamic_gather %get3A_1603[%parallel_loop3A_2033] in [0] : vector<16xf32>, vector<16xi32> -> vector<16xf32>
      %parallel_loop3A_2035 = arith.constant 1 : i32
      %parallel_loop3A_2036 = arith.index_cast %parallel_loop3A_2035 : i32 to index
      %parallel_loop3A_2037 = arith.index_cast %parallel_loop3A_1711 : i32 to index
      %parallel_loop3A_2038 = tpu.vector_load %arg14[%parallel_loop3A_2036, %parallel_loop3A_2037] {strides = array<i32>} : memref<4x640xf32, #tpu.memory_space<vmem>>, vector<1x16xf32>,
      %parallel_loop3A_2039 = vector.shape_cast %parallel_loop3A_2038 : vector<1x16xf32> to vector<16xf32>
      %parallel_loop3A_2040 = vector.shape_cast %parallel_loop3A_2034 : vector<16xf32> to vector<1x16xf32>
      tpu.vector_store %arg14[%parallel_loop3A_2036, %parallel_loop3A_2037], %parallel_loop3A_2040 {strides = array<i32>} : memref<4x640xf32, #tpu.memory_space<vmem>>, vector<1x16xf32>,
      %parallel_loop3A_2041 = arith.constant 0 : i32
      %parallel_loop3A_2042 = vector.broadcast %parallel_loop3A_2041 : i32 to vector<16xi32>
      %parallel_loop3A_2043 = arith.cmpi slt, %parallel_loop3A_2008, %parallel_loop3A_2042 : vector<16xi32>
      %parallel_loop3A_2044 = arith.constant 16 : i32
      %parallel_loop3A_2045 = vector.broadcast %parallel_loop3A_2044 : i32 to vector<16xi32>
      %parallel_loop3A_2046 = arith.addi %parallel_loop3A_2008, %parallel_loop3A_2045 : vector<16xi32>
      %parallel_loop3A_2047 = arith.select %parallel_loop3A_2043, %parallel_loop3A_2046, %parallel_loop3A_2008 : vector<16xi1>, vector<16xi32>
      %parallel_loop3A_2048 = vector.shape_cast %parallel_loop3A_2047 : vector<16xi32> to vector<16x1xi32>
      %parallel_loop3A_2049 = vector.shape_cast %parallel_loop3A_2048 : vector<16x1xi32> to vector<16xi32>
      %parallel_loop3A_2050 = tpu.dynamic_gather %get3A_1608[%parallel_loop3A_2049] in [0] : vector<16xf32>, vector<16xi32> -> vector<16xf32>
      %parallel_loop3A_2051 = arith.constant 2 : i32
      %parallel_loop3A_2052 = arith.index_cast %parallel_loop3A_2051 : i32 to index
      %parallel_loop3A_2053 = arith.index_cast %parallel_loop3A_1711 : i32 to index
      %parallel_loop3A_2054 = tpu.vector_load %arg14[%parallel_loop3A_2052, %parallel_loop3A_2053] {strides = array<i32>} : memref<4x640xf32, #tpu.memory_space<vmem>>, vector<1x16xf32>,
      %parallel_loop3A_2055 = vector.shape_cast %parallel_loop3A_2054 : vector<1x16xf32> to vector<16xf32>
      %parallel_loop3A_2056 = vector.shape_cast %parallel_loop3A_2050 : vector<16xf32> to vector<1x16xf32>
      tpu.vector_store %arg14[%parallel_loop3A_2052, %parallel_loop3A_2053], %parallel_loop3A_2056 {strides = array<i32>} : memref<4x640xf32, #tpu.memory_space<vmem>>, vector<1x16xf32>,
      %parallel_loop3A_2057 = arith.constant 0 : i32
      %parallel_loop3A_2058 = vector.broadcast %parallel_loop3A_2057 : i32 to vector<16xi32>
      %parallel_loop3A_2059 = arith.cmpi slt, %parallel_loop3A_2008, %parallel_loop3A_2058 : vector<16xi32>
      %parallel_loop3A_2060 = arith.constant 16 : i32
      %parallel_loop3A_2061 = vector.broadcast %parallel_loop3A_2060 : i32 to vector<16xi32>
      %parallel_loop3A_2062 = arith.addi %parallel_loop3A_2008, %parallel_loop3A_2061 : vector<16xi32>
      %parallel_loop3A_2063 = arith.select %parallel_loop3A_2059, %parallel_loop3A_2062, %parallel_loop3A_2008 : vector<16xi1>, vector<16xi32>
      %parallel_loop3A_2064 = vector.shape_cast %parallel_loop3A_2063 : vector<16xi32> to vector<16x1xi32>
      %parallel_loop3A_2065 = vector.shape_cast %parallel_loop3A_2064 : vector<16x1xi32> to vector<16xi32>
      %parallel_loop3A_2066 = tpu.dynamic_gather %get3A_1613[%parallel_loop3A_2065] in [0] : vector<16xf32>, vector<16xi32> -> vector<16xf32>
      %parallel_loop3A_2067 = arith.constant 3 : i32
      %parallel_loop3A_2068 = arith.index_cast %parallel_loop3A_2067 : i32 to index
      %parallel_loop3A_2069 = arith.index_cast %parallel_loop3A_1711 : i32 to index
      %parallel_loop3A_2070 = tpu.vector_load %arg14[%parallel_loop3A_2068, %parallel_loop3A_2069] {strides = array<i32>} : memref<4x640xf32, #tpu.memory_space<vmem>>, vector<1x16xf32>,
      %parallel_loop3A_2071 = vector.shape_cast %parallel_loop3A_2070 : vector<1x16xf32> to vector<16xf32>
      %parallel_loop3A_2072 = vector.shape_cast %parallel_loop3A_2066 : vector<16xf32> to vector<1x16xf32>
      tpu.vector_store %arg14[%parallel_loop3A_2068, %parallel_loop3A_2069], %parallel_loop3A_2072 {strides = array<i32>} : memref<4x640xf32, #tpu.memory_space<vmem>>, vector<1x16xf32>,
    } {sc.loop_unroll_factor = 1 : i64, sc.parallel_access}
    %eq3A = arith.constant 0 : i32
    %eq3A_1619 = vector.broadcast %eq3A : i32 to vector<16xi32>
    %eq3A_1620 = arith.cmpi eq, %iota3A, %eq3A_1619 : vector<16xi32>
    %select_n3A_1621 = arith.select %eq3A_1620, %max3A_573, %broadcast_in_dim3A_6 : vector<16xi1>, vector<16xf32>
    %eq3A_1622 = arith.constant 1 : i32
    %eq3A_1623 = vector.broadcast %eq3A_1622 : i32 to vector<16xi32>
    %eq3A_1624 = arith.cmpi eq, %iota3A, %eq3A_1623 : vector<16xi32>
    %select_n3A_1625 = arith.select %eq3A_1624, %max3A_641, %select_n3A_1621 : vector<16xi1>, vector<16xf32>
    %eq3A_1626 = arith.constant 2 : i32
    %eq3A_1627 = vector.broadcast %eq3A_1626 : i32 to vector<16xi32>
    %eq3A_1628 = arith.cmpi eq, %iota3A, %eq3A_1627 : vector<16xi32>
    %select_n3A_1629 = arith.select %eq3A_1628, %max3A_709, %select_n3A_1625 : vector<16xi1>, vector<16xf32>
    %eq3A_1630 = arith.constant 3 : i32
    %eq3A_1631 = vector.broadcast %eq3A_1630 : i32 to vector<16xi32>
    %eq3A_1632 = arith.cmpi eq, %iota3A, %eq3A_1631 : vector<16xi32>
    %select_n3A_1633 = arith.select %eq3A_1632, %max3A_777, %select_n3A_1629 : vector<16xi1>, vector<16xf32>
    %eq3A_1634 = arith.constant 4 : i32
    %eq3A_1635 = vector.broadcast %eq3A_1634 : i32 to vector<16xi32>
    %eq3A_1636 = arith.cmpi eq, %iota3A, %eq3A_1635 : vector<16xi32>
    %select_n3A_1637 = arith.select %eq3A_1636, %max3A_845, %select_n3A_1633 : vector<16xi1>, vector<16xf32>
    %eq3A_1638 = arith.constant 5 : i32
    %eq3A_1639 = vector.broadcast %eq3A_1638 : i32 to vector<16xi32>
    %eq3A_1640 = arith.cmpi eq, %iota3A, %eq3A_1639 : vector<16xi32>
    %select_n3A_1641 = arith.select %eq3A_1640, %max3A_913, %select_n3A_1637 : vector<16xi1>, vector<16xf32>
    %eq3A_1642 = arith.constant 6 : i32
    %eq3A_1643 = vector.broadcast %eq3A_1642 : i32 to vector<16xi32>
    %eq3A_1644 = arith.cmpi eq, %iota3A, %eq3A_1643 : vector<16xi32>
    %select_n3A_1645 = arith.select %eq3A_1644, %max3A_981, %select_n3A_1641 : vector<16xi1>, vector<16xf32>
    %eq3A_1646 = arith.constant 7 : i32
    %eq3A_1647 = vector.broadcast %eq3A_1646 : i32 to vector<16xi32>
    %eq3A_1648 = arith.cmpi eq, %iota3A, %eq3A_1647 : vector<16xi32>
    %select_n3A_1649 = arith.select %eq3A_1648, %max3A_1049, %select_n3A_1645 : vector<16xi1>, vector<16xf32>
    %eq3A_1650 = arith.constant 8 : i32
    %eq3A_1651 = vector.broadcast %eq3A_1650 : i32 to vector<16xi32>
    %eq3A_1652 = arith.cmpi eq, %iota3A, %eq3A_1651 : vector<16xi32>
    %select_n3A_1653 = arith.select %eq3A_1652, %max3A_1117, %select_n3A_1649 : vector<16xi1>, vector<16xf32>
    %eq3A_1654 = arith.constant 9 : i32
    %eq3A_1655 = vector.broadcast %eq3A_1654 : i32 to vector<16xi32>
    %eq3A_1656 = arith.cmpi eq, %iota3A, %eq3A_1655 : vector<16xi32>
    %select_n3A_1657 = arith.select %eq3A_1656, %max3A_1185, %select_n3A_1653 : vector<16xi1>, vector<16xf32>
    %eq3A_1658 = arith.constant 10 : i32
    %eq3A_1659 = vector.broadcast %eq3A_1658 : i32 to vector<16xi32>
    %eq3A_1660 = arith.cmpi eq, %iota3A, %eq3A_1659 : vector<16xi32>
    %select_n3A_1661 = arith.select %eq3A_1660, %max3A_1253, %select_n3A_1657 : vector<16xi1>, vector<16xf32>
    %eq3A_1662 = arith.constant 11 : i32
    %eq3A_1663 = vector.broadcast %eq3A_1662 : i32 to vector<16xi32>
    %eq3A_1664 = arith.cmpi eq, %iota3A, %eq3A_1663 : vector<16xi32>
    %select_n3A_1665 = arith.select %eq3A_1664, %max3A_1321, %select_n3A_1661 : vector<16xi1>, vector<16xf32>
    %eq3A_1666 = arith.constant 12 : i32
    %eq3A_1667 = vector.broadcast %eq3A_1666 : i32 to vector<16xi32>
    %eq3A_1668 = arith.cmpi eq, %iota3A, %eq3A_1667 : vector<16xi32>
    %select_n3A_1669 = arith.select %eq3A_1668, %max3A_1389, %select_n3A_1665 : vector<16xi1>, vector<16xf32>
    %eq3A_1670 = arith.constant 13 : i32
    %eq3A_1671 = vector.broadcast %eq3A_1670 : i32 to vector<16xi32>
    %eq3A_1672 = arith.cmpi eq, %iota3A, %eq3A_1671 : vector<16xi32>
    %select_n3A_1673 = arith.select %eq3A_1672, %max3A_1457, %select_n3A_1669 : vector<16xi1>, vector<16xf32>
    %eq3A_1674 = arith.constant 14 : i32
    %eq3A_1675 = vector.broadcast %eq3A_1674 : i32 to vector<16xi32>
    %eq3A_1676 = arith.cmpi eq, %iota3A, %eq3A_1675 : vector<16xi32>
    %select_n3A_1677 = arith.select %eq3A_1676, %max3A_1525, %select_n3A_1673 : vector<16xi1>, vector<16xf32>
    %eq3A_1678 = arith.constant 15 : i32
    %eq3A_1679 = vector.broadcast %eq3A_1678 : i32 to vector<16xi32>
    %eq3A_1680 = arith.cmpi eq, %iota3A, %eq3A_1679 : vector<16xi32>
    %select_n3A_1681 = arith.select %eq3A_1680, %max3A_1593, %select_n3A_1677 : vector<16xi1>, vector<16xf32>
    %swap3A = arith.constant 0 : index
    %swap3A_1682 = tpu.vector_load %arg15[%swap3A] {strides = array<i32>} : memref<16xf32, #tpu.memory_space<vmem>>, vector<16xf32>,
    %swap3A_1683 = vector.shape_cast %swap3A_1682 : vector<16xf32> to vector<16xf32>
    %swap3A_1684 = vector.shape_cast %select_n3A_1681 : vector<16xf32> to vector<16xf32>
    tpu.vector_store %arg15[%swap3A], %swap3A_1684 {strides = array<i32>} : memref<16xf32, #tpu.memory_space<vmem>>, vector<16xf32>,
    %dma_start3A_1685 = arith.constant 0 : i32
    %dma_start3A_1686 = tpu.memref_slice %arg5[%add3A, %dma_start3A_1685] : memref<32x16xf32, #tpu.memory_space<hbm>> -> memref<1x16xf32, #tpu.memory_space<hbm>>
    %dma_start3A_1687 = tpu.memref_squeeze %dma_start3A_1686 : memref<1x16xf32, #tpu.memory_space<hbm>> -> memref<16xf32, #tpu.memory_space<hbm>>
    %dma_start3A_1688 = arith.constant 0 : i32
    %dma_start3A_1689 = tpu.memref_slice %arg5[%add3A, %dma_start3A_1688] : memref<32x16xf32, #tpu.memory_space<hbm>> -> memref<1x16xf32, #tpu.memory_space<hbm>>
    %dma_start3A_1690 = tpu.memref_squeeze %dma_start3A_1689 : memref<1x16xf32, #tpu.memory_space<hbm>> -> memref<16xf32, #tpu.memory_space<hbm>>
    tpu.enqueue_dma source(%arg15 : memref<16xf32, #tpu.memory_space<vmem>>) target(%dma_start3A_1690 : memref<16xf32, #tpu.memory_space<hbm>>) target_semaphore(%arg16 : memref<!tpu.dma_semaphore, #tpu.memory_space<semaphore_mem>>)
    %dma_start3A_1691 = tpu.memref_slice %arg6[%mul3A_2] : memref<20480xi32, #tpu.memory_space<hbm>> -> memref<640xi32, #tpu.memory_space<hbm>>
    %dma_start3A_1692 = tpu.memref_slice %arg6[%mul3A_2] : memref<20480xi32, #tpu.memory_space<hbm>> -> memref<640xi32, #tpu.memory_space<hbm>>
    tpu.enqueue_dma source(%arg13 : memref<640xi32, #tpu.memory_space<vmem>>) target(%dma_start3A_1692 : memref<640xi32, #tpu.memory_space<hbm>>) target_semaphore(%arg17 : memref<!tpu.dma_semaphore, #tpu.memory_space<semaphore_mem>>)
    %dma_start3A_1693 = arith.constant 0 : i32
    %dma_start3A_1694 = tpu.memref_slice %arg7[%dma_start3A_1693, %mul3A_2] : memref<4x20480xf32, #tpu.memory_space<hbm>> -> memref<4x640xf32, #tpu.memory_space<hbm>>
    %dma_start3A_1695 = arith.constant 0 : i32
    %dma_start3A_1696 = tpu.memref_slice %arg7[%dma_start3A_1695, %mul3A_2] : memref<4x20480xf32, #tpu.memory_space<hbm>> -> memref<4x640xf32, #tpu.memory_space<hbm>>
    tpu.enqueue_dma source(%arg14 : memref<4x640xf32, #tpu.memory_space<vmem>>) target(%dma_start3A_1696 : memref<4x640xf32, #tpu.memory_space<hbm>>) target_semaphore(%arg18 : memref<!tpu.dma_semaphore, #tpu.memory_space<semaphore_mem>>)
    %dma_wait3A_1697 = tpu.memref_slice %arg6[%mul3A_2] : memref<20480xi32, #tpu.memory_space<hbm>> -> memref<640xi32, #tpu.memory_space<hbm>>
    %dma_wait3A_1698 = tpu.memref_slice %arg6[%mul3A_2] : memref<20480xi32, #tpu.memory_space<hbm>> -> memref<640xi32, #tpu.memory_space<hbm>>
    tpu.wait_dma2 semaphore(%arg17 : memref<!tpu.dma_semaphore, #tpu.memory_space<semaphore_mem>>) src(%arg13 : memref<640xi32, #tpu.memory_space<vmem>>) dst(%dma_wait3A_1698 : memref<640xi32, #tpu.memory_space<hbm>>)
    %dma_wait3A_1699 = arith.constant 0 : i32
    %dma_wait3A_1700 = tpu.memref_slice %arg5[%add3A, %dma_wait3A_1699] : memref<32x16xf32, #tpu.memory_space<hbm>> -> memref<1x16xf32, #tpu.memory_space<hbm>>
    %dma_wait3A_1701 = tpu.memref_squeeze %dma_wait3A_1700 : memref<1x16xf32, #tpu.memory_space<hbm>> -> memref<16xf32, #tpu.memory_space<hbm>>
    %dma_wait3A_1702 = arith.constant 0 : i32
    %dma_wait3A_1703 = tpu.memref_slice %arg5[%add3A, %dma_wait3A_1702] : memref<32x16xf32, #tpu.memory_space<hbm>> -> memref<1x16xf32, #tpu.memory_space<hbm>>
    %dma_wait3A_1704 = tpu.memref_squeeze %dma_wait3A_1703 : memref<1x16xf32, #tpu.memory_space<hbm>> -> memref<16xf32, #tpu.memory_space<hbm>>
    tpu.wait_dma2 semaphore(%arg16 : memref<!tpu.dma_semaphore, #tpu.memory_space<semaphore_mem>>) src(%arg15 : memref<16xf32, #tpu.memory_space<vmem>>) dst(%dma_wait3A_1704 : memref<16xf32, #tpu.memory_space<hbm>>)
    %dma_wait3A_1705 = arith.constant 0 : i32
    %dma_wait3A_1706 = tpu.memref_slice %arg7[%dma_wait3A_1705, %mul3A_2] : memref<4x20480xf32, #tpu.memory_space<hbm>> -> memref<4x640xf32, #tpu.memory_space<hbm>>
    %dma_wait3A_1707 = arith.constant 0 : i32
    %dma_wait3A_1708 = tpu.memref_slice %arg7[%dma_wait3A_1707, %mul3A_2] : memref<4x20480xf32, #tpu.memory_space<hbm>> -> memref<4x640xf32, #tpu.memory_space<hbm>>
    tpu.wait_dma2 semaphore(%arg18 : memref<!tpu.dma_semaphore, #tpu.memory_space<semaphore_mem>>) src(%arg14 : memref<4x640xf32, #tpu.memory_space<vmem>>) dst(%dma_wait3A_1708 : memref<4x640xf32, #tpu.memory_space<hbm>>)
    return
  }
}

module attributes {stable_mosaic.version = 14 : i64} {
  func.func @_patch_body(%arg0: memref<32x16xf32, #tpu.memory_space<vmem>>, %arg1: memref<32x640xi32, #tpu.memory_space<vmem>>, %arg2: memref<32x640xi32, #tpu.memory_space<vmem>>) attributes {dimension_semantics = [], scalar_prefetch = 0 : i64, scratch_operands = 0 : i64, tpu.core_type = #tpu.core_type<tc>} {
    %get3A = arith.constant 0 : index
    %get3A_0 = arith.constant 0 : index
    %get3A_1 = vector.load %arg0[%get3A, %get3A_0] : memref<32x16xf32, #tpu.memory_space<vmem>>, vector<32x16xf32>
    %reduce_max3A = arith.constant dense<0xFF800000> : vector<16xf32>
    %reduce_max3A_2 = vector.multi_reduction <maximumf>, %get3A_1, %reduce_max3A [0] : vector<32x16xf32> to vector<16xf32>
    %broadcast_in_dim3A = vector.shape_cast %reduce_max3A_2 : vector<16xf32> to vector<1x16xf32>
    %iota3A = tpu.iota {dimensions = array<i32: 1>} : vector<32x16xi32>
    %shift_left3A = arith.constant 1 : i32
    %shift_left3A_3 = vector.broadcast %shift_left3A : i32 to vector<32x16xi32>
    %shift_left3A_4 = arith.shli %shift_left3A_3, %iota3A : vector<32x16xi32>
    %eq3A = vector.broadcast %broadcast_in_dim3A : vector<1x16xf32> to vector<32x16xf32>
    %eq3A_5 = arith.cmpf oeq, %get3A_1, %eq3A : vector<32x16xf32>
    %jit3A = arith.constant 0 : i32
    %broadcast_in_dim3A_6 = vector.broadcast %jit3A : i32 to vector<32x16xi32>
    %select_n3A = arith.select %eq3A_5, %shift_left3A_4, %broadcast_in_dim3A_6 : vector<32x16xi1>, vector<32x16xi32>
    %reduce_sum3A = arith.constant dense<0> : vector<32xi32>
    %reduce_sum3A_7 = vector.multi_reduction <add>, %select_n3A, %reduce_sum3A [1] : vector<32x16xi32> to vector<32xi32>
    %broadcast_in_dim3A_8 = vector.shape_cast %reduce_sum3A_7 : vector<32xi32> to vector<32x1xi32>
    %get3A_9 = arith.constant 0 : index
    %get3A_10 = arith.constant 0 : index
    %get3A_11 = vector.load %arg1[%get3A_9, %get3A_10] : memref<32x640xi32, #tpu.memory_space<vmem>>, vector<32x640xi32>
    %and3A = arith.constant 65535 : i32
    %and3A_12 = vector.broadcast %and3A : i32 to vector<32x640xi32>
    %and3A_13 = arith.andi %get3A_11, %and3A_12 : vector<32x640xi32>
    %shift_right_arithmetic3A = arith.constant 16 : i32
    %shift_right_arithmetic3A_14 = vector.broadcast %shift_right_arithmetic3A : i32 to vector<32x640xi32>
    %shift_right_arithmetic3A_15 = arith.shrsi %get3A_11, %shift_right_arithmetic3A_14 : vector<32x640xi32>
    %sub3A = arith.constant 1 : i32
    %sub3A_16 = vector.broadcast %sub3A : i32 to vector<32x640xi32>
    %sub3A_17 = arith.subi %shift_right_arithmetic3A_15, %sub3A_16 : vector<32x640xi32>
    %and3A_18 = vector.broadcast %broadcast_in_dim3A_8 : vector<32x1xi32> to vector<32x640xi32>
    %and3A_19 = arith.andi %and3A_13, %and3A_18 : vector<32x640xi32>
    %ne3A = arith.constant 0 : i32
    %ne3A_20 = vector.broadcast %ne3A : i32 to vector<32x640xi32>
    %ne3A_21 = arith.cmpi ne, %and3A_19, %ne3A_20 : vector<32x640xi32>
    %eq3A_22 = arith.constant -1 : i32
    %eq3A_23 = vector.broadcast %eq3A_22 : i32 to vector<32x640xi32>
    %eq3A_24 = arith.cmpi eq, %sub3A_17, %eq3A_23 : vector<32x640xi32>
    %and3A_25 = arith.andi %ne3A_21, %eq3A_24 : vector<32x640xi1>
    %jit3A_26 = arith.constant 1 : i32
    %broadcast_in_dim3A_27 = vector.broadcast %jit3A_26 : i32 to vector<32x640xi32>
    %select_n3A_28 = arith.select %and3A_25, %broadcast_in_dim3A_27, %sub3A_17 : vector<32x640xi1>, vector<32x640xi32>
    %swap3A = arith.constant 0 : index
    %swap3A_29 = arith.constant 0 : index
    %swap3A_30 = vector.load %arg2[%swap3A, %swap3A_29] : memref<32x640xi32, #tpu.memory_space<vmem>>, vector<32x640xi32>
    tpu.vector_store %arg2[%swap3A, %swap3A_29], %select_n3A_28 {strides = array<i32>} : memref<32x640xi32, #tpu.memory_space<vmem>>, vector<32x640xi32>,
    return
  }
}

</mosaic_0001>

<sc_bundles>
// kernel: kernel.4.cloned.1.call-start
scs
__scs_entry_jumppad:
0x0: {  	(pc) =	sbr.rel $0x88, $3  }
0x1: {  	(tag) =	ssettag $0x0;
	lr =	simm.s32 $0x1  }
0x2: {  	[smem:$0x3F9F] =	sst lr;
	_ =	strace $0xD0000000  }
0x3: {  	_ = 	snop  }
0x4: {  	_ = 	snop  }
0x5: {  	_ = 	snop  }
0x6: {  	_ = 	snop  }
0x7: {  	_ = 	snop  }
__scs_overlays_trampoline_lowered:
0x8: {  	[smem:$0x3FAE] =	sst s0  }
0x9: {  	[smem:$0x3FAF] =	sst s1  }
0xa: {  	[smem:$0x3FB0] =	sst s2  }
0xb: {  	[smem:$0x3FB1] =	sst s3  }
0xc: {  	[smem:$0x3FB2] =	sst s4  }
0xd: {  	[smem:$0x3FB3] =	sst s5  }
0xe: {  	[smem:$0x3FB4] =	sst s6  }
0xf: {  	[smem:$0x3FB5] =	sst s7  }
0x10: {  	[smem:$0x3FB6] =	sst s8  }
0x11: {  	[smem:$0x3FB7] =	sst s9;
	s0 =	simm.s32 @!p0 $0x0  }
0x12: {  	s1 =	sld [smem:$0x3F9D];
	s0 =	simm.s32 @p0 $0x1  }
0x13: {  	[smem:$0x3FB8] =	sst s0;
	s0 =	simm.s32 @!p1 $0x0  }
0x14: {  	s2 =	sld [smem:$0x3F9C];
	s0 =	simm.s32 @p1 $0x1  }
0x15: {  	[smem:$0x3FB9] =	sst s0;
	s0 =	simm.s32 @!p2 $0x0  }
0x16: {  	s3 =	sld [smem:$0x3FDB];
	s0 =	simm.s32 @p2 $0x1  }
0x17: {  	s4 =	simm.s32 $0x1BF5;
	[smem:$0x3FBB] =	sst s0  }
0x18: {  	s0 =	sld [smem:$0x3F9E];
	_ =	swait.ge [sflag:s4], $0x0  }
0x19: {  	s7 =	sld [smem:$0x3F9F]  }
0x1a: {  	s8 =	sadd.s32 $0xFFFFE003, lr  }
0x1b: {  	s9 =	sadd.s32 $0xFFFFFEF7, lr;
	s5 =	simm.s32 $0xFFFFFFFF;
	p2 =	slt.u32 s8, $0xFFFFF086  }
0x1c: {  	p1 =	slt.u32 s9, $0xF7A;
	s5 =	simm.s32 @!p2 $0x0  }
0x1d: {  	s5 =	simm.s32 @p1 $0x1;
	p0 =	seq.s32 s7, s2  }
0x1e: {  	s7 =	smul.u32 @!p0 $0xF7A, s2;
	p2 =	seq.s32 @!p0 s5, $0x0  }
0x1f: {  	s9 =	smul.u32 $0xF7A, s1;
	s8 =	simm.s32 @!p0 $0x1BF5;
	p2 =	por !p2, p0  }
0x20: {  	[sflag:s8] =	ssyncset.s32 @!p0 $0xFFFFF086;
	s6 =	sadd.s32 @!p0 s3, s7;
	s7 =	simm.s32 @!p0 $0x108  }
0x21: {  	s3 =	sadd.s32 s3, s9;
	s6 =	sadd.s32 @!p0 $0x88, s6;
	s7 =	simm.s32 @p2 $0x1082  }
0x22: {  	[simem:s7], [sflag:s8] =	dma.local @!p0 [hbm:s6], $0xF7A  }
0x23: {  	s9 =	sor.u32 $0xD0000000, s2;
	s6 =	simm.s32 $0x108;
	_ =	swait.ge @!p0 [sflag:s8], $0x0  }
0x24: {  	s3 =	sadd.s32 $0x88, s3;
	s6 =	simm.s32 @!p1 $0x1082;
	[sflag:s4] =	ssyncset.s32 $0xFFFFF086  }
0x25: {  	[simem:s6], [sflag:s4] =	dma.local [hbm:s3], $0xF7A  }
0x26: {  	[smem:$0x3F9F] =	sst s1;
	(tag) =	ssettag s2;
	_ =	strace s9  }
0x27: {  	s1 =	sld [smem:$0x3FAF]  }
0x28: {  	s2 =	sld [smem:$0x3FB0]  }
0x29: {  	s4 =	sld [smem:$0x3FB2]  }
0x2a: {  	p0 =	seq.s32 s5, $0x0;
	s5 =	sld [smem:$0x3FB3]  }
0x2b: {  	s6 =	sld [smem:$0x3FB4]  }
0x2c: {  	s7 =	sld [smem:$0x3FB5]  }
0x2d: {  	s3 =	simm.s32 $0x108;
	s8 =	sld [smem:$0x3FB6]  }
0x2e: {  	s3 =	simm.s32 @!p0 $0x1082;
	s9 =	sld [smem:$0x3FB7]  }
0x2f: {  	lr =	sadd.s32 s0, s3;
	s0 =	sld [smem:$0x3FAE]  }
0x30: {  	s3 =	sld [smem:$0x3FB1]  }
0x31: {  	[smem:$0x3FBA] =	sst s10  }
0x32: {  	s10 =	sld [smem:$0x3FB8];
	_ =	sdelay $0x3  }
0x33: {  	p0 =	seq.s32 s10, $0x1;
	s10 =	sld [smem:$0x3FBA];
	_ =	sdelay $0x3  }
0x34: {  	[smem:$0x3FBA] =	sst s10  }
0x35: {  	s10 =	sld [smem:$0x3FB9];
	_ =	sdelay $0x3  }
0x36: {  	p1 =	seq.s32 s10, $0x1;
	s10 =	sld [smem:$0x3FBA];
	_ =	sdelay $0x3  }
0x37: {  	[smem:$0x3FBA] =	sst s10  }
0x38: {  	s10 =	sld [smem:$0x3FBB]  }
0x39: {  	_ = 	snop;
	(pc) =	sbr.ind lr, $3  }
0x3a: {  	_ = 	snop  }
0x3b: {  	_ = 	snop  }
0x3c: {  	p2 =	seq.s32 s10, $0x1;
	s10 =	sld [smem:$0x3FBA]  }
0x3d: {  	_ =	shalt  }
0x3e: {  	_ =	shalt  }
0x3f: {  	_ =	shalt  }
0x40: {  	_ =	shalt  }
0x41: {  	_ =	shalt  }
0x42: {  	_ =	shalt  }
0x43: {  	_ =	shalt  }
0x44: {  	_ =	shalt  }
0x45: {  	_ =	shalt  }
0x46: {  	_ =	shalt  }
0x47: {  	_ =	shalt  }
0x48: {  	_ =	shalt  }
0x49: {  	_ =	shalt  }
0x4a: {  	_ =	shalt  }
0x4b: {  	_ =	shalt  }
0x4c: {  	_ =	shalt  }
0x4d: {  	_ =	shalt  }
0x4e: {  	_ =	shalt  }
0x4f: {  	_ =	shalt  }
0x50: {  	_ =	shalt  }
0x51: {  	_ =	shalt  }
0x52: {  	_ =	shalt  }
0x53: {  	_ =	shalt  }
0x54: {  	_ =	shalt  }
0x55: {  	_ =	shalt  }
0x56: {  	_ =	shalt  }
0x57: {  	_ =	shalt  }
0x58: {  	_ =	shalt  }
0x59: {  	_ =	shalt  }
0x5a: {  	_ =	shalt  }
0x5b: {  	_ =	shalt  }
0x5c: {  	_ =	shalt  }
0x5d: {  	_ =	shalt  }
0x5e: {  	_ =	shalt  }
0x5f: {  	_ =	shalt  }
0x60: {  	_ =	shalt  }
0x61: {  	_ =	shalt  }
0x62: {  	_ =	shalt  }
0x63: {  	_ =	shalt  }
0x64: {  	_ =	shalt  }
0x65: {  	_ =	shalt  }
0x66: {  	_ =	shalt  }
0x67: {  	_ =	shalt  }
0x68: {  	_ =	shalt  }
0x69: {  	_ =	shalt  }
0x6a: {  	_ =	shalt  }
0x6b: {  	_ =	shalt  }
0x6c: {  	_ =	shalt  }
0x6d: {  	_ =	shalt  }
0x6e: {  	_ =	shalt  }
0x6f: {  	_ =	shalt  }
0x70: {  	_ =	shalt  }
0x71: {  	_ =	shalt  }
0x72: {  	_ =	shalt  }
0x73: {  	_ =	shalt  }
0x74: {  	_ =	shalt  }
0x75: {  	_ =	shalt  }
0x76: {  	_ =	shalt  }
0x77: {  	_ =	shalt  }
0x78: {  	_ =	shalt  }
0x79: {  	_ =	shalt  }
0x7a: {  	_ =	shalt  }
0x7b: {  	_ =	shalt  }
0x7c: {  	_ =	shalt  }
0x7d: {  	_ =	shalt  }
0x7e: {  	_ =	shalt  }
0x7f: {  	_ =	shalt  }
0x80: {  	_ =	shalt  }
0x81: {  	_ =	shalt  }
0x82: {  	_ =	shalt  }
0x83: {  	_ =	shalt  }
0x84: {  	_ =	shalt  }
0x85: {  	_ =	shalt  }
0x86: {  	_ =	shalt  }
0x87: {  	_ =	shalt  }
.Lfunc_end0:
.L_simem_size_0:
called_computation_lowered:
.L_overlay_start_0:
0x88: {  	s2 =	sld [smem:$0x3FD9]  }
0x89: {  	s3 =	sld [smem:$0x3FFE];
	_ =	sdelay $0x1  }
0x8a: {  	s1 =	srdreg.scid  }
0x8b: {  	s0 =	sand.u32 $0x1, s1  }
0x8c: {  	s14 =	sshll.u32 s0, $0xA;
	s2 =	sadd.s32 s3, s2  }
0x8d: {  	s2 =	sadd.s32 s2, s14  }
0x8e: {  	[smem:$0x3FC6] =	sst s2  }
0x8f: {  	_ = 	snop  }
0x90: {  	s2 =	sld [smem:$0x3FD0];
	_ =	sdelay $0x2  }
0x91: {  	s4 =	simm.s32 $0xA;
	s5 =	simm.s32 $0x10;
	s15 =	sld [smem:$0x3FC8]  }
0x92: {  	[smem:s5], [sflag:s4] =	dma.local [hbm:s2], $0x1  }
0x93: {  	_ =	swait.eq [sflag:s4], $0x1  }
0x94: {  	[sflag:s4] =	ssyncset.done $0x0  }
0x95: {  	s16 =	sld [smem:$0x10];
	[sflag:s4] =	ssyncadd.s32 $0xFFFFFFFF  }
0x96: {  	s17 =	sld [smem:$0x11];
	(tm) =	ssettm $0x1  }
0x97: {  	s18 =	sld [smem:$0x3FFB];
	_ =	sdelay $0x3  }
0x98: {  	_ =	strace s18  }
0x99: {  	s5 =	sld [smem:$0x3FFC];
	_ =	sdelay $0x3  }
0x9a: {  	_ =	strace s5  }
0x9b: {  	s5 =	sld [smem:$0x3FFD];
	_ =	sdelay $0x3  }
0x9c: {  	_ =	strace s5  }
0x9d: {  	_ =	strace $0x8FFFFFFF  }
0x9e: {  	s19 =	sld [smem:$0x3FDB];
	_ =	sdelay $0x1  }
0x9f: {  	s6 =	simm.s32 $_scs_section_size  }
0xa0: {  	s7 =	simm.s32 $_size__tile_overlayer_lowered;
	s8 =	simm.s32 $_tile_overlayer_lowered  }
0xa1: {  	s22 =	simm.s32 $0x1BFF;
	s21 =	sshll.u32 s8, $0x1;
	s5 =	sadd.s32 s6, s19  }
0xa2: {  	s9 =	simm.s32 $0x0;
	s20 =	sshll.u32 s7, $0x1;
	s7 =	sadd.s32 s21, s5  }
0xa3: {  	[timem:s9], [sflag:s22] =	dma.local [hbm:s7], s20  }
0xa4: {  	_ =	swait.ge [sflag:s22], s20  }
0xa5: {  	s6 =	ssub.s32 $0x0, s20;
	[sflag:s22] =	ssyncset.done $0x0  }
0xa6: {  	[sflag:s22] =	ssyncadd.s32 s6;
	_ =	sdelay $0x1  }
0xa7: {  	s23 =	simm.s32 $0x1B8B  }
0xa8: {  	_ =	swait.ge [sflag:s23], $0x1  }
0xa9: {  	[sflag:s23] =	ssyncset.done $0x0  }
0xaa: {  	s25 =	simm.s32 $0x1B8E;
	s24 =	sld [smem:$0x3FFE];
	[sflag:s23] =	ssyncadd.s32 $0xFFFFFFFF  }
0xab: {  	s26 =	simm.s32 $execute0_lowered;
	[smem:$0x3FD2] =	sst s25  }
0xac: {  	s7 =	sshll.u32 s26, $0x1;
	_ =	strace $0x80000046;
	[dreg:$0x1] =	wrdreg $0xFFFFFFFF  }
0xad: {  	s28 =	simm.s32 $_size_execute0_lowered;
	s5 =	sadd.s32 s5, s7;
	[dreg:$0x0] =	wrdreg $0x0  }
0xae: {  	s7 =	sshll.u32 s28, $0x1;
	[dreg:$0x2] =	wrdreg s5  }
0xaf: {  	[dreg:$0x3] =	wrdreg s7  }
0xb0: {  	[dreg:$0x4] =	wrdreg $0xC0  }
0xb1: {  	_ =	task [dreg:s9], $0x5FFFF  }
0xb2: {  	[dreg:$0x1] =	wrdreg $0xFFFFFFFF  }
0xb3: {  	[dreg:$0x0] =	wrdreg $0x60  }
0xb4: {  	[dreg:$0x2] =	wrdreg s24  }
0xb5: {  	[dreg:$0x3] =	wrdreg s17  }
0xb6: {  	[dreg:$0x4] =	wrdreg s15  }
0xb7: {  	[dreg:$0x5] =	wrdreg s16  }
0xb8: {  	[dreg:$0x6] =	wrdreg $0x9  }
0xb9: {  	_ =	task.clear_ibuf [dreg:s9], $0x7FFFF;
	_ =	strace $0x90000046  }
0xba: {  	s29 =	simm.s32 $0x9;
	_ =	strace $0x80000048  }
0xbb: {  	_ =	swait.ge [sflag:s29], $0x1  }
0xbc: {  	[sflag:s29] =	ssyncadd.s32 $0xFFFFFFFF  }
0xbd: {  	_ =	strace $0x90000048  }
0xbe: {  	_ =	sfence  }
0xbf: {  	s30 =	sld [smem:$0x0];
	_ =	sdelay $0x2  }
0xc0: {  	s31 =	sshll.u32 s1, $0xD;
	s1 =	sshrl.u32 s1, $0x2  }
0xc1: {  	s3 =	sand.u32 $0x4000, s31;
	s1 =	sadd.s32 s1, s30  }
0xc2: {  	s0 =	sor.u32 s3, s0;
	s1 =	sshll.u32 s1, $0x11  }
0xc3: {  	s0 =	sor.u32 s1, s0  }
0xc4: {  	s0 =	sadd.s32 $0x8F2B, s0  }
0xc5: {  	[sflag:s0] =	ssyncadd.remote.s32 $0x1  }
0xc6: {  	_ =	sfence.sel $0xFFFF  }
0xc7: {  	[dreg:$0x0] =	wrdreg $0xFFFFFFFF;
	(pc) =	sbr.abs _section_cstart, $3  }
0xc8: {  	[dreg:$0x1] =	wrdreg $0xFFFFFFFF  }
0xc9: {  	_ =	task.clear_ibuf [dreg:s9], $0x2FFFF;
	_ =	strace $0x9FFFFFFF  }
0xca: {  	(tm) =	ssettm $0x7FFFFFFF  }
0xcb: {  	_ =	shalt  }
tec
execute0_lowered:
.L_overlay_start_1:
0x0: {  	(tag) =	ssettag $0x1  }
0x1: {  	s5 =	rddreg [dreg:$0x0]  }
0x2: {  	s0 =	rddreg [dreg:$0x1];
	v0 =	vimm.s32 $0xFEDCBA9;
	v1 =	vimm.s32 $0x87654321  }
0x3: {  	s1 =	rddreg [dreg:$0x2];
	s2 =	srdreg.scid;
	v2 =	vimm.s32 $0x10FEDCBA;
	v3 =	vimm.s32 $0x98765432;
	v4 =	vimm.s32 $0x3210FEDC  }
0x4: {  	s7 =	rddreg [dreg:$0x3];
	s3 =	stileid.u32;
	v5 =	vimm.s32 $0xBA987654;
	v6 =	vimm.s32 $0xFEDCBA98;
	v7 =	vimm.s32 $0x76543210  }
0x5: {  	s4 =	simm.s32 $0x0;
	s12 =	simm.s32 $0x2;
	s13 =	simm.s32 $0x3;
	v0 =	vunpack.c.l.s4.s8 v0;
	v1 =	vunpack.c.l.s4.s8 v1;
	v2 =	vunpack.c.l.s4.s8 v2  }
0x6: {  	s14 =	simm.s32 $0x1;
	s15 =	simm.s32 $0x6300;
	s16 =	simm.s32 $0x5680;
	v3 =	vunpack.c.l.s4.s8 v3;
	v4 =	vunpack.c.l.s4.s8 v4;
	v5 =	vunpack.c.l.s4.s8 v5  }
0x7: {  	s17 =	simm.s32 $0x5900;
	s6 =	sand.u32 $0x1, s2;
	s2 =	rddreg [dreg:$0x4];
	v6 =	vunpack.c.l.s4.s8 v6;
	v0 =	vunpack.c.0.s8.s32 v0;
	v1 =	vunpack.c.0.s8.s32 v1  }
0x8: {  	s18 =	simm.s32 $0x0;
	s9 =	sshll.u32 s3, $0x4;
	[smem:$0x7FF] =	sst s4;
	v7 =	vunpack.c.l.s4.s8 v7;
	v2 =	vunpack.c.0.s8.s32 v2;
	v3 =	vunpack.c.0.s8.s32 v3  }
0x9: {  	s8 =	sshll.u32 s6, $0x4;
	s9 =	sand.u32 $0x70, s9;
	_ =	strace $0x80000047;
	v4 =	vunpack.c.0.s8.s32 v4;
	v5 =	vunpack.c.0.s8.s32 v5;
	v0 =	vcombine.low v1, v0  }
0xa: {  	s28 =	ssub.s32 $0x2, s6;
	s8 =	sor.u32 s3, s8;
	s9 =	sadd.s32 s9, s5;
	v60 =	vunpack.c.0.s8.s32 v6;
	v59 =	vcombine.low v3, v2  }
0xb: {  	s30 =	sshrl.u32 s28, $0x1;
	s10 =	smul.u32 $0x140, s8;
	s11 =	sshll.u32 s8, $0x4;
	v3 =	vcombine.low v5, v4;
	v4 =	vunpack.c.0.s8.s32 v7;
	v0 =	vand.u32 $0xF, v0  }
0xc: {  	s8 =	smul.u32 $0x50, s8;
	s31 =	ssub.s32 s28, s30;
	s29 =	sand.u32 $0x180, s11;
	v62 =	vand.u32 $0xF, v60;
	v61 =	vand.u32 $0xF, v59;
	[tilespmem:$0x1FFC0] =	vst v0  }
0xd: {  	s11 =	simm.s32 $0x2A00;
	s10 =	sadd.s32 s10, s5;
	s6 =	sadd.s32 s29, s9;
	v63 =	vand.u32 $0xF, v3;
	[tilespmem:$0x1FFD0] =	vst v61;
	v0 =	vcombine.low v62, v4  }
0xe: {  	s7 =	sadd.s32 s7, s8;
	s9 =	smax.u32 s31, $0x1;
	s5 =	sadd.s32 $0xA00, s10;
	[tilespmem:$0x1FFE0] =	vst v63  }
0xf: {  	s6 =	sadd.s32 $0x3200, s6;
	s8 =	sadd.s32 $0x3400, s10;
	s10 =	simm.s32 $0xA00;
	v4 =	vimm.s32 $0x0;
	[tilespmem:$0x1FFF0] =	vst v0  }
.LBB2_1:
0x10: {  	[tilespmem:s4], [sflag:$0x1] =	stream.linear.gather [hbm4b:s5+s4], $0xA00, $0x38;
	[tilespmem:$0x6380] =	vst v63  }
0x11: {  	_ = 	snop  }
0x12: {  	[tilespmem:s10], [sflag:$0x2] =	stream.linear.gather [hbm4b:s0+s4], $0x2000, $0x38;
	[tilespmem:$0x6380] =	vst v63  }
0x13: {  	_ = 	snop  }
0x14: {  	[tilespmem:s11], [sflag:$0x3] =	stream.linear.gather [hbm4b:s1+s4], $0x200, $0x38;
	[tilespmem:$0x6380] =	vst v63  }
0x15: {  	_ =	swait.ge [sflag:s12], $0x2000  }
0x16: {  	[sflag:s12] =	ssyncset.done $0x0  }
0x17: {  	[sflag:s12] =	ssyncadd.s32 $0xFFFFE000  }
0x18: {  	_ =	swait.ge [sflag:s13], $0x200  }
0x19: {  	[sflag:s13] =	ssyncset.done $0x0  }
0x1a: {  	[sflag:s13] =	ssyncadd.s32 $0xFFFFFE00  }
0x1b: {  	v38 =	vld [tilespmem:$0xA00]  }
0x1c: {  	v48 =	vld [tilespmem:$0x1200]  }
0x1d: {  	v11 =	vld [tilespmem:$0x1A00]  }
0x1e: {  	v50 =	vld [tilespmem:$0x2200]  }
0x1f: {  	v14 =	vld [tilespmem:$0xA80]  }
0x20: {  	v15 =	vld [tilespmem:$0x1280]  }
0x21: {  	v16 =	vld [tilespmem:$0x1A80]  }
0x22: {  	v17 =	vld [tilespmem:$0x2280]  }
0x23: {  	v18 =	vld [tilespmem:$0xB00]  }
0x24: {  	v19 =	vld [tilespmem:$0x1300]  }
0x25: {  	v20 =	vld [tilespmem:$0x1B00]  }
0x26: {  	v21 =	vld [tilespmem:$0x2300]  }
0x27: {  	v22 =	vld [tilespmem:$0xB80]  }
0x28: {  	v39 =	vld [tilespmem:$0x1380]  }
0x29: {  	v24 =	vld [tilespmem:$0x1B80]  }
0x2a: {  	v23 =	vld [tilespmem:$0x2380]  }
0x2b: {  	v35 =	vld [tilespmem:$0xC00]  }
0x2c: {  	v25 =	vld [tilespmem:$0x1400]  }
0x2d: {  	v26 =	vld [tilespmem:$0x1C00]  }
0x2e: {  	v27 =	vld [tilespmem:$0x2400]  }
0x2f: {  	v29 =	vld [tilespmem:$0xC80]  }
0x30: {  	v28 =	vld [tilespmem:$0x1480]  }
0x31: {  	v40 =	vld [tilespmem:$0x1C80]  }
0x32: {  	v31 =	vld [tilespmem:$0x2480]  }
0x33: {  	v33 =	vld [tilespmem:$0xD00]  }
0x34: {  	v49 =	vld [tilespmem:$0x1500]  }
0x35: {  	v10 =	vld [tilespmem:$0x1D00]  }
0x36: {  	v41 =	vld [tilespmem:$0x2500]  }
0x37: {  	v37 =	vld [tilespmem:$0xD80]  }
0x38: {  	v9 =	vld [tilespmem:$0x1580]  }
0x39: {  	v32 =	vld [tilespmem:$0x1D80]  }
0x3a: {  	s20 =	simm.s32 $0x0;
	v52 =	vld [tilespmem:$0x2580];
	_ =	swait.ge [sflag:s14], $0xA00  }
0x3b: {  	s19 =	sand.u32 $0x70, s4;
	s20 =	sand.u32 $0x3FFFFE00, s20;
	[sflag:s14] =	ssyncset.done $0x0;
	v0 =	vsub.f32 v11, v38;
	v1 =	vsub.f32 v50, v48  }
0x3c: {  	s20 =	sor.u32 s19, s20;
	[sflag:s14] =	ssyncadd.s32 $0xFFFFF600;
	v2 =	vsub.f32 v16, v14;
	v3 =	vsub.f32 v17, v15  }
0x3d: {  	v36 =	vld [tilespmem:s20+$0x100];
	v5 =	vsub.f32 v20, v18;
	v6 =	vsub.f32 v21, v19;
	[tilespmem:$0x1FF50] =	vst v25  }
0x3e: {  	v7 =	vsub.f32 v24, v22;
	v8 =	vsub.f32 v23, v39;
	[tilespmem:$0x1FF60] =	vst v28  }
0x3f: {  	v12 =	vld [tilespmem:s20+$0x80];
	[tilespmem:$0x1FF70] =	vst v17;
	v0 =	vmul.f32 v1, v0;
	v1 =	vsub.f32 v27, v25;
	v2 =	vmul.f32 v3, v2  }
0x40: {  	v30 =	vld [tilespmem:s20+$0x180];
	[tilespmem:$0x1FF80] =	vst v23;
	v3 =	vsub.f32 v31, v28;
	v13 =	vmul.f32 v6, v5;
	v5 =	vsub.f32 v10, v33  }
0x41: {  	v6 =	vsub.f32 v41, v49;
	[tilespmem:$0x1FEE0] =	vst v0;
	v0 =	vsub.f32 v26, v35  }
0x42: {  	[tilespmem:$0x1FF90] =	vst v27;
	v7 =	vmul.f32 v8, v7;
	v8 =	vsub.f32 v52, v9;
	v42 =	vmin.f32 v36, v32  }
0x43: {  	v44 =	vmin.f32 v36, v11;
	[tilespmem:$0x1FEF0] =	vst v2;
	v2 =	vsub.f32 v40, v29;
	v0 =	vmul.f32 v1, v0  }
0x44: {  	v53 =	vmin.f32 v36, v20;
	v55 =	vmax.f32 v12, v19;
	[tilespmem:$0x1FF00] =	vst v7;
	v1 =	vmul.f32 v6, v5  }
0x45: {  	v59 =	vmin.f32 v30, v21;
	v7 =	vsub.f32 v32, v37;
	[tilespmem:$0x1FF10] =	vst v0;
	v0 =	vmul.f32 v3, v2  }
0x46: {  	v57 =	vmin.f32 v36, v16;
	v63 =	vmin.f32 v30, v52;
	v55 =	vsub.f32 v59, v55;
	[tilespmem:$0x1FF30] =	vst v1  }
0x47: {  	v6 =	vmin.f32 v30, v23;
	v1 =	vmul.f32 v8, v7;
	v2 =	vmax.f32 v12, v28;
	[tilespmem:$0x1FF20] =	vst v0;
	v0 =	vld [tilespmem:s20+$0x0]  }
0x48: {  	[tilespmem:$0x1FFA0] =	vst v26;
	v7 =	vmin.f32 v30, v17;
	v3 =	vmin.f32 v30, v27;
	v17 =	vmin.f32 v36, v26  }
0x49: {  	[tilespmem:$0x1FFB0] =	vst v31;
	v5 =	vimm.f32 $0.0e+00;
	v8 =	vmin.f32 v30, v31;
	v31 =	vmovc v19;
	v27 =	vmovc v16;
	v16 =	vmin.f32 v30, v41  }
0x4a: {  	v19 =	vsub.f32 v30, v12;
	v30 =	vmin.f32 v30, v50;
	[tilespmem:$0x1FF40] =	vst v1;
	v1 =	vmax.f32 v12, v25  }
0x4b: {  	v45 =	vmovc v32;
	v8 =	vsub.f32 v8, v2;
	v2 =	vmax.f32 v12, v49;
	v1 =	vsub.f32 v3, v1  }
0x4c: {  	v34 =	vmovc v22;
	v46 =	vmax.f32 v0, v22;
	v54 =	vmax.f32 v0, v29;
	v56 =	vmax.f32 v0, v37  }
0x4d: {  	v47 =	vmovc v29;
	v58 =	vmax.f32 v0, v33;
	v60 =	vmax.f32 v0, v14;
	v3 =	vsub.f32 v36, v0  }
0x4e: {  	v51 =	vmovc v33;
	v61 =	vmax.f32 v0, v38;
	v59 =	vsub.f32 v42, v56;
	v42 =	vmax.f32 v12, v15  }
0x4f: {  	v43 =	vmovc v52;
	v62 =	vsub.f32 v44, v61;
	v61 =	vmin.f32 v36, v24;
	v44 =	vmax.f32 v12, v48  }
0x50: {  	v52 =	vmovc v49;
	v32 =	vmovc v20;
	v57 =	vsub.f32 v57, v60;
	v60 =	vmax.f32 v0, v18;
	v56 =	vmax.f32 v55, $0.0e+00  }
0x51: {  	v23 =	vmovc v11;
	v0 =	vmax.f32 v0, v35;
	v61 =	vsub.f32 v61, v46;
	v46 =	vsub.f32 v16, v2  }
0x52: {  	v28 =	vmovc v37;
	v2 =	vmin.f32 v36, v40;
	v36 =	vmin.f32 v36, v10;
	v55 =	vmul.f32 v19, v3  }
0x53: {  	v26 =	vmovc v15;
	v49 =	vmovc v40;
	v3 =	vmax.f32 v1, $0.0e+00;
	v54 =	vsub.f32 v2, v54;
	v2 =	vmax.f32 v12, v9  }
0x54: {  	v25 =	vmovc v14;
	v36 =	vsub.f32 v36, v58;
	v12 =	vmax.f32 v12, v39;
	v2 =	vsub.f32 v63, v2  }
0x55: {  	v33 =	vmovc v21;
	v21 =	vmovc v38;
	v63 =	vmax.f32 v8, $0.0e+00;
	v8 =	vsub.f32 v6, v12;
	v12 =	vsub.f32 v17, v0  }
0x56: {  	v40 =	vmovc v35;
	v35 =	vmovc v39;
	v39 =	vimm.f32 $0.0e+00;
	v6 =	vsub.f32 v30, v44;
	v58 =	vadd.f32 v55, v13  }
0x57: {  	v37 =	vmovc v24;
	v22 =	vmovc v48;
	v30 =	vmax.f32 v46, $0.0e+00;
	v0 =	vsub.f32 v7, v42;
	v42 =	vimm.f32 $0.0e+00  }
0x58: {  	v38 =	vmovc v9;
	v29 =	vmovc v18;
	v46 =	vimm.f32 $0.0e+00;
	v44 =	vimm.f32 $0.0e+00;
	v36 =	vmax.f32 v36, $0.0e+00  }
0x59: {  	s22 =	simm.s32 $0x2C00;
	s23 =	simm.s32 $0x1;
	v48 =	vmovc v41;
	v41 =	vmovc v10;
	v1 =	vmax.f32 v54, $0.0e+00;
	v7 =	vmax.f32 v12, $0.0e+00;
	v54 =	vmul.f32 v30, v36  }
0x5a: {  	s24 =	simm.s32 $0x0;
	s21 =	simm.s32 $0x0;
	s20 =	simm.s32 $0x2C00;
	v24 =	vmovc v50;
	v50 =	vmovc v13;
	v36 =	vimm.f32 $0.0e+00;
	v30 =	vimm.f32 $0.0e+00;
	v12 =	vimm.f32 $0.0e+00  }
.LBB2_2:
0x5b: {  	v3 =	vmul.f32 v3, v7;
	v7 =	vld [tilespmem:$0x1FF40]  }
0x5c: {  	v13 =	vld [tilespmem:$0x1FF30];
	_ =	sdelay $0x3  }
0x5d: {  	v59 =	vmax.f32 v59, $0.0e+00;
	v2 =	vmax.f32 v2, $0.0e+00  }
0x5e: {  	v2 =	vmul.f32 v2, v59;
	v7 =	vadd.f32 v55, v7;
	v17 =	vadd.f32 v55, v13;
	v13 =	vld [tilespmem:$0x1FEE0]  }
0x5f: {  	v9 =	vld [tilespmem:$0x1FF10]  }
0x60: {  	v7 =	vsub.f32 v7, v2  }
0x61: {  	v10 =	vld [tilespmem:$0x1FF20];
	v62 =	vmax.f32 v62, $0.0e+00;
	v61 =	vmax.f32 v61, $0.0e+00;
	v6 =	vmax.f32 v6, $0.0e+00  }
0x62: {  	v11 =	vld [tilespmem:$0x1FF00];
	v0 =	vmax.f32 v0, $0.0e+00;
	(erf) = vrcp.f32 v7;
	v7 =	vmax.f32 v57, $0.0e+00  }
0x63: {  	v6 =	vmul.f32 v6, v62;
	v18 =	vadd.f32 v55, v13;
	v0 =	vmul.f32 v0, v7;
	v7 =	vld [tilespmem:$0x1FEF0]  }
0x64: {  	v53 =	vsub.f32 v53, v60;
	v8 =	vmax.f32 v8, $0.0e+00;
	v9 =	vadd.f32 v55, v9  }
0x65: {  	v1 =	vmul.f32 v63, v1;
	v8 =	vmul.f32 v8, v61;
	v59 =	vsub.f32 v18, v6  }
0x66: {  	v53 =	vmax.f32 v53, $0.0e+00;
	v10 =	vadd.f32 v55, v10;
	v9 =	vsub.f32 v9, v3  }
0x67: {  	v11 =	vadd.f32 v55, v11;
	v19 =	vsub.f32 v17, v54;
	(erf) = vrcp.f32 v59  }
0x68: {  	v10 =	vsub.f32 v10, v1;
	v7 =	vadd.f32 v55, v7;
	(erf) = vrcp.f32 v9  }
0x69: {  	v11 =	vsub.f32 v11, v8;
	v9 =	vmul.f32 v56, v53;
	(erf) = vrcp.f32 v19  }
0x6a: {  	v7 =	vsub.f32 v7, v0;
	(erf) = vrcp.f32 v10  }
0x6b: {  	v10 =	vsub.f32 v58, v9;
	(erf) = vrcp.f32 v11  }
0x6c: {  	(erf) = vrcp.f32 v7  }
0x6d: {  	(erf) = vrcp.f32 v10;
	_ =	sdelay $0x1  }
0x6e: {  	s26 =	sshll.u32 s21, $0x7;
	v7 =	vpop (erf)  }
0x6f: {  	s25 =	smov.u32 s23;
	s30 =	sand.u32 $0x3FFFFC00, s26;
	v10 =	vmul.f32 v7, v2;
	v7 =	vpop (erf)  }
0x70: {  	[tilespmem:s20+$0x0] =	vst v55;
	s21 =	smov.u32 s25;
	s25 =	sor.u32 s19, s30;
	v11 =	vmul.f32 v7, v6;
	v7 =	vpop (erf)  }
0x71: {  	[tilespmem:s25+$0x3200] =	vst v10;
	v7 =	vmul.f32 v7, v3;
	v2 =	vpop (erf)  }
0x72: {  	v5 =	vmax.f32 v5, v10;
	[tilespmem:s25+$0x2E80] =	vst v11;
	v10 =	vmul.f32 v2, v54;
	v6 =	vpop (erf)  }
0x73: {  	[tilespmem:s25+$0x3080] =	vst v7;
	v6 =	vmul.f32 v6, v1;
	v3 =	vpop (erf)  }
0x74: {  	v42 =	vmax.f32 v42, v11;
	v11 =	vld [tilespmem:$0x1FFA0];
	v3 =	vmul.f32 v3, v8;
	[tilespmem:s25+$0x3180] =	vst v10;
	v2 =	vpop (erf)  }
0x75: {  	v46 =	vmax.f32 v46, v7;
	v7 =	vld [tilespmem:$0x1FF60];
	v0 =	vmul.f32 v2, v0;
	[tilespmem:s25+$0x3100] =	vst v6;
	v1 =	vpop (erf)  }
0x76: {  	s24 =	sadd.s32 $0x10, s24;
	s31 =	sshll.u32 s21, $0x6;
	v8 =	vld [tilespmem:$0x1FF70];
	v1 =	vmul.f32 v1, v9;
	[tilespmem:s25+$0x3000] =	vst v3  }
0x77: {  	s19 =	sand.u32 $0x70, s24;
	s26 =	sand.u32 $0x3FFFFE00, s31;
	v44 =	vmax.f32 v44, v10;
	v10 =	vld [tilespmem:$0x1FF90];
	[tilespmem:s25+$0x2F00] =	vst v0  }
0x78: {  	s26 =	sor.u32 s19, s26;
	v39 =	vmax.f32 v39, v6;
	v6 =	vld [tilespmem:$0x1FF50];
	[tilespmem:s25+$0x2F80] =	vst v1  }
0x79: {  	v30 =	vmax.f32 v30, v0;
	v0 =	vld [tilespmem:s26+$0x80]  }
0x7a: {  	v12 =	vmax.f32 v12, v1;
	v1 =	vld [tilespmem:s26+$0x180]  }
0x7b: {  	v2 =	vld [tilespmem:s26+$0x100]  }
0x7c: {  	v13 =	vld [tilespmem:$0x1FFB0]  }
0x7d: {  	v36 =	vmax.f32 v36, v3;
	v3 =	vld [tilespmem:s26+$0x0];
	_ =	sdelay $0x1  }
0x7e: {  	v6 =	vmax.f32 v0, v6;
	v7 =	vmax.f32 v0, v7  }
0x7f: {  	v9 =	vmin.f32 v1, v8;
	v10 =	vmin.f32 v1, v10;
	v11 =	vmin.f32 v2, v11  }
0x80: {  	v54 =	vmin.f32 v1, v13;
	v55 =	vmin.f32 v2, v45;
	v56 =	vmin.f32 v2, v23  }
0x81: {  	v57 =	vmax.f32 v3, v34;
	v58 =	vmax.f32 v3, v47;
	v53 =	vmin.f32 v2, v32  }
0x82: {  	v59 =	vmax.f32 v0, v31;
	v60 =	vmax.f32 v3, v28;
	v63 =	vmin.f32 v2, v27  }
0x83: {  	v13 =	vmax.f32 v3, v51;
	v14 =	vmin.f32 v1, v43;
	v15 =	vmax.f32 v3, v25  }
0x84: {  	v61 =	vmin.f32 v1, v33;
	v62 =	vmax.f32 v3, v21;
	v16 =	vmax.f32 v0, v26  }
0x85: {  	v18 =	vmax.f32 v0, v22;
	v19 =	vmin.f32 v1, v24;
	v6 =	vsub.f32 v10, v6  }
0x86: {  	v20 =	vmax.f32 v3, v40;
	v10 =	vsub.f32 v2, v3;
	v17 =	vsub.f32 v61, v59  }
0x87: {  	v61 =	vmin.f32 v2, v37;
	v59 =	vsub.f32 v55, v60;
	v62 =	vsub.f32 v56, v62  }
0x88: {  	v8 =	vld [tilespmem:$0x1FF80];
	v60 =	vmax.f32 v3, v29;
	v7 =	vsub.f32 v54, v7;
	v54 =	vmax.f32 v0, v52  }
0x89: {  	v55 =	vmin.f32 v1, v48;
	v61 =	vsub.f32 v61, v57;
	v57 =	vsub.f32 v63, v15  }
0x8a: {  	v15 =	vmax.f32 v0, v38;
	v54 =	vsub.f32 v55, v54;
	v56 =	vmax.f32 v17, $0.0e+00  }
0x8b: {  	v17 =	vmin.f32 v2, v49;
	v2 =	vmin.f32 v2, v41;
	v63 =	vmax.f32 v7, $0.0e+00  }
0x8c: {  	p0 =	sne.s32 s23, $0x27;
	v3 =	vmax.f32 v6, $0.0e+00;
	v6 =	vsub.f32 v19, v18;
	v17 =	vsub.f32 v17, v58  }
.Ltmp0:
0x8d: {  	v7 =	vsub.f32 v2, v13;
	v8 =	vmin.f32 v1, v8;
	v1 =	vsub.f32 v1, v0;
	(pc) =	sbr.rel @p0 .LBB2_2-.Ltmp0, $4  }
0x8e: {  	v2 =	vsub.f32 v14, v15;
	v13 =	vmax.f32 v54, $0.0e+00;
	v0 =	vmax.f32 v0, v35  }
0x8f: {  	v8 =	vsub.f32 v8, v0;
	v55 =	vmul.f32 v1, v10;
	v10 =	vsub.f32 v11, v20  }
0x90: {  	s22 =	sadd.s32 $0x10, s22;
	v0 =	vsub.f32 v9, v16;
	v1 =	vmax.f32 v17, $0.0e+00;
	v11 =	vmax.f32 v7, $0.0e+00  }
0x91: {  	s23 =	sadd.s32 $0x1, s23;
	s20 =	smov.u32 s22;
	v54 =	vmul.f32 v13, v11;
	v58 =	vadd.f32 v55, v50;
	v7 =	vmax.f32 v10, $0.0e+00  }
0x92: {  	v3 =	vmul.f32 v3, v7;
	v7 =	vld [tilespmem:$0x1FF40];
	_ =	sdelay $0x2  }
0x93: {  	v11 =	vmax.f32 v62, $0.0e+00  }
0x94: {  	v14 =	vmax.f32 v59, $0.0e+00;
	v2 =	vmax.f32 v2, $0.0e+00;
	v6 =	vmax.f32 v6, $0.0e+00  }
0x95: {  	v2 =	vmul.f32 v2, v14;
	v6 =	vmul.f32 v6, v11;
	v11 =	vld [tilespmem:$0x1FEE0];
	v7 =	vadd.f32 v55, v7  }
0x96: {  	v8 =	vmax.f32 v8, $0.0e+00;
	v9 =	vld [tilespmem:$0x1FF10];
	v15 =	vmax.f32 v61, $0.0e+00  }
0x97: {  	v8 =	vmul.f32 v8, v15;
	v15 =	vld [tilespmem:$0x1FF30];
	v7 =	vsub.f32 v7, v2  }
0x98: {  	v10 =	vld [tilespmem:$0x1FF20]  }
0x99: {  	v13 =	vld [tilespmem:$0x1FF00];
	v0 =	vmax.f32 v0, $0.0e+00;
	(erf) = vrcp.f32 v7;
	v7 =	vmax.f32 v57, $0.0e+00  }
0x9a: {  	v11 =	vadd.f32 v55, v11;
	v0 =	vmul.f32 v0, v7;
	v7 =	vld [tilespmem:$0x1FEF0]  }
0x9b: {  	v14 =	vsub.f32 v53, v60;
	v9 =	vadd.f32 v55, v9  }
0x9c: {  	v1 =	vmul.f32 v63, v1;
	v15 =	vadd.f32 v55, v15;
	v11 =	vsub.f32 v11, v6  }
0x9d: {  	v14 =	vmax.f32 v14, $0.0e+00;
	v10 =	vadd.f32 v55, v10;
	v9 =	vsub.f32 v9, v3  }
0x9e: {  	v13 =	vadd.f32 v55, v13;
	v15 =	vsub.f32 v15, v54;
	(erf) = vrcp.f32 v11  }
0x9f: {  	v10 =	vsub.f32 v10, v1;
	(erf) = vrcp.f32 v9;
	v7 =	vadd.f32 v55, v7  }
0xa0: {  	v11 =	vmul.f32 v56, v14;
	v9 =	vsub.f32 v13, v8;
	(erf) = vrcp.f32 v15  }
0xa1: {  	(erf) = vrcp.f32 v10;
	v7 =	vsub.f32 v7, v0  }
0xa2: {  	v10 =	vsub.f32 v58, v11;
	(erf) = vrcp.f32 v9  }
0xa3: {  	(erf) = vrcp.f32 v7  }
0xa4: {  	(erf) = vrcp.f32 v10;
	_ =	sdelay $0x1  }
0xa5: {  	s21 =	sshll.u32 s21, $0x7;
	v7 =	vpop (erf)  }
0xa6: {  	s21 =	sand.u32 $0x3FFFFC00, s21;
	v2 =	vmul.f32 v7, v2;
	v7 =	vpop (erf)  }
0xa7: {  	[tilespmem:s20+$0x0] =	vst v55;
	s19 =	sor.u32 s19, s21;
	v6 =	vmul.f32 v7, v6;
	v7 =	vpop (erf)  }
0xa8: {  	v3 =	vmul.f32 v7, v3;
	[tilespmem:s19+$0x3200] =	vst v2;
	v7 =	vpop (erf)  }
0xa9: {  	[tilespmem:s19+$0x2E80] =	vst v6;
	v7 =	vmul.f32 v7, v54;
	v9 =	vpop (erf)  }
0xaa: {  	[tilespmem:s19+$0x3080] =	vst v3;
	v1 =	vmul.f32 v9, v1;
	v9 =	vpop (erf)  }
0xab: {  	v8 =	vmul.f32 v9, v8;
	[tilespmem:s19+$0x3180] =	vst v7;
	v9 =	vpop (erf)  }
0xac: {  	[tilespmem:s19+$0x3100] =	vst v1;
	v0 =	vmul.f32 v9, v0;
	v9 =	vpop (erf)  }
0xad: {  	[tilespmem:s19+$0x3000] =	vst v8;
	v9 =	vmul.f32 v9, v11  }
0xae: {  	[tilespmem:s19+$0x2F00] =	vst v0  }
0xaf: {  	[tilespmem:s19+$0x2F80] =	vst v9  }
0xb0: {  	v18 =	vld [tilespmem:$0xE00]  }
0xb1: {  	v13 =	vld [tilespmem:$0x1600]  }
0xb2: {  	v22 =	vld [tilespmem:$0x1E00]  }
0xb3: {  	v16 =	vld [tilespmem:$0x2600]  }
0xb4: {  	v19 =	vld [tilespmem:$0xE80]  }
0xb5: {  	v23 =	vld [tilespmem:$0x1680]  }
0xb6: {  	v15 =	vld [tilespmem:$0x1E80]  }
0xb7: {  	v24 =	vld [tilespmem:$0x2680]  }
0xb8: {  	v59 =	vld [tilespmem:$0xF00]  }
0xb9: {  	v17 =	vld [tilespmem:$0x1700]  }
0xba: {  	v26 =	vld [tilespmem:$0x1F00]  }
0xbb: {  	v20 =	vld [tilespmem:$0x2700]  }
0xbc: {  	v27 =	vld [tilespmem:$0xF80]  }
0xbd: {  	v21 =	vld [tilespmem:$0x1780]  }
0xbe: {  	v28 =	vld [tilespmem:$0x1F80]  }
0xbf: {  	v29 =	vld [tilespmem:$0x2780]  }
0xc0: {  	v31 =	vld [tilespmem:$0x1000]  }
0xc1: {  	v38 =	vld [tilespmem:$0x1800]  }
0xc2: {  	v41 =	vld [tilespmem:$0x2000]  }
0xc3: {  	v32 =	vld [tilespmem:$0x2800]  }
0xc4: {  	v49 =	vld [tilespmem:$0x1080]  }
0xc5: {  	v33 =	vld [tilespmem:$0x1880]  }
0xc6: {  	v50 =	vld [tilespmem:$0x2080]  }
0xc7: {  	v34 =	vld [tilespmem:$0x2880]  }
0xc8: {  	v48 =	vld [tilespmem:$0x1100]  }
0xc9: {  	s31 =	simm.s32 $0x0;
	s21 =	simm.s32 $0x0;
	v2 =	vmax.f32 v5, v2;
	v52 =	vld [tilespmem:$0x1900]  }
0xca: {  	s20 =	sand.u32 $0x3FFFFE00, s31;
	[tilespmem:$0x1FD70] =	vst v2;
	v2 =	vmax.f32 v42, v6;
	s19 =	sand.u32 $0x70, s21;
	v35 =	vld [tilespmem:$0x2100]  }
0xcb: {  	[tilespmem:$0x1FD80] =	vst v2;
	v2 =	vmax.f32 v46, v3;
	v47 =	vld [tilespmem:$0x2180];
	s20 =	sor.u32 s19, s20  }
0xcc: {  	[tilespmem:$0x1FD90] =	vst v2;
	v2 =	vmax.f32 v44, v7;
	v10 =	vld [tilespmem:s20+$0x100]  }
0xcd: {  	[tilespmem:$0x1FDA0] =	vst v2;
	v1 =	vmax.f32 v39, v1;
	v55 =	vld [tilespmem:$0x2900];
	v2 =	vsub.f32 v22, v18  }
0xce: {  	[tilespmem:$0x1FDB0] =	vst v1;
	v6 =	vmax.f32 v36, v8;
	v43 =	vld [tilespmem:$0x1980];
	v3 =	vsub.f32 v16, v13;
	v1 =	vsub.f32 v15, v19  }
0xcf: {  	[tilespmem:$0x1FDC0] =	vst v6;
	v0 =	vmax.f32 v30, v0;
	v54 =	vld [tilespmem:$0x2980];
	v5 =	vsub.f32 v24, v23;
	v6 =	vsub.f32 v26, v59  }
0xd0: {  	[tilespmem:$0x1FDD0] =	vst v0;
	v9 =	vmax.f32 v12, v9;
	v11 =	vld [tilespmem:s20+$0x180];
	v7 =	vsub.f32 v20, v17;
	v0 =	vsub.f32 v28, v27  }
0xd1: {  	v57 =	vld [tilespmem:$0x1180];
	[tilespmem:$0x1FE00] =	vst v9;
	v8 =	vsub.f32 v29, v21;
	v9 =	vmin.f32 v10, v35;
	v62 =	vmin.f32 v10, v47  }
0xd2: {  	[tilespmem:$0x1FE20] =	vst v15;
	v58 =	vmul.f32 v3, v2;
	v2 =	vsub.f32 v41, v31;
	v3 =	vsub.f32 v32, v38  }
0xd3: {  	[tilespmem:$0x1FE30] =	vst v29;
	v1 =	vmul.f32 v5, v1;
	v5 =	vsub.f32 v34, v33;
	v42 =	vmul.f32 v7, v6  }
0xd4: {  	v14 =	vld [tilespmem:s20+$0x80];
	[tilespmem:$0x1FE40] =	vst v54;
	v6 =	vsub.f32 v35, v48;
	v7 =	vsub.f32 v55, v52;
	v0 =	vmul.f32 v8, v0  }
0xd5: {  	v12 =	vmin.f32 v11, v55;
	v8 =	vsub.f32 v54, v43;
	[tilespmem:$0x1FDE0] =	vst v1;
	v1 =	vsub.f32 v50, v49  }
0xd6: {  	s22 =	simm.s32 $0x2C00;
	[tilespmem:$0x1FDF0] =	vst v0;
	v0 =	vsub.f32 v47, v57;
	v2 =	vmul.f32 v3, v2;
	v60 =	vmul.f32 v7, v6  }
0xd7: {  	v61 =	vld [tilespmem:s22+$0x0];
	[tilespmem:$0x1FE50] =	vst v20;
	v3 =	vmin.f32 v11, v20;
	v6 =	vmin.f32 v11, v32;
	v7 =	vmin.f32 v11, v34  }
0xd8: {  	[tilespmem:$0x1FE70] =	vst v34;
	v40 =	vmul.f32 v5, v1;
	v25 =	vmul.f32 v8, v0;
	v0 =	vmin.f32 v10, v15  }
0xd9: {  	[tilespmem:$0x1FE10] =	vst v2;
	v1 =	vld [tilespmem:s20+$0x0];
	v2 =	vmin.f32 v11, v29;
	v5 =	vmin.f32 v11, v54;
	v8 =	vmax.f32 v14, v33  }
0xda: {  	[tilespmem:$0x1FE90] =	vst v21;
	v15 =	vsub.f32 v7, v8;
	v7 =	vmax.f32 v14, v21;
	v8 =	vmax.f32 v14, v17  }
0xdb: {  	[tilespmem:$0x1FEA0] =	vst v17;
	v17 =	vsub.f32 v2, v7;
	v2 =	vmin.f32 v11, v16;
	v7 =	vmax.f32 v14, v13  }
0xdc: {  	[tilespmem:$0x1FEC0] =	vst v13;
	v20 =	vsub.f32 v3, v8;
	v8 =	vmin.f32 v11, v24;
	v11 =	vadd.f32 v61, v25  }
0xdd: {  	v45 =	vmovc v27;
	v37 =	vmovc v24;
	v21 =	vsub.f32 v2, v7;
	v2 =	vmax.f32 v14, v23;
	v63 =	vmax.f32 v17, $0.0e+00  }
0xde: {  	v56 =	vmovc v48;
	v17 =	vadd.f32 v61, v40;
	v7 =	vmax.f32 v1, v27;
	v3 =	vmax.f32 v1, v19  }
0xdf: {  	v44 =	vmovc v28;
	v36 =	vmovc v38;
	v21 =	vmax.f32 v21, $0.0e+00;
	v13 =	vsub.f32 v0, v3;
	v0 =	vmax.f32 v1, v48  }
0xe0: {  	v39 =	vmovc v31;
	v3 =	vsub.f32 v8, v2;
	v2 =	vmax.f32 v14, v43;
	v8 =	vmin.f32 v10, v41  }
0xe1: {  	[tilespmem:$0x1FEB0] =	vst v16;
	v54 =	vmovc v43;
	v43 =	vmovc v55;
	v55 =	vimm.f32 $0.0e+00;
	v16 =	vsub.f32 v9, v0;
	v0 =	vmin.f32 v10, v28  }
0xe2: {  	v46 =	vmovc v41;
	v9 =	vsub.f32 v5, v2;
	v2 =	vmin.f32 v10, v22;
	v5 =	vmax.f32 v1, v18  }
0xe3: {  	v28 =	vmovc v18;
	v0 =	vsub.f32 v0, v7;
	v7 =	vmax.f32 v14, v38;
	v18 =	vsub.f32 v2, v5  }
0xe4: {  	v53 =	vmovc v50;
	v51 =	vmovc v47;
	v2 =	vmax.f32 v14, v52;
	v14 =	vmax.f32 v1, v59;
	v5 =	vmax.f32 v20, $0.0e+00  }
0xe5: {  	[tilespmem:$0x1FED0] =	vst v35;
	v35 =	vmovc v52;
	v38 =	vmovc v59;
	v20 =	vmax.f32 v15, $0.0e+00;
	v59 =	vimm.f32 $0.0e+00;
	v15 =	vadd.f32 v61, v58  }
0xe6: {  	[tilespmem:$0x1FE80] =	vst v33;
	v34 =	vmovc v23;
	v47 =	vmovc v57;
	v52 =	vimm.f32 $0.0e+00;
	v6 =	vsub.f32 v6, v7;
	v7 =	vmax.f32 v1, v31  }
0xe7: {  	v33 =	vmovc v19;
	v19 =	vsub.f32 v8, v7;
	v7 =	vmax.f32 v1, v49;
	v8 =	vmin.f32 v10, v50  }
0xe8: {  	[tilespmem:$0x1FE60] =	vst v32;
	v48 =	vmovc v49;
	v31 =	vmovc v22;
	v50 =	vimm.f32 $0.0e+00;
	v49 =	vimm.f32 $0.0e+00;
	v22 =	vsub.f32 v8, v7  }
0xe9: {  	v29 =	vmovc v60;
	v32 =	vmovc v40;
	v7 =	vmin.f32 v10, v26;
	v8 =	vmax.f32 v1, v57;
	v1 =	vmax.f32 v0, $0.0e+00  }
0xea: {  	v30 =	vmovc v25;
	v40 =	vmovc v42;
	v10 =	vmax.f32 v6, $0.0e+00;
	v0 =	vadd.f32 v61, v42;
	v6 =	vadd.f32 v61, v60  }
0xeb: {  	s23 =	simm.s32 $0x1;
	s20 =	simm.s32 $0x0;
	v41 =	vmovc v26;
	v42 =	vmovc v58;
	v60 =	vimm.f32 $0.0e+00;
	v57 =	vimm.f32 $0.0e+00;
	v58 =	vimm.f32 $0.0e+00  }
.LBB2_4:
0xec: {  	v2 =	vsub.f32 v12, v2;
	v12 =	vmax.f32 v13, $0.0e+00;
	v3 =	vmax.f32 v3, $0.0e+00  }
0xed: {  	v7 =	vsub.f32 v7, v14;
	v18 =	vmax.f32 v18, $0.0e+00;
	v3 =	vmul.f32 v3, v12;
	v12 =	vld [tilespmem:$0x1FDE0]  }
0xee: {  	v8 =	vsub.f32 v62, v8;
	v13 =	vmax.f32 v22, $0.0e+00;
	v18 =	vmul.f32 v21, v18  }
0xef: {  	v13 =	vmul.f32 v20, v13;
	v7 =	vmax.f32 v7, $0.0e+00  }
0xf0: {  	v5 =	vmul.f32 v5, v7;
	v7 =	vmax.f32 v8, $0.0e+00;
	v8 =	vsub.f32 v15, v18;
	v15 =	vld [tilespmem:$0x1FDF0]  }
0xf1: {  	v23 =	vld [tilespmem:$0x1FE10];
	v17 =	vsub.f32 v17, v13  }
0xf2: {  	v12 =	vadd.f32 v61, v12  }
0xf3: {  	v1 =	vmul.f32 v63, v1;
	v16 =	vmax.f32 v16, $0.0e+00;
	(erf) = vrcp.f32 v17  }
0xf4: {  	v14 =	vmax.f32 v19, $0.0e+00;
	v9 =	vmax.f32 v9, $0.0e+00;
	v12 =	vsub.f32 v12, v3  }
0xf5: {  	v2 =	vmax.f32 v2, $0.0e+00;
	v10 =	vmul.f32 v10, v14;
	v15 =	vadd.f32 v61, v15  }
0xf6: {  	v23 =	vadd.f32 v61, v23;
	v0 =	vsub.f32 v0, v5;
	(erf) = vrcp.f32 v12  }
0xf7: {  	v2 =	vmul.f32 v2, v16;
	(erf) = vrcp.f32 v8;
	v8 =	vsub.f32 v15, v1  }
0xf8: {  	v7 =	vmul.f32 v9, v7;
	(erf) = vrcp.f32 v0;
	v0 =	vsub.f32 v23, v10  }
0xf9: {  	v6 =	vsub.f32 v6, v2;
	(erf) = vrcp.f32 v8  }
0xfa: {  	v8 =	vsub.f32 v11, v7;
	(erf) = vrcp.f32 v0  }
0xfb: {  	(erf) = vrcp.f32 v6  }
0xfc: {  	v0 =	vpop (erf);
	(erf) = vrcp.f32 v8;
	_ =	sdelay $0x1  }
0xfd: {  	s25 =	sshll.u32 s20, $0x7  }
0xfe: {  	s24 =	smov.u32 s23;
	s30 =	sand.u32 $0x3FFFFC00, s25;
	v8 =	vmul.f32 v0, v13;
	v6 =	vpop (erf)  }
0xff: {  	s20 =	smov.u32 s24;
	s24 =	sor.u32 s19, s30;
	v3 =	vmul.f32 v6, v3;
	v0 =	vpop (erf)  }
0x100: {  	[tilespmem:s24+$0x4500] =	vst v8;
	v59 =	vmax.f32 v59, v8;
	v8 =	vmul.f32 v0, v18;
	v6 =	vpop (erf)  }
0x101: {  	[tilespmem:s24+$0x4300] =	vst v3;
	v5 =	vmul.f32 v6, v5;
	v0 =	vpop (erf)  }
0x102: {  	[tilespmem:s24+$0x4280] =	vst v8;
	v0 =	vmul.f32 v0, v1;
	v1 =	vpop (erf)  }
0x103: {  	v60 =	vmax.f32 v60, v3;
	[tilespmem:s24+$0x4380] =	vst v5;
	v1 =	vmul.f32 v1, v10;
	v3 =	vpop (erf)  }
0x104: {  	[tilespmem:s24+$0x4400] =	vst v0;
	v55 =	vmax.f32 v55, v0;
	v0 =	vmul.f32 v3, v2;
	v2 =	vpop (erf)  }
0x105: {  	s21 =	sadd.s32 $0x10, s21;
	s31 =	sshll.u32 s20, $0x6;
	[tilespmem:s24+$0x4480] =	vst v1;
	v52 =	vmax.f32 v52, v1;
	v1 =	vmul.f32 v2, v7  }
0x106: {  	s19 =	sand.u32 $0x70, s21;
	s25 =	sand.u32 $0x3FFFFE00, s31;
	[tilespmem:s24+$0x4580] =	vst v0  }
0x107: {  	s25 =	sor.u32 s19, s25;
	v2 =	vld [tilespmem:$0x1FE20];
	[tilespmem:s24+$0x4600] =	vst v1  }
0x108: {  	v49 =	vmax.f32 v49, v1;
	v1 =	vld [tilespmem:s25+$0x100];
	_ =	sdelay $0x3  }
0x109: {  	v50 =	vmax.f32 v50, v0;
	v0 =	vld [tilespmem:s25+$0x180]  }
0x10a: {  	v9 =	vmin.f32 v1, v2;
	v2 =	vld [tilespmem:$0x1FE30];
	_ =	sdelay $0x4  }
0x10b: {  	v58 =	vmax.f32 v58, v5;
	v5 =	vmin.f32 v0, v2;
	v2 =	vld [tilespmem:$0x1FE40];
	_ =	sdelay $0x4  }
0x10c: {  	v10 =	vmin.f32 v0, v2;
	v2 =	vld [tilespmem:$0x1FE50];
	_ =	sdelay $0x4  }
0x10d: {  	v11 =	vmin.f32 v0, v2;
	v2 =	vld [tilespmem:$0x1FE60];
	_ =	sdelay $0x2  }
0x10e: {  	v57 =	vmax.f32 v57, v8;
	v8 =	vld [tilespmem:$0x1FE80]  }
0x10f: {  	v3 =	vld [tilespmem:s25+$0x80]  }
0x110: {  	v15 =	vmin.f32 v0, v2;
	v2 =	vld [tilespmem:$0x1FE70];
	_ =	sdelay $0x2  }
0x111: {  	v14 =	vld [tilespmem:$0x1FEA0];
	_ =	sdelay $0x1  }
0x112: {  	v6 =	vld [tilespmem:s25+$0x0];
	v8 =	vmax.f32 v3, v8;
	v2 =	vmin.f32 v0, v2  }
0x113: {  	v20 =	vsub.f32 v2, v8;
	v8 =	vld [tilespmem:$0x1FE90];
	_ =	sdelay $0x1  }
0x114: {  	s22 =	sadd.s32 $0x10, s22;
	v18 =	vmin.f32 v1, v31;
	v7 =	vmin.f32 v1, v41;
	v17 =	vmax.f32 v3, v14;
	v14 =	vld [tilespmem:$0x1FEC0]  }
0x115: {  	v61 =	vld [tilespmem:s22+$0x0];
	v62 =	vmin.f32 v1, v51;
	v19 =	vmax.f32 v3, v54;
	v12 =	vmin.f32 v0, v43  }
0x116: {  	v21 =	vmax.f32 v6, v39;
	v22 =	vmax.f32 v3, v36;
	v24 =	vmax.f32 v6, v28  }
0x117: {  	v25 =	vmax.f32 v6, v45;
	v26 =	vmax.f32 v6, v48;
	v13 =	vmax.f32 v3, v8;
	v8 =	vld [tilespmem:$0x1FED0]  }
0x118: {  	v27 =	vmin.f32 v1, v53;
	v18 =	vsub.f32 v18, v24;
	v5 =	vsub.f32 v5, v13;
	v13 =	vld [tilespmem:$0x1FEB0]  }
0x119: {  	v14 =	vmax.f32 v3, v14;
	v11 =	vsub.f32 v11, v17;
	v17 =	vmax.f32 v6, v56  }
0x11a: {  	v22 =	vsub.f32 v15, v22;
	v15 =	vadd.f32 v61, v42;
	v2 =	vmax.f32 v3, v35  }
0x11b: {  	v20 =	vmax.f32 v20, $0.0e+00;
	v3 =	vmax.f32 v3, v34;
	v63 =	vmax.f32 v5, $0.0e+00  }
0x11c: {  	v5 =	vmax.f32 v11, $0.0e+00;
	v11 =	vadd.f32 v61, v30;
	v16 =	vmin.f32 v1, v8  }
0x11d: {  	v8 =	vmax.f32 v6, v47;
	v13 =	vmin.f32 v0, v13;
	v16 =	vsub.f32 v16, v17  }
0x11e: {  	p0 =	sne.s32 s23, $0x27;
	v0 =	vmin.f32 v0, v37;
	v17 =	vadd.f32 v61, v32;
	v23 =	vsub.f32 v13, v14  }
.Ltmp1:
0x11f: {  	v14 =	vmax.f32 v6, v38;
	v13 =	vmax.f32 v6, v33;
	v3 =	vsub.f32 v0, v3;
	(pc) =	sbr.rel @p0 .LBB2_4-.Ltmp1, $4  }
0x120: {  	v6 =	vmin.f32 v1, v44;
	v0 =	vadd.f32 v61, v40;
	v13 =	vsub.f32 v9, v13  }
0x121: {  	v6 =	vsub.f32 v6, v25;
	v25 =	vmin.f32 v1, v46;
	v9 =	vsub.f32 v10, v19  }
0x122: {  	v10 =	vmax.f32 v22, $0.0e+00;
	v22 =	vsub.f32 v27, v26;
	v19 =	vsub.f32 v25, v21  }
0x123: {  	s23 =	sadd.s32 $0x1, s23;
	v21 =	vmax.f32 v23, $0.0e+00;
	v1 =	vmax.f32 v6, $0.0e+00;
	v6 =	vadd.f32 v61, v29  }
0x124: {  	v2 =	vsub.f32 v12, v2;
	v12 =	vmax.f32 v13, $0.0e+00;
	v3 =	vmax.f32 v3, $0.0e+00  }
0x125: {  	v3 =	vmul.f32 v3, v12;
	v12 =	vld [tilespmem:$0x1FDE0];
	_ =	sdelay $0x2  }
0x126: {  	v13 =	vmax.f32 v22, $0.0e+00  }
0x127: {  	v7 =	vsub.f32 v7, v14;
	v18 =	vmax.f32 v18, $0.0e+00;
	v13 =	vmul.f32 v20, v13  }
0x128: {  	v23 =	vld [tilespmem:$0x1FE10];
	v18 =	vmul.f32 v21, v18;
	v12 =	vadd.f32 v61, v12  }
0x129: {  	v7 =	vmax.f32 v7, $0.0e+00;
	v17 =	vsub.f32 v17, v13  }
0x12a: {  	v5 =	vmul.f32 v5, v7;
	v7 =	vsub.f32 v12, v3;
	v12 =	vsub.f32 v15, v18;
	v15 =	vld [tilespmem:$0x1FDF0]  }
0x12b: {  	v16 =	vmax.f32 v16, $0.0e+00;
	v14 =	vmax.f32 v19, $0.0e+00;
	(erf) = vrcp.f32 v17  }
0x12c: {  	v8 =	vsub.f32 v62, v8;
	v1 =	vmul.f32 v63, v1;
	(erf) = vrcp.f32 v7  }
0x12d: {  	v2 =	vmax.f32 v2, $0.0e+00;
	v23 =	vadd.f32 v61, v23;
	(erf) = vrcp.f32 v12  }
0x12e: {  	v0 =	vsub.f32 v0, v5;
	v7 =	vmax.f32 v9, $0.0e+00;
	v9 =	vmul.f32 v10, v14  }
0x12f: {  	v8 =	vmax.f32 v8, $0.0e+00;
	v2 =	vmul.f32 v2, v16;
	v15 =	vadd.f32 v61, v15  }
0x130: {  	v7 =	vmul.f32 v7, v8;
	(erf) = vrcp.f32 v0;
	v0 =	vsub.f32 v23, v9  }
0x131: {  	v6 =	vsub.f32 v6, v2;
	v10 =	vsub.f32 v15, v1  }
0x132: {  	v29 =	vld [tilespmem:$0x1FFC0];
	v8 =	vsub.f32 v11, v7  }
0x133: {  	v11 =	vld [tilespmem:$0x1FD80];
	(erf) = vrcp.f32 v10  }
0x134: {  	(erf) = vrcp.f32 v0;
	v0 =	vpop (erf)  }
0x135: {  	(erf) = vrcp.f32 v6;
	v6 =	vpop (erf)  }
0x136: {  	v31 =	vld [tilespmem:$0x1FFD0];
	(erf) = vrcp.f32 v8;
	v8 =	vpop (erf)  }
0x137: {  	v12 =	vmul.f32 v8, v18;
	v18 =	vld [tilespmem:$0x1FDD0]  }
0x138: {  	v10 =	vperm.xlane v11, v29  }
0x139: {  	v35 =	vld [tilespmem:$0x1FFE0];
	v3 =	vmul.f32 v6, v3;
	v6 =	vpop (erf)  }
0x13a: {  	v0 =	vmul.f32 v0, v13;
	v13 =	vmul.f32 v6, v5;
	v5 =	vmax.f32 v11, v10  }
0x13b: {  	v8 =	vperm.xlane v5, v31  }
0x13c: {  	v10 =	vperm.xlane v18, v29  }
0x13d: {  	v26 =	vld [tilespmem:$0x1FDB0];
	v5 =	vmax.f32 v5, v8  }
0x13e: {  	v8 =	vmax.f32 v18, v10;
	v10 =	vperm.xlane v5, v35;
	_ =	sdelay $0x1  }
0x13f: {  	v5 =	vmax.f32 v5, v10;
	v10 =	vld [tilespmem:$0x1FE00]  }
0x140: {  	v36 =	vld [tilespmem:$0x1FFF0];
	v6 =	vpop (erf)  }
0x141: {  	v24 =	vperm.xlane v26, v29;
	v23 =	vld [tilespmem:$0x1FDC0];
	v1 =	vmul.f32 v6, v1;
	v6 =	vpop (erf)  }
0x142: {  	v17 =	vmul.f32 v6, v9;
	v6 =	vpop (erf);
	v19 =	vperm.xlane v8, v31  }
0x143: {  	v25 =	vld [tilespmem:$0x1FD90];
	v24 =	vmax.f32 v26, v24;
	v15 =	vmax.f32 v59, v0;
	v9 =	vpop (erf);
	v2 =	vmul.f32 v6, v2  }
0x144: {  	v21 =	vmul.f32 v9, v7;
	v6 =	vmax.f32 v8, v19;
	v7 =	vperm.xlane v10, v29  }
0x145: {  	v11 =	vmax.f32 v60, v3;
	v8 =	vperm.xlane v5, v36;
	v9 =	vperm.xlane v6, v35  }
0x146: {  	v14 =	vmax.f32 v57, v12;
	v7 =	vmax.f32 v10, v7;
	v10 =	vperm.xlane v23, v29  }
0x147: {  	v5 =	vmax.f32 v5, v8;
	v6 =	vmax.f32 v6, v9;
	v8 =	vperm.xlane v7, v31  }
0x148: {  	v9 =	vperm.xlane v6, v36;
	v10 =	vmax.f32 v23, v10;
	v23 =	vperm.xlane v25, v29  }
0x149: {  	v28 =	vld [tilespmem:$0x1FDA0];
	v16 =	vmax.f32 v58, v13;
	v7 =	vmax.f32 v7, v8;
	v8 =	vperm.xlane v10, v31  }
0x14a: {  	v6 =	vmax.f32 v6, v9;
	v9 =	vperm.xlane v7, v35;
	v23 =	vmax.f32 v25, v23  }
0x14b: {  	v25 =	vperm.xlane v24, v31;
	v8 =	vmax.f32 v10, v8;
	v10 =	vperm.xlane v23, v31  }
0x14c: {  	v18 =	vmax.f32 v55, v1;
	v7 =	vmax.f32 v7, v9;
	v9 =	vperm.xlane v8, v35  }
0x14d: {  	v30 =	vld [tilespmem:$0x1FD70];
	v24 =	vmax.f32 v24, v25;
	v26 =	vperm.xlane v7, v36;
	v10 =	vmax.f32 v23, v10  }
0x14e: {  	v23 =	vperm.xlane v28, v29;
	v27 =	vperm.xlane v24, v35;
	v8 =	vmax.f32 v8, v9  }
0x14f: {  	v20 =	vmax.f32 v52, v17;
	v9 =	vperm.xlane v10, v35;
	v25 =	vperm.xlane v8, v36  }
0x150: {  	s20 =	sshll.u32 s20, $0x7;
	v23 =	vmax.f32 v28, v23;
	v7 =	vmax.f32 v7, v26;
	v24 =	vmax.f32 v24, v27  }
0x151: {  	s20 =	sand.u32 $0x3FFFFC00, s20;
	v28 =	vperm.xlane v14, v29;
	v9 =	vmax.f32 v10, v9;
	v10 =	vperm.xlane v23, v31  }
0x152: {  	s19 =	sor.u32 s19, s20;
	v27 =	vperm.xlane v30, v29;
	v8 =	vmax.f32 v8, v25;
	v25 =	vperm.xlane v9, v36  }
0x153: {  	[tilespmem:s19+$0x4500] =	vst v0;
	v26 =	vperm.xlane v24, v36;
	v14 =	vmax.f32 v14, v28;
	v23 =	vmax.f32 v23, v10  }
0x154: {  	[tilespmem:s19+$0x4300] =	vst v3;
	v28 =	vperm.xlane v14, v31;
	v9 =	vmax.f32 v9, v25;
	v25 =	vperm.xlane v23, v35  }
0x155: {  	[tilespmem:s19+$0x4280] =	vst v12;
	v10 =	vmax.f32 v24, v26;
	v24 =	vmax.f32 v30, v27;
	v26 =	vperm.xlane v11, v29  }
0x156: {  	[tilespmem:s19+$0x4380] =	vst v13;
	v14 =	vmax.f32 v14, v28;
	v23 =	vmax.f32 v23, v25;
	v25 =	vperm.xlane v24, v31  }
0x157: {  	[tilespmem:s19+$0x4400] =	vst v1;
	v19 =	vmax.f32 v50, v2;
	v26 =	vmax.f32 v11, v26;
	v12 =	vperm.xlane v14, v35  }
0x158: {  	s28 =	simm.s32 $0x0;
	s21 =	simm.s32 $0x0;
	[tilespmem:s19+$0x4480] =	vst v17;
	v27 =	vperm.xlane v23, v36;
	v0 =	vmax.f32 v24, v25;
	v24 =	vperm.xlane v26, v31  }
0x159: {  	s22 =	sand.u32 $0x70, s28;
	s29 =	sand.u32 $0x3FFFFC00, s21;
	[tilespmem:s19+$0x4580] =	vst v2;
	v25 =	vperm.xlane v16, v29;
	v12 =	vmax.f32 v14, v12;
	v3 =	vperm.xlane v0, v35  }
0x15a: {  	s30 =	sor.u32 s22, s29;
	[tilespmem:s19+$0x4600] =	vst v21;
	v14 =	vperm.xlane v18, v29;
	v11 =	vmax.f32 v23, v27;
	v23 =	vmax.f32 v26, v24  }
0x15b: {  	v16 =	vmax.f32 v16, v25;
	v24 =	vld [tilespmem:s30+$0x3200];
	v0 =	vmax.f32 v0, v3;
	v3 =	vperm.xlane v23, v35  }
0x15c: {  	v22 =	vmax.f32 v49, v21;
	v17 =	vperm.xlane v12, v36;
	v25 =	vld [tilespmem:s30+$0x4280];
	v13 =	vperm.xlane v16, v31  }
0x15d: {  	v18 =	vmax.f32 v18, v14;
	v1 =	vperm.xlane v0, v36;
	v3 =	vmax.f32 v23, v3  }
0x15e: {  	v16 =	vmax.f32 v16, v13;
	v13 =	vmax.f32 v12, v17;
	v17 =	vperm.xlane v15, v29  }
0x15f: {  	v2 =	vperm.xlane v3, v36;
	v23 =	vperm.xlane v16, v35;
	v14 =	vmax.f32 v0, v1  }
0x160: {  	v0 =	vperm.xlane v18, v31;
	v15 =	vmax.f32 v15, v17;
	vm8 =	veq.f32 v24, v14  }
0x161: {  	v26 =	vld [tilespmem:s30+$0x4300];
	vm9 =	veq.f32 v25, v13;
	v12 =	vmax.f32 v3, v2;
	v1 =	vmax.f32 v16, v23  }
0x162: {  	v2 =	vperm.xlane v20, v29;
	v0 =	vmax.f32 v18, v0;
	v16 =	vperm.xlane v22, v29  }
0x163: {  	v18 =	vperm.xlane v19, v29;
	v43 =	vsel vm9, $0x100, v4;
	v3 =	vperm.xlane v1, v36  }
0x164: {  	v23 =	vld [tilespmem:s30+$0x3180];
	v2 =	vmax.f32 v20, v2;
	v20 =	vperm.xlane v0, v35;
	v16 =	vmax.f32 v22, v16  }
0x165: {  	v17 =	vmax.f32 v19, v18;
	v19 =	vperm.xlane v15, v31;
	v21 =	vperm.xlane v2, v31  }
0x166: {  	vm4 =	veq.f32 v26, v12;
	v18 =	vperm.xlane v16, v31;
	v0 =	vmax.f32 v0, v20  }
0x167: {  	v34 =	vld [tilespmem:s30+$0x4600];
	v15 =	vmax.f32 v15, v19;
	v2 =	vmax.f32 v2, v21;
	v21 =	vperm.xlane v17, v31  }
0x168: {  	v30 =	vld [tilespmem:s30+$0x4400];
	v16 =	vmax.f32 v16, v18;
	v19 =	vperm.xlane v15, v35;
	v20 =	vperm.xlane v2, v35  }
0x169: {  	v33 =	vld [tilespmem:s30+$0x4580];
	vm7 =	veq.f32 v23, v11;
	v18 =	vperm.xlane v16, v35;
	v17 =	vmax.f32 v17, v21  }
0x16a: {  	v28 =	vld [tilespmem:s30+$0x4380];
	v21 =	vperm.xlane v0, v36;
	v2 =	vmax.f32 v2, v20;
	v20 =	vperm.xlane v17, v35  }
0x16b: {  	v29 =	vld [tilespmem:s30+$0x4480];
	v27 =	vmax.f32 v15, v19;
	v16 =	vmax.f32 v16, v18;
	v22 =	vperm.xlane v2, v36  }
0x16c: {  	v32 =	vld [tilespmem:s30+$0x4500];
	v15 =	vperm.xlane v16, v36;
	v19 =	vmax.f32 v0, v21;
	v31 =	vmax.f32 v17, v20  }
0x16d: {  	v60 =	vld [tilespmem:s30+$0x3080];
	v20 =	vmax.f32 v1, v3;
	v1 =	vperm.xlane v27, v36;
	vm6 =	veq.f32 v30, v19  }
0x16e: {  	v0 =	vld [tilespmem:s30+$0x3000];
	v3 =	vperm.xlane v31, v36;
	v18 =	vmax.f32 v2, v22;
	v15 =	vmax.f32 v16, v15  }
0x16f: {  	v59 =	vld [tilespmem:s30+$0x3100];
	vm5 =	veq.f32 v28, v20;
	v42 =	vsel vm6, $0x800, v4;
	v17 =	vmax.f32 v27, v1  }
0x170: {  	v2 =	vld [tilespmem:s30+$0x2E80];
	vm0 =	veq.f32 v34, v15;
	vm1 =	veq.f32 v29, v18;
	v41 =	vsel vm5, $0x400, v4  }
0x171: {  	v1 =	vld [tilespmem:s30+$0x2F80];
	v27 =	vsel vm8, $0x80, v4;
	v16 =	vmax.f32 v31, v3;
	vm2 =	veq.f32 v32, v17  }
0x172: {  	v3 =	vld [tilespmem:s30+$0x2F00];
	v37 =	vsel vm0, $0x8000, v4;
	v38 =	vsel vm1, $0x1000, v4;
	vm1 =	veq.f32 v60, v9  }
0x173: {  	v31 =	vsel vm4, $0x200, v4;
	vm3 =	veq.f32 v33, v16;
	vm0 =	veq.f32 v0, v8  }
0x174: {  	v39 =	vsel vm2, $0x2000, v4;
	vm2 =	veq.f32 v59, v10;
	v44 =	vsel vm1, $0x10, v4  }
0x175: {  	v40 =	vsel vm3, $0x4000, v4;
	v21 =	vsel vm0, $0x8, v4;
	vm3 =	veq.f32 v2, v5  }
0x176: {  	v45 =	vsel vm2, $0x20, v4;
	vm5 =	veq.f32 v1, v7;
	v22 =	vsel vm3, $0x1, v4  }
0x177: {  	vm4 =	veq.f32 v3, v6;
	vm6 =	vgt.f32 v3, v2;
	v2 =	vmax.f32 v2, v3  }
0x178: {  	v3 =	vsel vm7, $0x40, v4;
	v47 =	vsel vm5, $0x4, v4;
	v46 =	vsel vm4, $0x2, v4  }
0x179: {  	v48 =	vsel vm6, $0x1, v4;
	vm0 =	vgt.f32 v1, v2;
	v1 =	vmax.f32 v2, v1  }
0x17a: {  	v2 =	vor.u32 v22, v46;
	v22 =	vsel vm0, $0x2, v48;
	vm0 =	vgt.f32 v0, v1  }
0x17b: {  	v0 =	vmax.f32 v1, v0;
	v2 =	vor.u32 v47, v2;
	v22 =	vsel vm0, $0x3, v22  }
0x17c: {  	s31 =	simm.s32 $0x80;
	s21 =	simm.s32 $0x10;
	vm0 =	vgt.f32 v60, v0;
	v0 =	vmax.f32 v0, v60;
	v1 =	vor.u32 v21, v2  }
0x17d: {  	s20 =	sand.u32 $0x3FFFFC00, s31;
	s19 =	sand.u32 $0x70, s21;
	v2 =	vsel vm0, $0x4, v22;
	vm0 =	vgt.f32 v59, v0;
	v0 =	vmax.f32 v0, v59  }
0x17e: {  	s20 =	sor.u32 s19, s20;
	v1 =	vor.u32 v44, v1;
	v2 =	vsel vm0, $0x5, v2;
	v35 =	vmax.f32 v0, v23  }
0x17f: {  	v62 =	vld [tilespmem:s20+$0x2E80];
	vm0 =	vgt.f32 v23, v0;
	v1 =	vor.u32 v45, v1;
	vm1 =	vgt.f32 v24, v35  }
0x180: {  	v63 =	vld [tilespmem:s20+$0x2F00];
	v2 =	vsel vm0, $0x6, v2;
	v0 =	vor.u32 v3, v1;
	v1 =	vmax.f32 v35, v24  }
0x181: {  	v22 =	vld [tilespmem:$0x2A00];
	v2 =	vsel vm1, $0x7, v2;
	vm0 =	vgt.f32 v25, v1;
	v1 =	vmax.f32 v1, v25  }
0x182: {  	v21 =	vld [tilespmem:$0x2A80];
	v0 =	vor.u32 v27, v0;
	vm1 =	vgt.f32 v26, v1;
	v1 =	vmax.f32 v1, v26  }
0x183: {  	v25 =	vld [tilespmem:s20+$0x4600];
	v0 =	vor.u32 v43, v0;
	v2 =	vsel vm0, $0x8, v2;
	vm2 =	vgt.f32 v28, v1  }
0x184: {  	v27 =	vld [tilespmem:s20+$0x4500];
	v0 =	vor.u32 v31, v0;
	v1 =	vmax.f32 v1, v28;
	v2 =	vsel vm1, $0x9, v2  }
0x185: {  	v23 =	vld [tilespmem:$0x2B00];
	vm0 =	vgt.f32 v30, v1;
	v1 =	vmax.f32 v1, v30;
	v2 =	vsel vm2, $0xA, v2  }
0x186: {  	v26 =	vld [tilespmem:s20+$0x4580];
	v0 =	vor.u32 v41, v0;
	vm1 =	vgt.f32 v29, v1;
	v1 =	vmax.f32 v1, v29  }
0x187: {  	v28 =	vld [tilespmem:s20+$0x4480];
	v0 =	vor.u32 v42, v0;
	v2 =	vsel vm0, $0xB, v2;
	vm2 =	vgt.f32 v32, v1  }
0x188: {  	v31 =	vld [tilespmem:s20+$0x4300];
	v0 =	vor.u32 v38, v0;
	v1 =	vmax.f32 v1, v32;
	v2 =	vsel vm1, $0xC, v2  }
0x189: {  	v44 =	vld [tilespmem:s20+$0x2F80];
	vm3 =	veq.f32 v25, v15;
	vm5 =	veq.f32 v27, v17;
	vm0 =	vgt.f32 v33, v1  }
0x18a: {  	v30 =	vld [tilespmem:s20+$0x4400];
	v1 =	vmax.f32 v1, v33;
	v2 =	vsel vm2, $0xD, v2;
	v0 =	vor.u32 v39, v0  }
0x18b: {  	v41 =	vld [tilespmem:s20+$0x3000];
	vm6 =	veq.f32 v26, v16;
	vm1 =	vgt.f32 v34, v1;
	v1 =	vmax.f32 v1, v34  }
0x18c: {  	v24 =	vld [tilespmem:$0x2B80];
	v0 =	vor.u32 v40, v0;
	v2 =	vsel vm0, $0xE, v2;
	vm4 =	veq.f32 v28, v18  }
0x18d: {  	v35 =	vld [tilespmem:s20+$0x3180];
	vm7 =	veq.f32 v31, v12;
	v34 =	vsel vm3, $0x8000, v4;
	v36 =	vsel vm6, $0x4000, v4  }
0x18e: {  	v29 =	vld [tilespmem:s20+$0x4380];
	vm6 =	veq.f32 v62, v5;
	vm2 =	vge.f32 v1, $6.999999880e-01;
	vm0 =	vlt.f32 v1, $3.000000120e-01  }
0x18f: {  	v32 =	vld [tilespmem:s20+$0x4280];
	v2 =	vsel vm1, $0xF, v2;
	v0 =	vor.u32 v37, v0;
	vm9 =	veq.f32 v30, v19  }
0x190: {  	v38 =	vld [tilespmem:s20+$0x3100];
	vm3 =	veq.f32 v41, v8;
	v39 =	vsel vm4, $0x1000, v4;
	v1 =	vsel vm2, $0x20000, v4  }
0x191: {  	s23 =	simm.s32 $0x0;
	v33 =	vld [tilespmem:s20+$0x3200];
	v37 =	vsel vm5, $0x2000, v4;
	v2 =	vnsel vm2, $0x0, v2;
	v1 =	vsel vm0, $0x10000, v1  }
0x192: {  	s23 =	sand.u32 $0x3FFFFE00, s23;
	v40 =	vld [tilespmem:s20+$0x3080];
	s20 =	simm.s32 $0x5680;
	v45 =	vsel vm7, $0x200, v4;
	v3 =	vperm.xlane v24, v2;
	v0 =	vor.u32 v1, v0  }
0x193: {  	s23 =	sor.u32 s22, s23;
	vm7 =	veq.f32 v63, v6;
	vm8 =	veq.f32 v29, v20;
	v1 =	vperm.xlane v22, v2;
	[tilespmem:s20+$0x0] =	vst v0  }
0x194: {  	v42 =	vsel vm9, $0x800, v4;
	vm9 =	vgt.f32 v63, v62;
	v61 =	vperm.xlane v21, v2;
	[tilespmem:s23+$0x5A80] =	vst v3  }
0x195: {  	vm0 =	veq.f32 v35, v11;
	vm2 =	veq.f32 v32, v13;
	v2 =	vperm.xlane v23, v2;
	[tilespmem:s23+$0x5900] =	vst v1  }
0x196: {  	vm5 =	veq.f32 v38, v10;
	v43 =	vsel vm8, $0x400, v4;
	vm8 =	veq.f32 v44, v7;
	[tilespmem:s23+$0x5980] =	vst v61  }
0x197: {  	s22 =	simm.s32 $0x1;
	vm1 =	veq.f32 v33, v14;
	vm4 =	veq.f32 v40, v9;
	v0 =	vmax.f32 v62, v63;
	[tilespmem:s23+$0x5A00] =	vst v2;
	s23 =	simm.s32 $0x2  }
.LBB2_6:
0x198: {  	v1 =	vsel vm0, $0x40, v4;
	v2 =	vsel vm1, $0x80, v4  }
0x199: {  	v3 =	vsel vm2, $0x100, v4;
	v46 =	vsel vm3, $0x8, v4;
	v47 =	vsel vm4, $0x10, v4  }
0x19a: {  	v48 =	vsel vm5, $0x20, v4;
	v49 =	vsel vm6, $0x1, v4;
	v50 =	vsel vm7, $0x2, v4  }
0x19b: {  	v51 =	vsel vm8, $0x4, v4;
	v52 =	vsel vm9, $0x1, v4;
	vm0 =	vgt.f32 v44, v0  }
0x19c: {  	v0 =	vmax.f32 v0, v44;
	v62 =	vor.u32 v49, v50;
	v63 =	vsel vm0, $0x2, v52  }
0x19d: {  	vm0 =	vgt.f32 v41, v0;
	v0 =	vmax.f32 v0, v41;
	v44 =	vor.u32 v51, v62  }
0x19e: {  	v49 =	vsel vm0, $0x3, v63;
	vm0 =	vgt.f32 v40, v0;
	v0 =	vmax.f32 v0, v40  }
0x19f: {  	v62 =	vimm.s32 $0x0;
	v46 =	vor.u32 v46, v44;
	v50 =	vsel vm0, $0x4, v49  }
0x1a0: {  	s25 =	sshll.u32 s23, $0x7;
	s21 =	sadd.s32 $0x10, s21;
	vm0 =	vgt.f32 v38, v0;
	v0 =	vmax.f32 v0, v38;
	v51 =	vor.u32 v47, v46  }
0x1a1: {  	s24 =	sand.u32 $0x70, s21;
	s25 =	sand.u32 $0x3FFFFC00, s25;
	v40 =	vsel vm0, $0x5, v50;
	v52 =	vmax.f32 v0, v35;
	vm0 =	vgt.f32 v35, v0  }
0x1a2: {  	s25 =	sor.u32 s24, s25;
	v38 =	vor.u32 v48, v51;
	vm1 =	vgt.f32 v33, v52;
	v53 =	vmax.f32 v52, v33  }
0x1a3: {  	v54 =	vld [tilespmem:s25+$0x4580];
	v35 =	vsel vm0, $0x6, v40;
	v1 =	vor.u32 v1, v38;
	vm0 =	vgt.f32 v32, v53  }
0x1a4: {  	v57 =	vld [tilespmem:s25+$0x4500];
	v55 =	vmax.f32 v53, v32;
	v56 =	vsel vm1, $0x7, v35;
	v1 =	vor.u32 v2, v1  }
0x1a5: {  	v58 =	vld [tilespmem:s25+$0x4480];
	vm1 =	vgt.f32 v31, v55;
	v2 =	vmax.f32 v55, v31;
	v1 =	vor.u32 v3, v1  }
0x1a6: {  	v59 =	vld [tilespmem:s25+$0x4400];
	vm2 =	vgt.f32 v29, v2;
	v3 =	vsel vm0, $0x8, v56;
	v2 =	vmax.f32 v2, v29  }
0x1a7: {  	v41 =	vld [tilespmem:s25+$0x3000];
	v1 =	vor.u32 v45, v1;
	v3 =	vsel vm1, $0x9, v3;
	vm0 =	vgt.f32 v30, v2  }
0x1a8: {  	v0 =	vld [tilespmem:s25+$0x4600];
	v2 =	vmax.f32 v2, v30;
	v3 =	vsel vm2, $0xA, v3;
	v1 =	vor.u32 v43, v1  }
0x1a9: {  	v44 =	vld [tilespmem:s25+$0x2F80];
	vm1 =	vgt.f32 v28, v2;
	v2 =	vmax.f32 v2, v28;
	v1 =	vor.u32 v42, v1  }
0x1aa: {  	v61 =	vld [tilespmem:s25+$0x2F00];
	vm2 =	vgt.f32 v27, v2;
	v3 =	vsel vm0, $0xB, v3;
	v2 =	vmax.f32 v2, v27  }
0x1ab: {  	v33 =	vld [tilespmem:s25+$0x3200];
	v1 =	vor.u32 v39, v1;
	v3 =	vsel vm1, $0xC, v3;
	vm0 =	vgt.f32 v26, v2  }
0x1ac: {  	v40 =	vld [tilespmem:s25+$0x3080];
	v2 =	vmax.f32 v2, v26;
	v3 =	vsel vm2, $0xD, v3;
	v1 =	vor.u32 v37, v1  }
0x1ad: {  	v32 =	vld [tilespmem:s25+$0x4280];
	vm1 =	vgt.f32 v25, v2;
	v2 =	vmax.f32 v2, v25;
	v25 =	vmovc v0;
	v0 =	vor.u32 v36, v1  }
0x1ae: {  	v35 =	vld [tilespmem:s25+$0x3180];
	vm2 =	vge.f32 v2, $6.999999880e-01;
	v1 =	vsel vm0, $0xE, v3;
	vm0 =	vlt.f32 v2, $3.000000120e-01  }
0x1af: {  	v38 =	vld [tilespmem:s25+$0x3100];
	v2 =	vsel vm2, $0x20000, v4;
	v1 =	vsel vm1, $0xF, v1;
	v0 =	vor.u32 v34, v0  }
0x1b0: {  	v31 =	vld [tilespmem:s25+$0x4300];
	v2 =	vsel vm0, $0x10000, v2;
	v1 =	vnsel vm2, $0x0, v1;
	vm0 =	veq.f32 v25, v15  }
0x1b1: {  	s26 =	sshll.u32 s22, $0x6;
	s20 =	sadd.s32 $0x10, s20;
	v29 =	vld [tilespmem:s25+$0x4380];
	v0 =	vor.u32 v2, v0;
	v2 =	vperm.xlane v22, v1;
	v60 =	vperm.xlane v24, v1  }
0x1b2: {  	s26 =	sand.u32 $0x3FFFFE00, s26;
	v3 =	vld [tilespmem:s25+$0x2E80];
	v37 =	vsel vm0, $0xFFFFFFFF, v62;
	[tilespmem:s20+$0x0] =	vst v0;
	v0 =	vperm.xlane v21, v1;
	v1 =	vperm.xlane v23, v1  }
0x1b3: {  	s31 =	sor.u32 s19, s26;
	[tilespmem:$0x1FD50] =	vst v37  }
0x1b4: {  	[tilespmem:s31+$0x5A00] =	vst v1;
	v1 =	vld [tilespmem:$0x1FD50]  }
0x1b5: {  	v28 =	vmov v58  }
0x1b6: {  	v63 =	vimm.s32 $0x0;
	vm0 =	veq.f32 v28, v18  }
0x1b7: {  	vm3 =	veq.f32 v41, v8;
	v30 =	vmov v59;
	v37 =	vsel vm0, $0xFFFFFFFF, v63  }
0x1b8: {  	vm7 =	veq.f32 v61, v6;
	vm8 =	veq.f32 v44, v7;
	vm10 =	veq.f32 v30, v19;
	[tilespmem:$0x1FD60] =	vst v37  }
0x1b9: {  	vm4 =	veq.f32 v40, v9;
	v27 =	vmovc v57;
	vm5 =	veq.f32 v38, v10;
	vm11 =	vnez.u8 v1;
	v1 =	vld [tilespmem:$0x1FD60]  }
0x1ba: {  	p0 =	sne.s32 s23, $0x27;
	v42 =	vsel vm10, $0x800, v4;
	v26 =	vmovc v54;
	vm12 =	veq.f32 v27, v17;
	vm14 =	veq.f32 v31, v12  }
.Ltmp2:
0x1bb: {  	vm13 =	veq.f32 v26, v16;
	vm15 =	veq.f32 v29, v20;
	v45 =	vsel vm14, $0x200, v4;
	(pc) =	sbr.rel @p0 .LBB2_6-.Ltmp2, $4  }
0x1bc: {  	v36 =	vsel vm13, $0x4000, v4;
	v43 =	vsel vm15, $0x400, v4;
	vm1 =	veq.f32 v33, v14  }
0x1bd: {  	vm2 =	veq.f32 v32, v13;
	vm0 =	veq.f32 v35, v11;
	[tilespmem:s31+$0x5A80] =	vst v60;
	vm6 =	veq.f32 v3, v5  }
0x1be: {  	[tilespmem:s31+$0x5900] =	vst v2;
	vm9 =	vgt.f32 v61, v3;
	v34 =	vsel vm11, $0x8000, v4;
	vm11 =	vnez.u8 v1  }
0x1bf: {  	s22 =	smov.u32 s23;
	s23 =	sadd.s32 $0x1, s23;
	s19 =	smov.u32 s24;
	v37 =	vsel vm12, $0x2000, v4;
	[tilespmem:s31+$0x5980] =	vst v0;
	v0 =	vmax.f32 v3, v61;
	v39 =	vsel vm11, $0x1000, v4  }
0x1c0: {  	v1 =	vsel vm0, $0x40, v4;
	v2 =	vsel vm1, $0x80, v4  }
0x1c1: {  	v3 =	vsel vm2, $0x100, v4;
	v46 =	vsel vm3, $0x8, v4;
	v47 =	vsel vm4, $0x10, v4  }
0x1c2: {  	v48 =	vsel vm5, $0x20, v4;
	v49 =	vsel vm6, $0x1, v4;
	v50 =	vsel vm7, $0x2, v4  }
0x1c3: {  	v51 =	vsel vm8, $0x4, v4;
	v52 =	vsel vm9, $0x1, v4;
	vm9 =	vgt.f32 v44, v0  }
0x1c4: {  	v61 =	vmax.f32 v0, v44;
	v62 =	vor.u32 v49, v50;
	v63 =	vsel vm9, $0x2, v52  }
0x1c5: {  	vm10 =	vgt.f32 v41, v61;
	v0 =	vmax.f32 v61, v41;
	v44 =	vor.u32 v51, v62  }
0x1c6: {  	v49 =	vsel vm10, $0x3, v63;
	vm11 =	vgt.f32 v40, v0;
	v0 =	vmax.f32 v0, v40  }
0x1c7: {  	v50 =	vor.u32 v46, v44;
	v41 =	vsel vm11, $0x4, v49;
	vm12 =	vgt.f32 v38, v0  }
0x1c8: {  	v0 =	vmax.f32 v0, v38;
	vm11 =	vmmov $0x1;
	v51 =	vor.u32 v47, v50  }
0x1c9: {  	v52 =	vsel vm12, $0x5, v41;
	v53 =	vmax.f32 v0, v35;
	vm13 =	vgt.f32 v35, v0  }
0x1ca: {  	v38 =	vor.u32 v48, v51;
	vm14 =	vgt.f32 v33, v53;
	v55 =	vmax.f32 v53, v33  }
0x1cb: {  	v56 =	vsel vm13, $0x6, v52;
	vm13 =	vmmov $0x3;
	v54 =	vor.u32 v1, v38  }
0x1cc: {  	vm15 =	vgt.f32 v32, v55;
	v1 =	vmax.f32 v55, v32;
	v57 =	vsel vm14, $0x7, v56  }
0x1cd: {  	vm14 =	vmmov $0x7;
	v0 =	vor.u32 v2, v54;
	v58 =	vmax.f32 v1, v31  }
0x1ce: {  	vm4 =	vgt.f32 v31, v1;
	v59 =	vsel vm15, $0x8, v57;
	v0 =	vor.u32 v3, v0  }
0x1cf: {  	vm5 =	vgt.f32 v29, v58;
	v2 =	vmax.f32 v58, v29;
	v1 =	vsel vm4, $0x9, v59  }
0x1d0: {  	vm4 =	vmmov $0xf;
	v0 =	vor.u32 v45, v0;
	vm6 =	vgt.f32 v30, v2  }
0x1d1: {  	v2 =	vmax.f32 v2, v30;
	v1 =	vsel vm5, $0xA, v1;
	vm5 =	vmmov $0x1f  }
0x1d2: {  	v0 =	vor.u32 v43, v0;
	v3 =	vmax.f32 v2, v28;
	vm7 =	vgt.f32 v28, v2  }
0x1d3: {  	v1 =	vsel vm6, $0xB, v1;
	vm6 =	vmmov $0x3f;
	v0 =	vor.u32 v42, v0  }
0x1d4: {  	vm8 =	vgt.f32 v27, v3;
	v60 =	vmax.f32 v3, v27;
	v1 =	vsel vm7, $0xC, v1  }
0x1d5: {  	v3 =	vsel vm11, v5, v6;
	vm7 =	vmmov $0x7f;
	vm11 =	vmmov $0x7ff  }
0x1d6: {  	v0 =	vor.u32 v39, v0;
	vm9 =	vgt.f32 v26, v60;
	v2 =	vmax.f32 v60, v26  }
0x1d7: {  	v1 =	vsel vm8, $0xD, v1;
	v3 =	vsel vm13, v3, v7;
	vm8 =	vmmov $0xff  }
0x1d8: {  	vm10 =	vgt.f32 v25, v2;
	v2 =	vmax.f32 v2, v25;
	v61 =	vsel vm14, v3, v8  }
0x1d9: {  	vm12 =	vge.f32 v2, $6.999999880e-01;
	vm15 =	vlt.f32 v2, $3.000000120e-01;
	v2 =	vsel vm4, v61, v9  }
0x1da: {  	v0 =	vor.u32 v37, v0;
	v1 =	vsel vm9, $0xE, v1;
	v2 =	vsel vm5, v2, v10  }
0x1db: {  	vm9 =	vmmov $0x1ff;
	v0 =	vor.u32 v36, v0;
	v2 =	vsel vm6, v2, v11  }
0x1dc: {  	v1 =	vsel vm10, $0xF, v1;
	vm10 =	vmmov $0x3ff;
	v2 =	vsel vm7, v2, v14  }
0x1dd: {  	v3 =	vsel vm12, $0x20000, v4;
	v0 =	vor.u32 v34, v0;
	v2 =	vsel vm8, v2, v13  }
0x1de: {  	s21 =	sshll.u32 s22, $0x6;
	v1 =	vnsel vm12, $0x0, v1;
	v3 =	vsel vm15, $0x10000, v3;
	v2 =	vsel vm9, v2, v12  }
0x1df: {  	s20 =	sadd.s32 $0x10, s20;
	s21 =	sand.u32 $0x3FFFFE00, s21;
	v0 =	vor.u32 v3, v0;
	v3 =	vperm.xlane v24, v1;
	v2 =	vsel vm10, v2, v20  }
0x1e0: {  	s19 =	sor.u32 s19, s21;
	vm12 =	vmmov $0xfff;
	v5 =	vperm.xlane v22, v1;
	[tilespmem:s20+$0x0] =	vst v0;
	v62 =	vsel vm11, v2, v19  }
0x1e1: {  	vm13 =	vmmov $0x1fff;
	v63 =	vperm.xlane v21, v1;
	[tilespmem:s19+$0x5A80] =	vst v3;
	v0 =	vsel vm12, v62, v18  }
0x1e2: {  	vm14 =	vmmov $0x3fff;
	v1 =	vperm.xlane v23, v1;
	[tilespmem:s19+$0x5900] =	vst v5;
	v0 =	vsel vm13, v0, v17  }
0x1e3: {  	vm15 =	vmmov $0x7fff;
	[tilespmem:s19+$0x5980] =	vst v63;
	v0 =	vsel vm14, v0, v16  }
0x1e4: {  	[tilespmem:s19+$0x5A00] =	vst v1;
	v0 =	vsel vm15, v0, v15  }
0x1e5: {  	[tilespmem:$0x6300] =	vst v0  }
0x1e6: {  	[hbm4b:s6+s4] =	stream.linear.scatter [tilespmem:s15], [sflag:$0x1], $0x80, $0x38;
	[tilespmem:$0x6380] =	vst v63  }
0x1e7: {  	_ = 	snop  }
0x1e8: {  	[hbm4b:s7+s4] =	stream.linear.scatter [tilespmem:s16], [sflag:$0x2], $0x280, $0x38;
	[tilespmem:$0x6380] =	vst v63  }
0x1e9: {  	_ = 	snop  }
0x1ea: {  	[hbm4b:s8+s4] =	stream.linear.scatter [tilespmem:s17], [sflag:$0x3], $0xA00, $0x38;
	[tilespmem:$0x6380] =	vst v63  }
0x1eb: {  	_ =	swait.ge [sflag:s12], $0x280  }
0x1ec: {  	[sflag:s12] =	ssyncset.done $0x0  }
0x1ed: {  	s18 =	sadd.s32 $0x1, s18;
	[sflag:s12] =	ssyncadd.s32 $0xFFFFFD80  }
0x1ee: {  	p0 =	sne.s32 s18, s9;
	_ =	swait.ge [sflag:s14], $0x80  }
.Ltmp3:
0x1ef: {  	[sflag:s14] =	ssyncset.done $0x0;
	(pc) =	sbr.rel @p0 .LBB2_1-.Ltmp3, $4  }
0x1f0: {  	[sflag:s14] =	ssyncadd.s32 $0xFFFFFF80  }
0x1f1: {  	_ =	swait.ge [sflag:s13], $0xA00  }
0x1f2: {  	[sflag:s13] =	ssyncset.done $0x0  }
0x1f3: {  	[sflag:s13] =	ssyncadd.s32 $0xFFFFF600  }
0x1f4: {  	_ =	sfence.sel $0x180000  }
0x1f5: {  	[bflag:$0x0] =	sbarrier.arrive $0xFFFF  }
0x1f6: {  	p0 =	sne.s32 s3, $0x0;
	_ =	strace $0x90000047  }
0x1f7: {  	s0 =	sadd.s32 @!p0 $0x100000, s2;
	[bflag:$0x2] =	sbarrier.arrive $0xFFFF  }
0x1f8: {  	[sflag:s0] =	ssyncadd.tile.s32 @!p0 $0x1;
	_ =	shalt  }
.Lfunc_end2:
_tile_overlayer_lowered:
.L_overlay_start_2:
0x1f9: {  	(tag) =	ssettag $0x2  }
0x1fa: {  	s0 =	rddreg [dreg:$0x0];
	s2 =	stileid.u32  }
0x1fb: {  	s1 =	rddreg [dreg:$0x1];
	p0 =	sne.s32 s2, $0x0  }
0x1fc: {  	s3 =	rddreg [dreg:$0x2];
	[bflag:$0x3] =	sbarrier.arrive $0xFFFF;
	s2 =	simm.s32 @!p0 $0x1C04  }
0x1fd: {  	[timem:s3], [sflag:s2] =	dma.local @!p0 [hbm:s0], s1  }
0x1fe: {  	s0 =	simm.s32 @!p0 $0x4  }
0x1ff: {  	_ =	swait.ge @!p0 [sflag:s0], s1  }
0x200: {  	s1 =	ssub.s32 @!p0 $0x0, s1;
	[sflag:s0] =	ssyncset.done @!p0 $0x0  }
0x201: {  	[sflag:s0] =	ssyncadd.s32 @!p0 s1  }
0x202: {  	[bflag:$0x3] =	sbarrier.arrive $0xFFFF  }
0x203: {  	_ =	shalt  }

</sc_bundles>
